<compile_context>
chip_gen: v7x
topology: tpu7x:2x2x1
jax: 0.10.2.dev20260603
libtpu: 0.0.44.dev20260713+nightly
codegen_flags: <defaults>
</compile_context>

<pallas_src>
import functools

import jax
import jax.numpy as jnp
from jax import lax
from jax.experimental import pallas as pl
from jax.experimental.pallas import tpu as pltpu
from jax.experimental.pallas import tpu_sc as plsc

N_NODES = 10000
N_EDGES = 320000
D = 128

NC = 2
NS = 16
NW = NC * NS
K = 128
NCHUNK = 79
EPT = NCHUNK * K
E_PAD = NW * EPT
NPAD = 10112
ROWS_PER_SUB = NPAD // NS


def _sc_mesh():
    return plsc.VectorSubcoreMesh(core_axis_name="c", subcore_axis_name="s")


@functools.partial(
    pl.kernel,
    out_type=(
        jax.ShapeDtypeStruct((NC, NPAD, D), jnp.float32),
        jax.ShapeDtypeStruct((NW * NPAD,), jnp.float32),
    ),
    mesh=_sc_mesh(),
    scratch_types=[
        pltpu.VMEM_SHARED((NPAD, D), jnp.float32),
        pltpu.VMEM((K,), jnp.int32),
        pltpu.VMEM((K,), jnp.int32),
        pltpu.VMEM((K,), jnp.int32),
        pltpu.VMEM((K,), jnp.int32),
        pltpu.VMEM((K,), jnp.int32),
        pltpu.VMEM((K,), jnp.int32),
        pltpu.VMEM((K,), jnp.int32),
        pltpu.VMEM((K,), jnp.int32),
        pltpu.VMEM((K, D), jnp.float32),
        pltpu.VMEM((K, D), jnp.float32),
        pltpu.VMEM((NPAD,), jnp.float32),
        pltpu.SemaphoreType.DMA,
        pltpu.SemaphoreType.DMA,
        pltpu.SemaphoreType.DMA,
        pltpu.SemaphoreType.DMA,
        pltpu.SemaphoreType.DMA,
        pltpu.SemaphoreType.DMA,
    ],
    compiler_params=pltpu.CompilerParams(needs_layout_passes=False),
)
def _aggregate(feat_hbm, srcf_hbm, dstf_hbm, z1_hbm,
               agg_hbm, deg_hbm,
               agg_sh, s0, s1, s2, s3, d0, d1, d2, d3, rows_a, rows_b,
               deg_v, ra, rb, i0, i1, i2, i3):
    srcs = (s0, s1, s2, s3)
    dsts = (d0, d1, d2, d3)
    isem = (i0, i1, i2, i3)
    c = lax.axis_index("c")
    s = lax.axis_index("s")
    wid = s * NC + c
    row0 = pl.multiple_of(s * ROWS_PER_SUB, 8)
    ebase = wid * EPT

    pltpu.sync_copy(z1_hbm, deg_v)
    zv = jnp.zeros((16,), jnp.float32)

    def zrow_body(r, _):
        for i in range(D // 16):
            rows_a[r, pl.ds(i * 16, 16)] = zv
        return 0

    lax.fori_loop(0, K, zrow_body, 0)
    for kk in range(ROWS_PER_SUB // K):
        pltpu.sync_copy(rows_a, agg_sh.at[pl.ds(row0 + kk * K, K)])
    rem = ROWS_PER_SUB % K
    pltpu.sync_copy(
        rows_a.at[pl.ds(0, rem)],
        agg_sh.at[pl.ds(row0 + (ROWS_PER_SUB // K) * K, rem)])
    plsc.subcore_barrier()

    ones = jnp.ones((16,), jnp.float32)

    def fetch(j, q):
        off = pl.multiple_of(ebase + j * K, 8)
        pltpu.async_copy(srcf_hbm.at[pl.ds(off, K)], srcs[q], isem[q])
        pltpu.async_copy(dstf_hbm.at[pl.ds(off, K)], dsts[q], isem[q])

    def fetch_wait(j, q):
        off = pl.multiple_of(ebase + j * K, 8)
        pltpu.make_async_copy(srcf_hbm.at[pl.ds(off, K)], srcs[q],
                              isem[q]).wait()
        pltpu.make_async_copy(dstf_hbm.at[pl.ds(off, K)], dsts[q],
                              isem[q]).wait()

    def gather(q, rows, sem):
        pltpu.async_copy(feat_hbm.at[srcs[q]], rows, sem)

    def drain(q, rows, sem):
        pltpu.make_async_copy(feat_hbm.at[srcs[0]], rows, sem).wait()
        pltpu.sync_copy(rows, agg_sh.at[dsts[q]], add=True)
        for i in range(K // 16):
            plsc.addupdate_scatter(deg_v, [dsts[q][pl.ds(i * 16, 16)]],
                                   ones)

    for q in range(4):
        fetch(q, q)
    fetch_wait(0, 0)
    gather(0, rows_a, ra)
    fetch_wait(1, 1)
    gather(1, rows_b, rb)

    def four_chunks(g, _):
        j = 4 * g
        fetch_wait(j + 2, 2)
        drain(0, rows_a, ra)
        fetch(j + 4, 0)
        gather(2, rows_a, ra)
        fetch_wait(j + 3, 3)
        drain(1, rows_b, rb)
        fetch(j + 5, 1)
        gather(3, rows_b, rb)
        fetch_wait(j + 4, 0)
        drain(2, rows_a, ra)
        fetch(j + 6, 2)
        gather(0, rows_a, ra)
        fetch_wait(j + 5, 1)
        drain(3, rows_b, rb)
        fetch(j + 7, 3)
        gather(1, rows_b, rb)
        return 0

    lax.fori_loop(0, (NCHUNK - 7) // 4, four_chunks, 0)
    n7 = NCHUNK - 7
    fetch_wait(n7 + 2, 2)
    drain(0, rows_a, ra)
    fetch(n7 + 4, 0)
    gather(2, rows_a, ra)
    fetch_wait(n7 + 3, 3)
    drain(1, rows_b, rb)
    fetch(n7 + 5, 1)
    gather(3, rows_b, rb)
    fetch_wait(n7 + 4, 0)
    drain(2, rows_a, ra)
    fetch(n7 + 6, 2)
    gather(0, rows_a, ra)
    fetch_wait(n7 + 5, 1)
    drain(3, rows_b, rb)
    gather(1, rows_b, rb)
    fetch_wait(n7 + 6, 2)
    drain(0, rows_a, ra)
    gather(2, rows_a, ra)
    drain(1, rows_b, rb)
    drain(2, rows_a, ra)

    doff = pl.multiple_of(wid * NPAD, 8)
    pltpu.sync_copy(deg_v, deg_hbm.at[pl.ds(doff, NPAD)])
    plsc.subcore_barrier()
    pltpu.sync_copy(agg_sh.at[pl.ds(row0, ROWS_PER_SUB)],
                    agg_hbm.at[c, pl.ds(row0, ROWS_PER_SUB)])


def _dense_body(feat, agg, degp, ws, wn, bc, wp, bp, s_out, t_out):
    aggs = agg[0] + agg[1]
    deg = jnp.sum(degp[...], axis=0)
    hn = aggs * (1.0 / jnp.maximum(deg, 1.0))[:, None]
    h = (jnp.dot(feat[...], ws[...], preferred_element_type=jnp.float32)
         + jnp.dot(hn, wn[...], preferred_element_type=jnp.float32)
         + bc[...])
    x = jnp.maximum(h, 0.0)
    b = bp[0]
    s_out[...] = jnp.sum(x * wp[0:1, :], axis=1) + b
    t_out[...] = jnp.sum(x * wp[1:2, :], axis=1) + b


def _dense(feat_pad, agg, degp, ws, wn, bc2, wp2, bp):
    return pl.pallas_call(
        _dense_body,
        out_shape=(
            jax.ShapeDtypeStruct((NPAD,), jnp.float32),
            jax.ShapeDtypeStruct((NPAD,), jnp.float32),
        ),
        in_specs=[
            pl.BlockSpec(memory_space=pltpu.VMEM),
            pl.BlockSpec(memory_space=pltpu.VMEM),
            pl.BlockSpec(memory_space=pltpu.VMEM),
            pl.BlockSpec(memory_space=pltpu.VMEM),
            pl.BlockSpec(memory_space=pltpu.VMEM),
            pl.BlockSpec(memory_space=pltpu.VMEM),
            pl.BlockSpec(memory_space=pltpu.VMEM),
            pl.BlockSpec(memory_space=pltpu.SMEM),
        ],
        out_specs=(
            pl.BlockSpec(memory_space=pltpu.VMEM),
            pl.BlockSpec(memory_space=pltpu.VMEM),
        ),
        compiler_params=pltpu.CompilerParams(
            vmem_limit_bytes=100 * 1024 * 1024,
        ),
    )(feat_pad, agg, degp, ws, wn, bc2, wp2, bp)


@functools.partial(
    pl.kernel,
    out_type=jax.ShapeDtypeStruct((NW, NCHUNK, K), jnp.float32),
    mesh=_sc_mesh(),
    scratch_types=[
        pltpu.VMEM((NPAD,), jnp.float32),
        pltpu.VMEM((NPAD,), jnp.float32),
        pltpu.VMEM((NCHUNK, K), jnp.int32),
        pltpu.VMEM((NCHUNK, K), jnp.int32),
        pltpu.VMEM((NCHUNK, K), jnp.float32),
    ],
    compiler_params=pltpu.CompilerParams(needs_layout_passes=False),
)
def _edge_logits(s_hbm, t_hbm, srcw_hbm, dstw_hbm, out_hbm,
                 s_v, t_v, src_v, dst_v, out_v):
    c = lax.axis_index("c")
    s = lax.axis_index("s")
    wid = s * NC + c

    pltpu.sync_copy(s_hbm, s_v)
    pltpu.sync_copy(t_hbm, t_v)
    pltpu.sync_copy(srcw_hbm.at[wid], src_v)
    pltpu.sync_copy(dstw_hbm.at[wid], dst_v)

    def chunk(j, _):
        for i in range(K // 16):
            si = src_v[j, pl.ds(i * 16, 16)]
            di = dst_v[j, pl.ds(i * 16, 16)]
            z = plsc.load_gather(s_v, [si]) + plsc.load_gather(t_v, [di])
            out_v[j, pl.ds(i * 16, 16)] = 1.0 / (1.0 + jnp.exp(-z))
        return 0

    lax.fori_loop(0, NCHUNK, chunk, 0)
    pltpu.sync_copy(out_v, out_hbm.at[wid])


def kernel(features, edge_index, edge_types, W_self, W_neigh, b_conv,
           W_pred, b_pred):
    del edge_types
    src = edge_index[0].astype(jnp.int32)
    dst = edge_index[1].astype(jnp.int32)

    pad = E_PAD - N_EDGES
    fill = jnp.full((pad,), N_NODES, jnp.int32)
    src_flat = jnp.concatenate([src, fill])
    dst_flat = jnp.concatenate([dst, fill])
    srcw = src_flat.reshape(NW, NCHUNK, K)
    dstw = dst_flat.reshape(NW, NCHUNK, K)

    feat_pad = jnp.zeros((NPAD, D), jnp.float32).at[:N_NODES].set(features)
    z1 = jnp.zeros((NPAD,), jnp.float32)

    agg, degp = _aggregate(feat_pad, src_flat, dst_flat, z1)
    degp = degp.reshape(NW, NPAD)

    wp2 = W_pred.reshape(2, D)
    bc2 = b_conv.reshape(1, D)
    s_arr, t_arr = _dense(feat_pad, agg, degp, W_self, W_neigh, bc2, wp2,
                          b_pred)

    logits = _edge_logits(s_arr, t_arr, srcw, dstw)
    return logits.reshape(-1)[:N_EDGES]

# --- scband reference (transcript-rebuilt; emitter-appended) ---
"""Pipeline reference for scband-graph-sagemodel-13804024889634 (READ-ONLY COPY).

The authoritative reference and input builder live on the scoring server;
editing this copy changes nothing except your own understanding.
"""

import jax, jax.numpy as jnp
import numpy as np

N_NODES = 10000
N_EDGES = 320000
D_IN = 128
D_OUT = 128


def setup_inputs(seed: int = 0) -> dict:
    key = jax.random.key(seed)
    ks = jax.random.split(key, 8)
    features = jax.random.normal(ks[0], (N_NODES, D_IN), dtype=jnp.float32)
    edge_index = jax.random.randint(ks[1], (2, N_EDGES), 0, N_NODES, dtype=jnp.int64)
    edge_types = jax.random.randint(ks[2], (N_EDGES,), 0, 4, dtype=jnp.int64)
    # SAGEConv (mean aggregator) parameters: fc_self + fc_neigh share a bias
    W_self = jax.random.normal(ks[3], (D_IN, D_OUT), dtype=jnp.float32) * (1.0 / np.sqrt(D_IN))
    W_neigh = jax.random.normal(ks[4], (D_IN, D_OUT), dtype=jnp.float32) * (1.0 / np.sqrt(D_IN))
    b_conv = jnp.zeros((D_OUT,), dtype=jnp.float32)
    # Edge predictor: Linear(2*out_feats -> 1)
    W_pred = jax.random.normal(ks[5], (2 * D_OUT, 1), dtype=jnp.float32) * (1.0 / np.sqrt(2 * D_OUT))
    b_pred = jnp.zeros((1,), dtype=jnp.float32)
    return {
        "features": features,
        "edge_index": edge_index,
        "edge_types": edge_types,
        "W_self": W_self,
        "W_neigh": W_neigh,
        "b_conv": b_conv,
        "W_pred": W_pred,
        "b_pred": b_pred,
    }


def reference(features, edge_index, edge_types, W_self, W_neigh, b_conv, W_pred, b_pred):
    src = edge_index[0]
    dst = edge_index[1]
    n = features.shape[0]
    e = src.shape[0]
    # SAGEConv mean aggregation: mean of src features over incoming edges per dst node
    msg = jnp.take(features, src, axis=0)
    agg = jax.ops.segment_sum(msg, dst, num_segments=n)
    deg = jax.ops.segment_sum(jnp.ones((e,), dtype=features.dtype), dst, num_segments=n)
    h_neigh = agg / jnp.maximum(deg, 1.0)[:, None]
    h = features @ W_self + h_neigh @ W_neigh + b_conv
    x = jax.nn.relu(h)
    # connect_node_embedding: concat src/dst node embeddings per edge
    e_feat = jnp.concatenate([jnp.take(x, src, axis=0), jnp.take(x, dst, axis=0)], axis=1)
    logits = (e_feat @ W_pred + b_pred)[:, 0]
    return jax.nn.sigmoid(logits)

if __name__ == "__main__":
    import jax
    _d = setup_inputs()
    print(jax.jit(kernel)(*tuple(_d.values())))

</pallas_src>

<mosaic_0001>
#map = affine_map<(d0, d1) -> (0, 0)>
#map1 = affine_map<(d0, d1) -> (0)>
#map2 = affine_map<(d0, d1) -> (0, 0, 0)>
module attributes {stable_mosaic.version = 14 : i64} {
  func.func @_aggregate(%arg0: i32, %arg1: i32, %arg2: memref<10112x128xf32, #tpu.memory_space<hbm>>, %arg3: memref<323584xi32, #tpu.memory_space<hbm>>, %arg4: memref<323584xi32, #tpu.memory_space<hbm>>, %arg5: memref<10112xf32, #tpu.memory_space<hbm>>, %arg6: memref<2x10112x128xf32, #tpu.memory_space<hbm>>, %arg7: memref<323584xf32, #tpu.memory_space<hbm>>, %arg8: memref<10112x128xf32, #tpu.memory_space<vmem_shared>>, %arg9: memref<128xi32, #tpu.memory_space<vmem>>, %arg10: memref<128xi32, #tpu.memory_space<vmem>>, %arg11: memref<128xi32, #tpu.memory_space<vmem>>, %arg12: memref<128xi32, #tpu.memory_space<vmem>>, %arg13: memref<128xi32, #tpu.memory_space<vmem>>, %arg14: memref<128xi32, #tpu.memory_space<vmem>>, %arg15: memref<128xi32, #tpu.memory_space<vmem>>, %arg16: memref<128xi32, #tpu.memory_space<vmem>>, %arg17: memref<128x128xf32, #tpu.memory_space<vmem>>, %arg18: memref<128x128xf32, #tpu.memory_space<vmem>>, %arg19: memref<10112xf32, #tpu.memory_space<vmem>>, %arg20: memref<!tpu.dma_semaphore, #tpu.memory_space<semaphore_mem>>, %arg21: memref<!tpu.dma_semaphore, #tpu.memory_space<semaphore_mem>>, %arg22: memref<!tpu.dma_semaphore, #tpu.memory_space<semaphore_mem>>, %arg23: memref<!tpu.dma_semaphore, #tpu.memory_space<semaphore_mem>>, %arg24: memref<!tpu.dma_semaphore, #tpu.memory_space<semaphore_mem>>, %arg25: memref<!tpu.dma_semaphore, #tpu.memory_space<semaphore_mem>>) attributes {dimension_semantics = [#tpu.dimension_semantics<core_parallel>, #tpu.dimension_semantics<subcore_parallel>], iteration_bounds = array<i64: 2, 16>, scalar_prefetch = 0 : i64, scratch_operands = 18 : i64, tpu.core_type = #tpu.core_type<sc_vector_subcore>, window_params = [{transform_indices = #map}, {transform_indices = #map1}, {transform_indices = #map1}, {transform_indices = #map1}, {transform_indices = #map2}, {transform_indices = #map1}]} {
    %mul3A = arith.constant 2 : i32
    %mul3A_0 = arith.muli %arg1, %mul3A : i32
    %add3A = arith.addi %mul3A_0, %arg0 : i32
    %mul3A_1 = arith.constant 632 : i32
    %mul3A_2 = arith.muli %arg1, %mul3A_1 : i32
    %multiple_of3A = tpu.assume_multiple %mul3A_2, 8 : i32
    %mul3A_3 = arith.constant 10112 : i32
    %mul3A_4 = arith.muli %add3A, %mul3A_3 : i32
    "tpu.region"() ({
      %run_scoped3A = tpu.sem_alloc : memref<!tpu.dma_semaphore, #tpu.memory_space<semaphore_mem>>
      tpu.enqueue_dma source(%arg5 : memref<10112xf32, #tpu.memory_space<hbm>>) target(%arg19 : memref<10112xf32, #tpu.memory_space<vmem>>) target_semaphore(%run_scoped3A : memref<!tpu.dma_semaphore, #tpu.memory_space<semaphore_mem>>)
      tpu.wait_dma2 semaphore(%run_scoped3A : memref<!tpu.dma_semaphore, #tpu.memory_space<semaphore_mem>>) src(%arg5 : memref<10112xf32, #tpu.memory_space<hbm>>) dst(%arg19 : memref<10112xf32, #tpu.memory_space<vmem>>)
      tpu.yield
    }) : () -> ()
    %broadcast_in_dim3A = arith.constant 0.000000e+00 : f32
    %broadcast_in_dim3A_5 = vector.broadcast %broadcast_in_dim3A : f32 to vector<16xf32>
    %scan3A = arith.constant 0 : i32
    %scan3A_6 = arith.constant 0 : i32
    %scan3A_7 = arith.constant 128 : i32
    %scan3A_8 = arith.addi %scan3A_6, %scan3A_7 : i32
    %scan3A_9 = arith.constant 1 : i32
    %scan3A_10 = scf.for %scan3A_284 = %scan3A_6 to %scan3A_8 step %scan3A_9 iter_args(%scan3A_285 = %scan3A) -> (i32)  : i32 {
      %swap3A = arith.index_cast %scan3A_284 : i32 to index
      %swap3A_286 = arith.constant 0 : index
      %swap3A_287 = tpu.vector_load %arg17[%swap3A, %swap3A_286] {strides = array<i32>} : memref<128x128xf32, #tpu.memory_space<vmem>>, vector<16xf32>,
      tpu.vector_store %arg17[%swap3A, %swap3A_286], %broadcast_in_dim3A_5 {strides = array<i32>} : memref<128x128xf32, #tpu.memory_space<vmem>>, vector<16xf32>,
      %swap3A_288 = arith.index_cast %scan3A_284 : i32 to index
      %swap3A_289 = arith.constant 16 : index
      %swap3A_290 = tpu.vector_load %arg17[%swap3A_288, %swap3A_289] {strides = array<i32>} : memref<128x128xf32, #tpu.memory_space<vmem>>, vector<16xf32>,
      tpu.vector_store %arg17[%swap3A_288, %swap3A_289], %broadcast_in_dim3A_5 {strides = array<i32>} : memref<128x128xf32, #tpu.memory_space<vmem>>, vector<16xf32>,
      %swap3A_291 = arith.index_cast %scan3A_284 : i32 to index
      %swap3A_292 = arith.constant 32 : index
      %swap3A_293 = tpu.vector_load %arg17[%swap3A_291, %swap3A_292] {strides = array<i32>} : memref<128x128xf32, #tpu.memory_space<vmem>>, vector<16xf32>,
      tpu.vector_store %arg17[%swap3A_291, %swap3A_292], %broadcast_in_dim3A_5 {strides = array<i32>} : memref<128x128xf32, #tpu.memory_space<vmem>>, vector<16xf32>,
      %swap3A_294 = arith.index_cast %scan3A_284 : i32 to index
      %swap3A_295 = arith.constant 48 : index
      %swap3A_296 = tpu.vector_load %arg17[%swap3A_294, %swap3A_295] {strides = array<i32>} : memref<128x128xf32, #tpu.memory_space<vmem>>, vector<16xf32>,
      tpu.vector_store %arg17[%swap3A_294, %swap3A_295], %broadcast_in_dim3A_5 {strides = array<i32>} : memref<128x128xf32, #tpu.memory_space<vmem>>, vector<16xf32>,
      %swap3A_297 = arith.index_cast %scan3A_284 : i32 to index
      %swap3A_298 = arith.constant 64 : index
      %swap3A_299 = tpu.vector_load %arg17[%swap3A_297, %swap3A_298] {strides = array<i32>} : memref<128x128xf32, #tpu.memory_space<vmem>>, vector<16xf32>,
      tpu.vector_store %arg17[%swap3A_297, %swap3A_298], %broadcast_in_dim3A_5 {strides = array<i32>} : memref<128x128xf32, #tpu.memory_space<vmem>>, vector<16xf32>,
      %swap3A_300 = arith.index_cast %scan3A_284 : i32 to index
      %swap3A_301 = arith.constant 80 : index
      %swap3A_302 = tpu.vector_load %arg17[%swap3A_300, %swap3A_301] {strides = array<i32>} : memref<128x128xf32, #tpu.memory_space<vmem>>, vector<16xf32>,
      tpu.vector_store %arg17[%swap3A_300, %swap3A_301], %broadcast_in_dim3A_5 {strides = array<i32>} : memref<128x128xf32, #tpu.memory_space<vmem>>, vector<16xf32>,
      %swap3A_303 = arith.index_cast %scan3A_284 : i32 to index
      %swap3A_304 = arith.constant 96 : index
      %swap3A_305 = tpu.vector_load %arg17[%swap3A_303, %swap3A_304] {strides = array<i32>} : memref<128x128xf32, #tpu.memory_space<vmem>>, vector<16xf32>,
      tpu.vector_store %arg17[%swap3A_303, %swap3A_304], %broadcast_in_dim3A_5 {strides = array<i32>} : memref<128x128xf32, #tpu.memory_space<vmem>>, vector<16xf32>,
      %swap3A_306 = arith.index_cast %scan3A_284 : i32 to index
      %swap3A_307 = arith.constant 112 : index
      %swap3A_308 = tpu.vector_load %arg17[%swap3A_306, %swap3A_307] {strides = array<i32>} : memref<128x128xf32, #tpu.memory_space<vmem>>, vector<16xf32>,
      tpu.vector_store %arg17[%swap3A_306, %swap3A_307], %broadcast_in_dim3A_5 {strides = array<i32>} : memref<128x128xf32, #tpu.memory_space<vmem>>, vector<16xf32>,
      %scan3A_309 = arith.constant 0 : i32
      scf.yield %scan3A_309 : i32
    }
    %scan3A_11 = arith.constant 128 : i32
    %add3A_12 = arith.constant 0 : i32
    %add3A_13 = arith.addi %multiple_of3A, %add3A_12 : i32
    "tpu.region"() ({
      %run_scoped3A = tpu.sem_alloc : memref<!tpu.dma_semaphore, #tpu.memory_space<semaphore_mem>>
      %dma_start3A_284 = arith.constant 0 : i32
      %dma_start3A_285 = tpu.memref_slice %arg8[%add3A_13, %dma_start3A_284] : memref<10112x128xf32, #tpu.memory_space<vmem_shared>> -> memref<128x128xf32, #tpu.memory_space<vmem_shared>>
      %dma_start3A_286 = arith.constant 0 : i32
      %dma_start3A_287 = tpu.memref_slice %arg8[%add3A_13, %dma_start3A_286] : memref<10112x128xf32, #tpu.memory_space<vmem_shared>> -> memref<128x128xf32, #tpu.memory_space<vmem_shared>>
      tpu.enqueue_dma source(%arg17 : memref<128x128xf32, #tpu.memory_space<vmem>>) target(%dma_start3A_287 : memref<128x128xf32, #tpu.memory_space<vmem_shared>>) target_semaphore(%run_scoped3A : memref<!tpu.dma_semaphore, #tpu.memory_space<semaphore_mem>>)
      %dma_wait3A_288 = arith.constant 0 : i32
      %dma_wait3A_289 = tpu.memref_slice %arg8[%add3A_13, %dma_wait3A_288] : memref<10112x128xf32, #tpu.memory_space<vmem_shared>> -> memref<128x128xf32, #tpu.memory_space<vmem_shared>>
      %dma_wait3A_290 = arith.constant 0 : i32
      %dma_wait3A_291 = tpu.memref_slice %arg8[%add3A_13, %dma_wait3A_290] : memref<10112x128xf32, #tpu.memory_space<vmem_shared>> -> memref<128x128xf32, #tpu.memory_space<vmem_shared>>
      tpu.wait_dma2 semaphore(%run_scoped3A : memref<!tpu.dma_semaphore, #tpu.memory_space<semaphore_mem>>) src(%arg17 : memref<128x128xf32, #tpu.memory_space<vmem>>) dst(%dma_wait3A_291 : memref<128x128xf32, #tpu.memory_space<vmem_shared>>)
      tpu.yield
    }) : () -> ()
    %add3A_14 = arith.constant 128 : i32
    %add3A_15 = arith.addi %multiple_of3A, %add3A_14 : i32
    "tpu.region"() ({
      %run_scoped3A = tpu.sem_alloc : memref<!tpu.dma_semaphore, #tpu.memory_space<semaphore_mem>>
      %dma_start3A_284 = arith.constant 0 : i32
      %dma_start3A_285 = tpu.memref_slice %arg8[%add3A_15, %dma_start3A_284] : memref<10112x128xf32, #tpu.memory_space<vmem_shared>> -> memref<128x128xf32, #tpu.memory_space<vmem_shared>>
      %dma_start3A_286 = arith.constant 0 : i32
      %dma_start3A_287 = tpu.memref_slice %arg8[%add3A_15, %dma_start3A_286] : memref<10112x128xf32, #tpu.memory_space<vmem_shared>> -> memref<128x128xf32, #tpu.memory_space<vmem_shared>>
      tpu.enqueue_dma source(%arg17 : memref<128x128xf32, #tpu.memory_space<vmem>>) target(%dma_start3A_287 : memref<128x128xf32, #tpu.memory_space<vmem_shared>>) target_semaphore(%run_scoped3A : memref<!tpu.dma_semaphore, #tpu.memory_space<semaphore_mem>>)
      %dma_wait3A_288 = arith.constant 0 : i32
      %dma_wait3A_289 = tpu.memref_slice %arg8[%add3A_15, %dma_wait3A_288] : memref<10112x128xf32, #tpu.memory_space<vmem_shared>> -> memref<128x128xf32, #tpu.memory_space<vmem_shared>>
      %dma_wait3A_290 = arith.constant 0 : i32
      %dma_wait3A_291 = tpu.memref_slice %arg8[%add3A_15, %dma_wait3A_290] : memref<10112x128xf32, #tpu.memory_space<vmem_shared>> -> memref<128x128xf32, #tpu.memory_space<vmem_shared>>
      tpu.wait_dma2 semaphore(%run_scoped3A : memref<!tpu.dma_semaphore, #tpu.memory_space<semaphore_mem>>) src(%arg17 : memref<128x128xf32, #tpu.memory_space<vmem>>) dst(%dma_wait3A_291 : memref<128x128xf32, #tpu.memory_space<vmem_shared>>)
      tpu.yield
    }) : () -> ()
    %add3A_16 = arith.constant 256 : i32
    %add3A_17 = arith.addi %multiple_of3A, %add3A_16 : i32
    "tpu.region"() ({
      %run_scoped3A = tpu.sem_alloc : memref<!tpu.dma_semaphore, #tpu.memory_space<semaphore_mem>>
      %dma_start3A_284 = arith.constant 0 : i32
      %dma_start3A_285 = tpu.memref_slice %arg8[%add3A_17, %dma_start3A_284] : memref<10112x128xf32, #tpu.memory_space<vmem_shared>> -> memref<128x128xf32, #tpu.memory_space<vmem_shared>>
      %dma_start3A_286 = arith.constant 0 : i32
      %dma_start3A_287 = tpu.memref_slice %arg8[%add3A_17, %dma_start3A_286] : memref<10112x128xf32, #tpu.memory_space<vmem_shared>> -> memref<128x128xf32, #tpu.memory_space<vmem_shared>>
      tpu.enqueue_dma source(%arg17 : memref<128x128xf32, #tpu.memory_space<vmem>>) target(%dma_start3A_287 : memref<128x128xf32, #tpu.memory_space<vmem_shared>>) target_semaphore(%run_scoped3A : memref<!tpu.dma_semaphore, #tpu.memory_space<semaphore_mem>>)
      %dma_wait3A_288 = arith.constant 0 : i32
      %dma_wait3A_289 = tpu.memref_slice %arg8[%add3A_17, %dma_wait3A_288] : memref<10112x128xf32, #tpu.memory_space<vmem_shared>> -> memref<128x128xf32, #tpu.memory_space<vmem_shared>>
      %dma_wait3A_290 = arith.constant 0 : i32
      %dma_wait3A_291 = tpu.memref_slice %arg8[%add3A_17, %dma_wait3A_290] : memref<10112x128xf32, #tpu.memory_space<vmem_shared>> -> memref<128x128xf32, #tpu.memory_space<vmem_shared>>
      tpu.wait_dma2 semaphore(%run_scoped3A : memref<!tpu.dma_semaphore, #tpu.memory_space<semaphore_mem>>) src(%arg17 : memref<128x128xf32, #tpu.memory_space<vmem>>) dst(%dma_wait3A_291 : memref<128x128xf32, #tpu.memory_space<vmem_shared>>)
      tpu.yield
    }) : () -> ()
    %add3A_18 = arith.constant 384 : i32
    %add3A_19 = arith.addi %multiple_of3A, %add3A_18 : i32
    "tpu.region"() ({
      %run_scoped3A = tpu.sem_alloc : memref<!tpu.dma_semaphore, #tpu.memory_space<semaphore_mem>>
      %dma_start3A_284 = arith.constant 0 : i32
      %dma_start3A_285 = tpu.memref_slice %arg8[%add3A_19, %dma_start3A_284] : memref<10112x128xf32, #tpu.memory_space<vmem_shared>> -> memref<128x128xf32, #tpu.memory_space<vmem_shared>>
      %dma_start3A_286 = arith.constant 0 : i32
      %dma_start3A_287 = tpu.memref_slice %arg8[%add3A_19, %dma_start3A_286] : memref<10112x128xf32, #tpu.memory_space<vmem_shared>> -> memref<128x128xf32, #tpu.memory_space<vmem_shared>>
      tpu.enqueue_dma source(%arg17 : memref<128x128xf32, #tpu.memory_space<vmem>>) target(%dma_start3A_287 : memref<128x128xf32, #tpu.memory_space<vmem_shared>>) target_semaphore(%run_scoped3A : memref<!tpu.dma_semaphore, #tpu.memory_space<semaphore_mem>>)
      %dma_wait3A_288 = arith.constant 0 : i32
      %dma_wait3A_289 = tpu.memref_slice %arg8[%add3A_19, %dma_wait3A_288] : memref<10112x128xf32, #tpu.memory_space<vmem_shared>> -> memref<128x128xf32, #tpu.memory_space<vmem_shared>>
      %dma_wait3A_290 = arith.constant 0 : i32
      %dma_wait3A_291 = tpu.memref_slice %arg8[%add3A_19, %dma_wait3A_290] : memref<10112x128xf32, #tpu.memory_space<vmem_shared>> -> memref<128x128xf32, #tpu.memory_space<vmem_shared>>
      tpu.wait_dma2 semaphore(%run_scoped3A : memref<!tpu.dma_semaphore, #tpu.memory_space<semaphore_mem>>) src(%arg17 : memref<128x128xf32, #tpu.memory_space<vmem>>) dst(%dma_wait3A_291 : memref<128x128xf32, #tpu.memory_space<vmem_shared>>)
      tpu.yield
    }) : () -> ()
    %add3A_20 = arith.constant 512 : i32
    %add3A_21 = arith.addi %multiple_of3A, %add3A_20 : i32
    "tpu.region"() ({
      %run_scoped3A = tpu.sem_alloc : memref<!tpu.dma_semaphore, #tpu.memory_space<semaphore_mem>>
      %dma_start3A_284 = arith.constant 0 : i32
      %dma_start3A_285 = arith.constant 0 : i32
      %dma_start3A_286 = tpu.memref_slice %arg17[%dma_start3A_284, %dma_start3A_285] : memref<128x128xf32, #tpu.memory_space<vmem>> -> memref<120x128xf32, #tpu.memory_space<vmem>>
      %dma_start3A_287 = arith.constant 0 : i32
      %dma_start3A_288 = tpu.memref_slice %arg8[%add3A_21, %dma_start3A_287] : memref<10112x128xf32, #tpu.memory_space<vmem_shared>> -> memref<120x128xf32, #tpu.memory_space<vmem_shared>>
      %dma_start3A_289 = arith.constant 0 : i32
      %dma_start3A_290 = tpu.memref_slice %arg8[%add3A_21, %dma_start3A_289] : memref<10112x128xf32, #tpu.memory_space<vmem_shared>> -> memref<120x128xf32, #tpu.memory_space<vmem_shared>>
      %dma_start3A_291 = arith.constant 0 : i32
      %dma_start3A_292 = arith.constant 0 : i32
      %dma_start3A_293 = tpu.memref_slice %arg17[%dma_start3A_291, %dma_start3A_292] : memref<128x128xf32, #tpu.memory_space<vmem>> -> memref<120x128xf32, #tpu.memory_space<vmem>>
      tpu.enqueue_dma source(%dma_start3A_293 : memref<120x128xf32, #tpu.memory_space<vmem>>) target(%dma_start3A_290 : memref<120x128xf32, #tpu.memory_space<vmem_shared>>) target_semaphore(%run_scoped3A : memref<!tpu.dma_semaphore, #tpu.memory_space<semaphore_mem>>)
      %dma_wait3A_294 = arith.constant 0 : i32
      %dma_wait3A_295 = arith.constant 0 : i32
      %dma_wait3A_296 = tpu.memref_slice %arg17[%dma_wait3A_294, %dma_wait3A_295] : memref<128x128xf32, #tpu.memory_space<vmem>> -> memref<120x128xf32, #tpu.memory_space<vmem>>
      %dma_wait3A_297 = arith.constant 0 : i32
      %dma_wait3A_298 = tpu.memref_slice %arg8[%add3A_21, %dma_wait3A_297] : memref<10112x128xf32, #tpu.memory_space<vmem_shared>> -> memref<120x128xf32, #tpu.memory_space<vmem_shared>>
      %dma_wait3A_299 = arith.constant 0 : i32
      %dma_wait3A_300 = tpu.memref_slice %arg8[%add3A_21, %dma_wait3A_299] : memref<10112x128xf32, #tpu.memory_space<vmem_shared>> -> memref<120x128xf32, #tpu.memory_space<vmem_shared>>
      %dma_wait3A_301 = arith.constant 0 : i32
      %dma_wait3A_302 = arith.constant 0 : i32
      %dma_wait3A_303 = tpu.memref_slice %arg17[%dma_wait3A_301, %dma_wait3A_302] : memref<128x128xf32, #tpu.memory_space<vmem>> -> memref<120x128xf32, #tpu.memory_space<vmem>>
      tpu.wait_dma2 semaphore(%run_scoped3A : memref<!tpu.dma_semaphore, #tpu.memory_space<semaphore_mem>>) src(%dma_wait3A_303 : memref<120x128xf32, #tpu.memory_space<vmem>>) dst(%dma_wait3A_300 : memref<120x128xf32, #tpu.memory_space<vmem_shared>>)
      tpu.yield
    }) : () -> ()
    %barrier3A = arith.constant 0 : index
    tpu.barrier barrier_id(%barrier3A)
    %broadcast_in_dim3A_22 = arith.constant 1.000000e+00 : f32
    %broadcast_in_dim3A_23 = vector.broadcast %broadcast_in_dim3A_22 : f32 to vector<16xf32>
    %add3A_24 = arith.constant 0 : i32
    %add3A_25 = arith.addi %mul3A_4, %add3A_24 : i32
    %multiple_of3A_26 = tpu.assume_multiple %add3A_25, 8 : i32
    %dma_start3A = tpu.memref_slice %arg3[%multiple_of3A_26] : memref<323584xi32, #tpu.memory_space<hbm>> -> memref<128xi32, #tpu.memory_space<hbm>>
    %dma_start3A_27 = tpu.memref_slice %arg3[%multiple_of3A_26] : memref<323584xi32, #tpu.memory_space<hbm>> -> memref<128xi32, #tpu.memory_space<hbm>>
    tpu.enqueue_dma source(%dma_start3A_27 : memref<128xi32, #tpu.memory_space<hbm>>) target(%arg9 : memref<128xi32, #tpu.memory_space<vmem>>) target_semaphore(%arg22 : memref<!tpu.dma_semaphore, #tpu.memory_space<semaphore_mem>>)
    %dma_start3A_28 = tpu.memref_slice %arg4[%multiple_of3A_26] : memref<323584xi32, #tpu.memory_space<hbm>> -> memref<128xi32, #tpu.memory_space<hbm>>
    %dma_start3A_29 = tpu.memref_slice %arg4[%multiple_of3A_26] : memref<323584xi32, #tpu.memory_space<hbm>> -> memref<128xi32, #tpu.memory_space<hbm>>
    tpu.enqueue_dma source(%dma_start3A_29 : memref<128xi32, #tpu.memory_space<hbm>>) target(%arg13 : memref<128xi32, #tpu.memory_space<vmem>>) target_semaphore(%arg22 : memref<!tpu.dma_semaphore, #tpu.memory_space<semaphore_mem>>)
    %add3A_30 = arith.constant 128 : i32
    %add3A_31 = arith.addi %mul3A_4, %add3A_30 : i32
    %multiple_of3A_32 = tpu.assume_multiple %add3A_31, 8 : i32
    %dma_start3A_33 = tpu.memref_slice %arg3[%multiple_of3A_32] : memref<323584xi32, #tpu.memory_space<hbm>> -> memref<128xi32, #tpu.memory_space<hbm>>
    %dma_start3A_34 = tpu.memref_slice %arg3[%multiple_of3A_32] : memref<323584xi32, #tpu.memory_space<hbm>> -> memref<128xi32, #tpu.memory_space<hbm>>
    tpu.enqueue_dma source(%dma_start3A_34 : memref<128xi32, #tpu.memory_space<hbm>>) target(%arg10 : memref<128xi32, #tpu.memory_space<vmem>>) target_semaphore(%arg23 : memref<!tpu.dma_semaphore, #tpu.memory_space<semaphore_mem>>)
    %dma_start3A_35 = tpu.memref_slice %arg4[%multiple_of3A_32] : memref<323584xi32, #tpu.memory_space<hbm>> -> memref<128xi32, #tpu.memory_space<hbm>>
    %dma_start3A_36 = tpu.memref_slice %arg4[%multiple_of3A_32] : memref<323584xi32, #tpu.memory_space<hbm>> -> memref<128xi32, #tpu.memory_space<hbm>>
    tpu.enqueue_dma source(%dma_start3A_36 : memref<128xi32, #tpu.memory_space<hbm>>) target(%arg14 : memref<128xi32, #tpu.memory_space<vmem>>) target_semaphore(%arg23 : memref<!tpu.dma_semaphore, #tpu.memory_space<semaphore_mem>>)
    %add3A_37 = arith.constant 256 : i32
    %add3A_38 = arith.addi %mul3A_4, %add3A_37 : i32
    %multiple_of3A_39 = tpu.assume_multiple %add3A_38, 8 : i32
    %dma_start3A_40 = tpu.memref_slice %arg3[%multiple_of3A_39] : memref<323584xi32, #tpu.memory_space<hbm>> -> memref<128xi32, #tpu.memory_space<hbm>>
    %dma_start3A_41 = tpu.memref_slice %arg3[%multiple_of3A_39] : memref<323584xi32, #tpu.memory_space<hbm>> -> memref<128xi32, #tpu.memory_space<hbm>>
    tpu.enqueue_dma source(%dma_start3A_41 : memref<128xi32, #tpu.memory_space<hbm>>) target(%arg11 : memref<128xi32, #tpu.memory_space<vmem>>) target_semaphore(%arg24 : memref<!tpu.dma_semaphore, #tpu.memory_space<semaphore_mem>>)
    %dma_start3A_42 = tpu.memref_slice %arg4[%multiple_of3A_39] : memref<323584xi32, #tpu.memory_space<hbm>> -> memref<128xi32, #tpu.memory_space<hbm>>
    %dma_start3A_43 = tpu.memref_slice %arg4[%multiple_of3A_39] : memref<323584xi32, #tpu.memory_space<hbm>> -> memref<128xi32, #tpu.memory_space<hbm>>
    tpu.enqueue_dma source(%dma_start3A_43 : memref<128xi32, #tpu.memory_space<hbm>>) target(%arg15 : memref<128xi32, #tpu.memory_space<vmem>>) target_semaphore(%arg24 : memref<!tpu.dma_semaphore, #tpu.memory_space<semaphore_mem>>)
    %add3A_44 = arith.constant 384 : i32
    %add3A_45 = arith.addi %mul3A_4, %add3A_44 : i32
    %multiple_of3A_46 = tpu.assume_multiple %add3A_45, 8 : i32
    %dma_start3A_47 = tpu.memref_slice %arg3[%multiple_of3A_46] : memref<323584xi32, #tpu.memory_space<hbm>> -> memref<128xi32, #tpu.memory_space<hbm>>
    %dma_start3A_48 = tpu.memref_slice %arg3[%multiple_of3A_46] : memref<323584xi32, #tpu.memory_space<hbm>> -> memref<128xi32, #tpu.memory_space<hbm>>
    tpu.enqueue_dma source(%dma_start3A_48 : memref<128xi32, #tpu.memory_space<hbm>>) target(%arg12 : memref<128xi32, #tpu.memory_space<vmem>>) target_semaphore(%arg25 : memref<!tpu.dma_semaphore, #tpu.memory_space<semaphore_mem>>)
    %dma_start3A_49 = tpu.memref_slice %arg4[%multiple_of3A_46] : memref<323584xi32, #tpu.memory_space<hbm>> -> memref<128xi32, #tpu.memory_space<hbm>>
    %dma_start3A_50 = tpu.memref_slice %arg4[%multiple_of3A_46] : memref<323584xi32, #tpu.memory_space<hbm>> -> memref<128xi32, #tpu.memory_space<hbm>>
    tpu.enqueue_dma source(%dma_start3A_50 : memref<128xi32, #tpu.memory_space<hbm>>) target(%arg16 : memref<128xi32, #tpu.memory_space<vmem>>) target_semaphore(%arg25 : memref<!tpu.dma_semaphore, #tpu.memory_space<semaphore_mem>>)
    %add3A_51 = arith.constant 0 : i32
    %add3A_52 = arith.addi %mul3A_4, %add3A_51 : i32
    %multiple_of3A_53 = tpu.assume_multiple %add3A_52, 8 : i32
    %dma_wait3A = tpu.memref_slice %arg3[%multiple_of3A_53] : memref<323584xi32, #tpu.memory_space<hbm>> -> memref<128xi32, #tpu.memory_space<hbm>>
    %dma_wait3A_54 = tpu.memref_slice %arg3[%multiple_of3A_53] : memref<323584xi32, #tpu.memory_space<hbm>> -> memref<128xi32, #tpu.memory_space<hbm>>
    tpu.wait_dma2 semaphore(%arg22 : memref<!tpu.dma_semaphore, #tpu.memory_space<semaphore_mem>>) src(%dma_wait3A_54 : memref<128xi32, #tpu.memory_space<hbm>>) dst(%arg9 : memref<128xi32, #tpu.memory_space<vmem>>)
    %dma_wait3A_55 = tpu.memref_slice %arg4[%multiple_of3A_53] : memref<323584xi32, #tpu.memory_space<hbm>> -> memref<128xi32, #tpu.memory_space<hbm>>
    %dma_wait3A_56 = tpu.memref_slice %arg4[%multiple_of3A_53] : memref<323584xi32, #tpu.memory_space<hbm>> -> memref<128xi32, #tpu.memory_space<hbm>>
    tpu.wait_dma2 semaphore(%arg22 : memref<!tpu.dma_semaphore, #tpu.memory_space<semaphore_mem>>) src(%dma_wait3A_56 : memref<128xi32, #tpu.memory_space<hbm>>) dst(%arg13 : memref<128xi32, #tpu.memory_space<vmem>>)
    %dma_start3A_57 = arith.constant 0 : i32
    %dma_start3A_58 = arith.constant 0 : i32
    %dma_start3A_59 = tpu.memref_slice %arg2[%dma_start3A_57, %dma_start3A_58] : memref<10112x128xf32, #tpu.memory_space<hbm>> -> memref<10112x128xf32, #tpu.memory_space<hbm>>
    tpu.enqueue_indirect_dma source(%dma_start3A_59 : memref<10112x128xf32, #tpu.memory_space<hbm>>) target(%arg17 : memref<128x128xf32, #tpu.memory_space<vmem>>) offsets(%arg9 : memref<128xi32, #tpu.memory_space<vmem>>) semaphore(%arg20 : memref<!tpu.dma_semaphore, #tpu.memory_space<semaphore_mem>>)
    %add3A_60 = arith.constant 128 : i32
    %add3A_61 = arith.addi %mul3A_4, %add3A_60 : i32
    %multiple_of3A_62 = tpu.assume_multiple %add3A_61, 8 : i32
    %dma_wait3A_63 = tpu.memref_slice %arg3[%multiple_of3A_62] : memref<323584xi32, #tpu.memory_space<hbm>> -> memref<128xi32, #tpu.memory_space<hbm>>
    %dma_wait3A_64 = tpu.memref_slice %arg3[%multiple_of3A_62] : memref<323584xi32, #tpu.memory_space<hbm>> -> memref<128xi32, #tpu.memory_space<hbm>>
    tpu.wait_dma2 semaphore(%arg23 : memref<!tpu.dma_semaphore, #tpu.memory_space<semaphore_mem>>) src(%dma_wait3A_64 : memref<128xi32, #tpu.memory_space<hbm>>) dst(%arg10 : memref<128xi32, #tpu.memory_space<vmem>>)
    %dma_wait3A_65 = tpu.memref_slice %arg4[%multiple_of3A_62] : memref<323584xi32, #tpu.memory_space<hbm>> -> memref<128xi32, #tpu.memory_space<hbm>>
    %dma_wait3A_66 = tpu.memref_slice %arg4[%multiple_of3A_62] : memref<323584xi32, #tpu.memory_space<hbm>> -> memref<128xi32, #tpu.memory_space<hbm>>
    tpu.wait_dma2 semaphore(%arg23 : memref<!tpu.dma_semaphore, #tpu.memory_space<semaphore_mem>>) src(%dma_wait3A_66 : memref<128xi32, #tpu.memory_space<hbm>>) dst(%arg14 : memref<128xi32, #tpu.memory_space<vmem>>)
    %dma_start3A_67 = arith.constant 0 : i32
    %dma_start3A_68 = arith.constant 0 : i32
    %dma_start3A_69 = tpu.memref_slice %arg2[%dma_start3A_67, %dma_start3A_68] : memref<10112x128xf32, #tpu.memory_space<hbm>> -> memref<10112x128xf32, #tpu.memory_space<hbm>>
    tpu.enqueue_indirect_dma source(%dma_start3A_69 : memref<10112x128xf32, #tpu.memory_space<hbm>>) target(%arg18 : memref<128x128xf32, #tpu.memory_space<vmem>>) offsets(%arg10 : memref<128xi32, #tpu.memory_space<vmem>>) semaphore(%arg21 : memref<!tpu.dma_semaphore, #tpu.memory_space<semaphore_mem>>)
    %scan3A_70 = arith.constant 0 : i32
    %scan3A_71 = arith.constant 0 : i32
    %scan3A_72 = arith.constant 18 : i32
    %scan3A_73 = arith.addi %scan3A_71, %scan3A_72 : i32
    %scan3A_74 = arith.constant 1 : i32
    %scan3A_75 = scf.for %scan3A_284 = %scan3A_71 to %scan3A_73 step %scan3A_74 iter_args(%scan3A_285 = %scan3A_70) -> (i32)  : i32 {
      %mul3A_286 = arith.constant 4 : i32
      %mul3A_287 = arith.muli %mul3A_286, %scan3A_284 : i32
      %add3A_288 = arith.constant 2 : i32
      %add3A_289 = arith.addi %mul3A_287, %add3A_288 : i32
      %mul3A_290 = arith.constant 128 : i32
      %mul3A_291 = arith.muli %add3A_289, %mul3A_290 : i32
      %add3A_292 = arith.addi %mul3A_4, %mul3A_291 : i32
      %multiple_of3A_293 = tpu.assume_multiple %add3A_292, 8 : i32
      %dma_wait3A_294 = tpu.memref_slice %arg3[%multiple_of3A_293] : memref<323584xi32, #tpu.memory_space<hbm>> -> memref<128xi32, #tpu.memory_space<hbm>>
      %dma_wait3A_295 = tpu.memref_slice %arg3[%multiple_of3A_293] : memref<323584xi32, #tpu.memory_space<hbm>> -> memref<128xi32, #tpu.memory_space<hbm>>
      tpu.wait_dma2 semaphore(%arg24 : memref<!tpu.dma_semaphore, #tpu.memory_space<semaphore_mem>>) src(%dma_wait3A_295 : memref<128xi32, #tpu.memory_space<hbm>>) dst(%arg11 : memref<128xi32, #tpu.memory_space<vmem>>)
      %dma_wait3A_296 = tpu.memref_slice %arg4[%multiple_of3A_293] : memref<323584xi32, #tpu.memory_space<hbm>> -> memref<128xi32, #tpu.memory_space<hbm>>
      %dma_wait3A_297 = tpu.memref_slice %arg4[%multiple_of3A_293] : memref<323584xi32, #tpu.memory_space<hbm>> -> memref<128xi32, #tpu.memory_space<hbm>>
      tpu.wait_dma2 semaphore(%arg24 : memref<!tpu.dma_semaphore, #tpu.memory_space<semaphore_mem>>) src(%dma_wait3A_297 : memref<128xi32, #tpu.memory_space<hbm>>) dst(%arg15 : memref<128xi32, #tpu.memory_space<vmem>>)
      %dma_wait3A_298 = arith.constant 0 : i32
      %dma_wait3A_299 = arith.constant 0 : i32
      %dma_wait3A_300 = tpu.memref_slice %arg2[%dma_wait3A_298, %dma_wait3A_299] : memref<10112x128xf32, #tpu.memory_space<hbm>> -> memref<10112x128xf32, #tpu.memory_space<hbm>>
      tpu.wait_indirect_dma semaphore(%arg20 : memref<!tpu.dma_semaphore, #tpu.memory_space<semaphore_mem>>) src(%dma_wait3A_300 : memref<10112x128xf32, #tpu.memory_space<hbm>>) dst(%arg17 : memref<128x128xf32, #tpu.memory_space<vmem>>)
      "tpu.region"() ({
        %run_scoped3A = tpu.sem_alloc : memref<!tpu.dma_semaphore, #tpu.memory_space<semaphore_mem>>
        %dma_start3A_457 = arith.constant 0 : i32
        %dma_start3A_458 = arith.constant 0 : i32
        %dma_start3A_459 = tpu.memref_slice %arg8[%dma_start3A_457, %dma_start3A_458] : memref<10112x128xf32, #tpu.memory_space<vmem_shared>> -> memref<10112x128xf32, #tpu.memory_space<vmem_shared>>
        tpu.enqueue_indirect_dma source(%arg17 : memref<128x128xf32, #tpu.memory_space<vmem>>) target(%dma_start3A_459 : memref<10112x128xf32, #tpu.memory_space<vmem_shared>>) offsets(%arg13 : memref<128xi32, #tpu.memory_space<vmem>>) semaphore(%run_scoped3A : memref<!tpu.dma_semaphore, #tpu.memory_space<semaphore_mem>>) {add = true}
        %dma_wait3A_460 = arith.constant 0 : i32
        %dma_wait3A_461 = arith.constant 0 : i32
        %dma_wait3A_462 = tpu.memref_slice %arg8[%dma_wait3A_460, %dma_wait3A_461] : memref<10112x128xf32, #tpu.memory_space<vmem_shared>> -> memref<10112x128xf32, #tpu.memory_space<vmem_shared>>
        tpu.wait_indirect_dma semaphore(%run_scoped3A : memref<!tpu.dma_semaphore, #tpu.memory_space<semaphore_mem>>) src(%arg17 : memref<128x128xf32, #tpu.memory_space<vmem>>) dst(%dma_wait3A_462 : memref<10112x128xf32, #tpu.memory_space<vmem_shared>>)
        tpu.yield
      }) : () -> ()
      %get3A_301 = arith.constant 0 : index
      %get3A_302 = tpu.vector_load %arg13[%get3A_301] {strides = array<i32>} : memref<128xi32, #tpu.memory_space<vmem>>, vector<16xi32>,
      tpu.vector_store_idx %arg19[%get3A_302], %broadcast_in_dim3A_23 {add = true} : memref<10112xf32, #tpu.memory_space<vmem>>[vector<16xi32>], vector<16xf32>,
      %get3A_303 = arith.constant 16 : index
      %get3A_304 = tpu.vector_load %arg13[%get3A_303] {strides = array<i32>} : memref<128xi32, #tpu.memory_space<vmem>>, vector<16xi32>,
      tpu.vector_store_idx %arg19[%get3A_304], %broadcast_in_dim3A_23 {add = true} : memref<10112xf32, #tpu.memory_space<vmem>>[vector<16xi32>], vector<16xf32>,
      %get3A_305 = arith.constant 32 : index
      %get3A_306 = tpu.vector_load %arg13[%get3A_305] {strides = array<i32>} : memref<128xi32, #tpu.memory_space<vmem>>, vector<16xi32>,
      tpu.vector_store_idx %arg19[%get3A_306], %broadcast_in_dim3A_23 {add = true} : memref<10112xf32, #tpu.memory_space<vmem>>[vector<16xi32>], vector<16xf32>,
      %get3A_307 = arith.constant 48 : index
      %get3A_308 = tpu.vector_load %arg13[%get3A_307] {strides = array<i32>} : memref<128xi32, #tpu.memory_space<vmem>>, vector<16xi32>,
      tpu.vector_store_idx %arg19[%get3A_308], %broadcast_in_dim3A_23 {add = true} : memref<10112xf32, #tpu.memory_space<vmem>>[vector<16xi32>], vector<16xf32>,
      %get3A_309 = arith.constant 64 : index
      %get3A_310 = tpu.vector_load %arg13[%get3A_309] {strides = array<i32>} : memref<128xi32, #tpu.memory_space<vmem>>, vector<16xi32>,
      tpu.vector_store_idx %arg19[%get3A_310], %broadcast_in_dim3A_23 {add = true} : memref<10112xf32, #tpu.memory_space<vmem>>[vector<16xi32>], vector<16xf32>,
      %get3A_311 = arith.constant 80 : index
      %get3A_312 = tpu.vector_load %arg13[%get3A_311] {strides = array<i32>} : memref<128xi32, #tpu.memory_space<vmem>>, vector<16xi32>,
      tpu.vector_store_idx %arg19[%get3A_312], %broadcast_in_dim3A_23 {add = true} : memref<10112xf32, #tpu.memory_space<vmem>>[vector<16xi32>], vector<16xf32>,
      %get3A_313 = arith.constant 96 : index
      %get3A_314 = tpu.vector_load %arg13[%get3A_313] {strides = array<i32>} : memref<128xi32, #tpu.memory_space<vmem>>, vector<16xi32>,
      tpu.vector_store_idx %arg19[%get3A_314], %broadcast_in_dim3A_23 {add = true} : memref<10112xf32, #tpu.memory_space<vmem>>[vector<16xi32>], vector<16xf32>,
      %get3A_315 = arith.constant 112 : index
      %get3A_316 = tpu.vector_load %arg13[%get3A_315] {strides = array<i32>} : memref<128xi32, #tpu.memory_space<vmem>>, vector<16xi32>,
      tpu.vector_store_idx %arg19[%get3A_316], %broadcast_in_dim3A_23 {add = true} : memref<10112xf32, #tpu.memory_space<vmem>>[vector<16xi32>], vector<16xf32>,
      %add3A_317 = arith.constant 4 : i32
      %add3A_318 = arith.addi %mul3A_287, %add3A_317 : i32
      %mul3A_319 = arith.constant 128 : i32
      %mul3A_320 = arith.muli %add3A_318, %mul3A_319 : i32
      %add3A_321 = arith.addi %mul3A_4, %mul3A_320 : i32
      %multiple_of3A_322 = tpu.assume_multiple %add3A_321, 8 : i32
      %dma_start3A_323 = tpu.memref_slice %arg3[%multiple_of3A_322] : memref<323584xi32, #tpu.memory_space<hbm>> -> memref<128xi32, #tpu.memory_space<hbm>>
      %dma_start3A_324 = tpu.memref_slice %arg3[%multiple_of3A_322] : memref<323584xi32, #tpu.memory_space<hbm>> -> memref<128xi32, #tpu.memory_space<hbm>>
      tpu.enqueue_dma source(%dma_start3A_324 : memref<128xi32, #tpu.memory_space<hbm>>) target(%arg9 : memref<128xi32, #tpu.memory_space<vmem>>) target_semaphore(%arg22 : memref<!tpu.dma_semaphore, #tpu.memory_space<semaphore_mem>>)
      %dma_start3A_325 = tpu.memref_slice %arg4[%multiple_of3A_322] : memref<323584xi32, #tpu.memory_space<hbm>> -> memref<128xi32, #tpu.memory_space<hbm>>
      %dma_start3A_326 = tpu.memref_slice %arg4[%multiple_of3A_322] : memref<323584xi32, #tpu.memory_space<hbm>> -> memref<128xi32, #tpu.memory_space<hbm>>
      tpu.enqueue_dma source(%dma_start3A_326 : memref<128xi32, #tpu.memory_space<hbm>>) target(%arg13 : memref<128xi32, #tpu.memory_space<vmem>>) target_semaphore(%arg22 : memref<!tpu.dma_semaphore, #tpu.memory_space<semaphore_mem>>)
      %dma_start3A_327 = arith.constant 0 : i32
      %dma_start3A_328 = arith.constant 0 : i32
      %dma_start3A_329 = tpu.memref_slice %arg2[%dma_start3A_327, %dma_start3A_328] : memref<10112x128xf32, #tpu.memory_space<hbm>> -> memref<10112x128xf32, #tpu.memory_space<hbm>>
      tpu.enqueue_indirect_dma source(%dma_start3A_329 : memref<10112x128xf32, #tpu.memory_space<hbm>>) target(%arg17 : memref<128x128xf32, #tpu.memory_space<vmem>>) offsets(%arg11 : memref<128xi32, #tpu.memory_space<vmem>>) semaphore(%arg20 : memref<!tpu.dma_semaphore, #tpu.memory_space<semaphore_mem>>)
      %add3A_330 = arith.constant 3 : i32
      %add3A_331 = arith.addi %mul3A_287, %add3A_330 : i32
      %mul3A_332 = arith.constant 128 : i32
      %mul3A_333 = arith.muli %add3A_331, %mul3A_332 : i32
      %add3A_334 = arith.addi %mul3A_4, %mul3A_333 : i32
      %multiple_of3A_335 = tpu.assume_multiple %add3A_334, 8 : i32
      %dma_wait3A_336 = tpu.memref_slice %arg3[%multiple_of3A_335] : memref<323584xi32, #tpu.memory_space<hbm>> -> memref<128xi32, #tpu.memory_space<hbm>>
      %dma_wait3A_337 = tpu.memref_slice %arg3[%multiple_of3A_335] : memref<323584xi32, #tpu.memory_space<hbm>> -> memref<128xi32, #tpu.memory_space<hbm>>
      tpu.wait_dma2 semaphore(%arg25 : memref<!tpu.dma_semaphore, #tpu.memory_space<semaphore_mem>>) src(%dma_wait3A_337 : memref<128xi32, #tpu.memory_space<hbm>>) dst(%arg12 : memref<128xi32, #tpu.memory_space<vmem>>)
      %dma_wait3A_338 = tpu.memref_slice %arg4[%multiple_of3A_335] : memref<323584xi32, #tpu.memory_space<hbm>> -> memref<128xi32, #tpu.memory_space<hbm>>
      %dma_wait3A_339 = tpu.memref_slice %arg4[%multiple_of3A_335] : memref<323584xi32, #tpu.memory_space<hbm>> -> memref<128xi32, #tpu.memory_space<hbm>>
      tpu.wait_dma2 semaphore(%arg25 : memref<!tpu.dma_semaphore, #tpu.memory_space<semaphore_mem>>) src(%dma_wait3A_339 : memref<128xi32, #tpu.memory_space<hbm>>) dst(%arg16 : memref<128xi32, #tpu.memory_space<vmem>>)
      %dma_wait3A_340 = arith.constant 0 : i32
      %dma_wait3A_341 = arith.constant 0 : i32
      %dma_wait3A_342 = tpu.memref_slice %arg2[%dma_wait3A_340, %dma_wait3A_341] : memref<10112x128xf32, #tpu.memory_space<hbm>> -> memref<10112x128xf32, #tpu.memory_space<hbm>>
      tpu.wait_indirect_dma semaphore(%arg21 : memref<!tpu.dma_semaphore, #tpu.memory_space<semaphore_mem>>) src(%dma_wait3A_342 : memref<10112x128xf32, #tpu.memory_space<hbm>>) dst(%arg18 : memref<128x128xf32, #tpu.memory_space<vmem>>)
      "tpu.region"() ({
        %run_scoped3A = tpu.sem_alloc : memref<!tpu.dma_semaphore, #tpu.memory_space<semaphore_mem>>
        %dma_start3A_457 = arith.constant 0 : i32
        %dma_start3A_458 = arith.constant 0 : i32
        %dma_start3A_459 = tpu.memref_slice %arg8[%dma_start3A_457, %dma_start3A_458] : memref<10112x128xf32, #tpu.memory_space<vmem_shared>> -> memref<10112x128xf32, #tpu.memory_space<vmem_shared>>
        tpu.enqueue_indirect_dma source(%arg18 : memref<128x128xf32, #tpu.memory_space<vmem>>) target(%dma_start3A_459 : memref<10112x128xf32, #tpu.memory_space<vmem_shared>>) offsets(%arg14 : memref<128xi32, #tpu.memory_space<vmem>>) semaphore(%run_scoped3A : memref<!tpu.dma_semaphore, #tpu.memory_space<semaphore_mem>>) {add = true}
        %dma_wait3A_460 = arith.constant 0 : i32
        %dma_wait3A_461 = arith.constant 0 : i32
        %dma_wait3A_462 = tpu.memref_slice %arg8[%dma_wait3A_460, %dma_wait3A_461] : memref<10112x128xf32, #tpu.memory_space<vmem_shared>> -> memref<10112x128xf32, #tpu.memory_space<vmem_shared>>
        tpu.wait_indirect_dma semaphore(%run_scoped3A : memref<!tpu.dma_semaphore, #tpu.memory_space<semaphore_mem>>) src(%arg18 : memref<128x128xf32, #tpu.memory_space<vmem>>) dst(%dma_wait3A_462 : memref<10112x128xf32, #tpu.memory_space<vmem_shared>>)
        tpu.yield
      }) : () -> ()
      %get3A_343 = arith.constant 0 : index
      %get3A_344 = tpu.vector_load %arg14[%get3A_343] {strides = array<i32>} : memref<128xi32, #tpu.memory_space<vmem>>, vector<16xi32>,
      tpu.vector_store_idx %arg19[%get3A_344], %broadcast_in_dim3A_23 {add = true} : memref<10112xf32, #tpu.memory_space<vmem>>[vector<16xi32>], vector<16xf32>,
      %get3A_345 = arith.constant 16 : index
      %get3A_346 = tpu.vector_load %arg14[%get3A_345] {strides = array<i32>} : memref<128xi32, #tpu.memory_space<vmem>>, vector<16xi32>,
      tpu.vector_store_idx %arg19[%get3A_346], %broadcast_in_dim3A_23 {add = true} : memref<10112xf32, #tpu.memory_space<vmem>>[vector<16xi32>], vector<16xf32>,
      %get3A_347 = arith.constant 32 : index
      %get3A_348 = tpu.vector_load %arg14[%get3A_347] {strides = array<i32>} : memref<128xi32, #tpu.memory_space<vmem>>, vector<16xi32>,
      tpu.vector_store_idx %arg19[%get3A_348], %broadcast_in_dim3A_23 {add = true} : memref<10112xf32, #tpu.memory_space<vmem>>[vector<16xi32>], vector<16xf32>,
      %get3A_349 = arith.constant 48 : index
      %get3A_350 = tpu.vector_load %arg14[%get3A_349] {strides = array<i32>} : memref<128xi32, #tpu.memory_space<vmem>>, vector<16xi32>,
      tpu.vector_store_idx %arg19[%get3A_350], %broadcast_in_dim3A_23 {add = true} : memref<10112xf32, #tpu.memory_space<vmem>>[vector<16xi32>], vector<16xf32>,
      %get3A_351 = arith.constant 64 : index
      %get3A_352 = tpu.vector_load %arg14[%get3A_351] {strides = array<i32>} : memref<128xi32, #tpu.memory_space<vmem>>, vector<16xi32>,
      tpu.vector_store_idx %arg19[%get3A_352], %broadcast_in_dim3A_23 {add = true} : memref<10112xf32, #tpu.memory_space<vmem>>[vector<16xi32>], vector<16xf32>,
      %get3A_353 = arith.constant 80 : index
      %get3A_354 = tpu.vector_load %arg14[%get3A_353] {strides = array<i32>} : memref<128xi32, #tpu.memory_space<vmem>>, vector<16xi32>,
      tpu.vector_store_idx %arg19[%get3A_354], %broadcast_in_dim3A_23 {add = true} : memref<10112xf32, #tpu.memory_space<vmem>>[vector<16xi32>], vector<16xf32>,
      %get3A_355 = arith.constant 96 : index
      %get3A_356 = tpu.vector_load %arg14[%get3A_355] {strides = array<i32>} : memref<128xi32, #tpu.memory_space<vmem>>, vector<16xi32>,
      tpu.vector_store_idx %arg19[%get3A_356], %broadcast_in_dim3A_23 {add = true} : memref<10112xf32, #tpu.memory_space<vmem>>[vector<16xi32>], vector<16xf32>,
      %get3A_357 = arith.constant 112 : index
      %get3A_358 = tpu.vector_load %arg14[%get3A_357] {strides = array<i32>} : memref<128xi32, #tpu.memory_space<vmem>>, vector<16xi32>,
      tpu.vector_store_idx %arg19[%get3A_358], %broadcast_in_dim3A_23 {add = true} : memref<10112xf32, #tpu.memory_space<vmem>>[vector<16xi32>], vector<16xf32>,
      %add3A_359 = arith.constant 5 : i32
      %add3A_360 = arith.addi %mul3A_287, %add3A_359 : i32
      %mul3A_361 = arith.constant 128 : i32
      %mul3A_362 = arith.muli %add3A_360, %mul3A_361 : i32
      %add3A_363 = arith.addi %mul3A_4, %mul3A_362 : i32
      %multiple_of3A_364 = tpu.assume_multiple %add3A_363, 8 : i32
      %dma_start3A_365 = tpu.memref_slice %arg3[%multiple_of3A_364] : memref<323584xi32, #tpu.memory_space<hbm>> -> memref<128xi32, #tpu.memory_space<hbm>>
      %dma_start3A_366 = tpu.memref_slice %arg3[%multiple_of3A_364] : memref<323584xi32, #tpu.memory_space<hbm>> -> memref<128xi32, #tpu.memory_space<hbm>>
      tpu.enqueue_dma source(%dma_start3A_366 : memref<128xi32, #tpu.memory_space<hbm>>) target(%arg10 : memref<128xi32, #tpu.memory_space<vmem>>) target_semaphore(%arg23 : memref<!tpu.dma_semaphore, #tpu.memory_space<semaphore_mem>>)
      %dma_start3A_367 = tpu.memref_slice %arg4[%multiple_of3A_364] : memref<323584xi32, #tpu.memory_space<hbm>> -> memref<128xi32, #tpu.memory_space<hbm>>
      %dma_start3A_368 = tpu.memref_slice %arg4[%multiple_of3A_364] : memref<323584xi32, #tpu.memory_space<hbm>> -> memref<128xi32, #tpu.memory_space<hbm>>
      tpu.enqueue_dma source(%dma_start3A_368 : memref<128xi32, #tpu.memory_space<hbm>>) target(%arg14 : memref<128xi32, #tpu.memory_space<vmem>>) target_semaphore(%arg23 : memref<!tpu.dma_semaphore, #tpu.memory_space<semaphore_mem>>)
      %dma_start3A_369 = arith.constant 0 : i32
      %dma_start3A_370 = arith.constant 0 : i32
      %dma_start3A_371 = tpu.memref_slice %arg2[%dma_start3A_369, %dma_start3A_370] : memref<10112x128xf32, #tpu.memory_space<hbm>> -> memref<10112x128xf32, #tpu.memory_space<hbm>>
      tpu.enqueue_indirect_dma source(%dma_start3A_371 : memref<10112x128xf32, #tpu.memory_space<hbm>>) target(%arg18 : memref<128x128xf32, #tpu.memory_space<vmem>>) offsets(%arg12 : memref<128xi32, #tpu.memory_space<vmem>>) semaphore(%arg21 : memref<!tpu.dma_semaphore, #tpu.memory_space<semaphore_mem>>)
      %add3A_372 = arith.constant 4 : i32
      %add3A_373 = arith.addi %mul3A_287, %add3A_372 : i32
      %mul3A_374 = arith.constant 128 : i32
      %mul3A_375 = arith.muli %add3A_373, %mul3A_374 : i32
      %add3A_376 = arith.addi %mul3A_4, %mul3A_375 : i32
      %multiple_of3A_377 = tpu.assume_multiple %add3A_376, 8 : i32
      %dma_wait3A_378 = tpu.memref_slice %arg3[%multiple_of3A_377] : memref<323584xi32, #tpu.memory_space<hbm>> -> memref<128xi32, #tpu.memory_space<hbm>>
      %dma_wait3A_379 = tpu.memref_slice %arg3[%multiple_of3A_377] : memref<323584xi32, #tpu.memory_space<hbm>> -> memref<128xi32, #tpu.memory_space<hbm>>
      tpu.wait_dma2 semaphore(%arg22 : memref<!tpu.dma_semaphore, #tpu.memory_space<semaphore_mem>>) src(%dma_wait3A_379 : memref<128xi32, #tpu.memory_space<hbm>>) dst(%arg9 : memref<128xi32, #tpu.memory_space<vmem>>)
      %dma_wait3A_380 = tpu.memref_slice %arg4[%multiple_of3A_377] : memref<323584xi32, #tpu.memory_space<hbm>> -> memref<128xi32, #tpu.memory_space<hbm>>
      %dma_wait3A_381 = tpu.memref_slice %arg4[%multiple_of3A_377] : memref<323584xi32, #tpu.memory_space<hbm>> -> memref<128xi32, #tpu.memory_space<hbm>>
      tpu.wait_dma2 semaphore(%arg22 : memref<!tpu.dma_semaphore, #tpu.memory_space<semaphore_mem>>) src(%dma_wait3A_381 : memref<128xi32, #tpu.memory_space<hbm>>) dst(%arg13 : memref<128xi32, #tpu.memory_space<vmem>>)
      %dma_wait3A_382 = arith.constant 0 : i32
      %dma_wait3A_383 = arith.constant 0 : i32
      %dma_wait3A_384 = tpu.memref_slice %arg2[%dma_wait3A_382, %dma_wait3A_383] : memref<10112x128xf32, #tpu.memory_space<hbm>> -> memref<10112x128xf32, #tpu.memory_space<hbm>>
      tpu.wait_indirect_dma semaphore(%arg20 : memref<!tpu.dma_semaphore, #tpu.memory_space<semaphore_mem>>) src(%dma_wait3A_384 : memref<10112x128xf32, #tpu.memory_space<hbm>>) dst(%arg17 : memref<128x128xf32, #tpu.memory_space<vmem>>)
      "tpu.region"() ({
        %run_scoped3A = tpu.sem_alloc : memref<!tpu.dma_semaphore, #tpu.memory_space<semaphore_mem>>
        %dma_start3A_457 = arith.constant 0 : i32
        %dma_start3A_458 = arith.constant 0 : i32
        %dma_start3A_459 = tpu.memref_slice %arg8[%dma_start3A_457, %dma_start3A_458] : memref<10112x128xf32, #tpu.memory_space<vmem_shared>> -> memref<10112x128xf32, #tpu.memory_space<vmem_shared>>
        tpu.enqueue_indirect_dma source(%arg17 : memref<128x128xf32, #tpu.memory_space<vmem>>) target(%dma_start3A_459 : memref<10112x128xf32, #tpu.memory_space<vmem_shared>>) offsets(%arg15 : memref<128xi32, #tpu.memory_space<vmem>>) semaphore(%run_scoped3A : memref<!tpu.dma_semaphore, #tpu.memory_space<semaphore_mem>>) {add = true}
        %dma_wait3A_460 = arith.constant 0 : i32
        %dma_wait3A_461 = arith.constant 0 : i32
        %dma_wait3A_462 = tpu.memref_slice %arg8[%dma_wait3A_460, %dma_wait3A_461] : memref<10112x128xf32, #tpu.memory_space<vmem_shared>> -> memref<10112x128xf32, #tpu.memory_space<vmem_shared>>
        tpu.wait_indirect_dma semaphore(%run_scoped3A : memref<!tpu.dma_semaphore, #tpu.memory_space<semaphore_mem>>) src(%arg17 : memref<128x128xf32, #tpu.memory_space<vmem>>) dst(%dma_wait3A_462 : memref<10112x128xf32, #tpu.memory_space<vmem_shared>>)
        tpu.yield
      }) : () -> ()
      %get3A_385 = arith.constant 0 : index
      %get3A_386 = tpu.vector_load %arg15[%get3A_385] {strides = array<i32>} : memref<128xi32, #tpu.memory_space<vmem>>, vector<16xi32>,
      tpu.vector_store_idx %arg19[%get3A_386], %broadcast_in_dim3A_23 {add = true} : memref<10112xf32, #tpu.memory_space<vmem>>[vector<16xi32>], vector<16xf32>,
      %get3A_387 = arith.constant 16 : index
      %get3A_388 = tpu.vector_load %arg15[%get3A_387] {strides = array<i32>} : memref<128xi32, #tpu.memory_space<vmem>>, vector<16xi32>,
      tpu.vector_store_idx %arg19[%get3A_388], %broadcast_in_dim3A_23 {add = true} : memref<10112xf32, #tpu.memory_space<vmem>>[vector<16xi32>], vector<16xf32>,
      %get3A_389 = arith.constant 32 : index
      %get3A_390 = tpu.vector_load %arg15[%get3A_389] {strides = array<i32>} : memref<128xi32, #tpu.memory_space<vmem>>, vector<16xi32>,
      tpu.vector_store_idx %arg19[%get3A_390], %broadcast_in_dim3A_23 {add = true} : memref<10112xf32, #tpu.memory_space<vmem>>[vector<16xi32>], vector<16xf32>,
      %get3A_391 = arith.constant 48 : index
      %get3A_392 = tpu.vector_load %arg15[%get3A_391] {strides = array<i32>} : memref<128xi32, #tpu.memory_space<vmem>>, vector<16xi32>,
      tpu.vector_store_idx %arg19[%get3A_392], %broadcast_in_dim3A_23 {add = true} : memref<10112xf32, #tpu.memory_space<vmem>>[vector<16xi32>], vector<16xf32>,
      %get3A_393 = arith.constant 64 : index
      %get3A_394 = tpu.vector_load %arg15[%get3A_393] {strides = array<i32>} : memref<128xi32, #tpu.memory_space<vmem>>, vector<16xi32>,
      tpu.vector_store_idx %arg19[%get3A_394], %broadcast_in_dim3A_23 {add = true} : memref<10112xf32, #tpu.memory_space<vmem>>[vector<16xi32>], vector<16xf32>,
      %get3A_395 = arith.constant 80 : index
      %get3A_396 = tpu.vector_load %arg15[%get3A_395] {strides = array<i32>} : memref<128xi32, #tpu.memory_space<vmem>>, vector<16xi32>,
      tpu.vector_store_idx %arg19[%get3A_396], %broadcast_in_dim3A_23 {add = true} : memref<10112xf32, #tpu.memory_space<vmem>>[vector<16xi32>], vector<16xf32>,
      %get3A_397 = arith.constant 96 : index
      %get3A_398 = tpu.vector_load %arg15[%get3A_397] {strides = array<i32>} : memref<128xi32, #tpu.memory_space<vmem>>, vector<16xi32>,
      tpu.vector_store_idx %arg19[%get3A_398], %broadcast_in_dim3A_23 {add = true} : memref<10112xf32, #tpu.memory_space<vmem>>[vector<16xi32>], vector<16xf32>,
      %get3A_399 = arith.constant 112 : index
      %get3A_400 = tpu.vector_load %arg15[%get3A_399] {strides = array<i32>} : memref<128xi32, #tpu.memory_space<vmem>>, vector<16xi32>,
      tpu.vector_store_idx %arg19[%get3A_400], %broadcast_in_dim3A_23 {add = true} : memref<10112xf32, #tpu.memory_space<vmem>>[vector<16xi32>], vector<16xf32>,
      %add3A_401 = arith.constant 6 : i32
      %add3A_402 = arith.addi %mul3A_287, %add3A_401 : i32
      %mul3A_403 = arith.constant 128 : i32
      %mul3A_404 = arith.muli %add3A_402, %mul3A_403 : i32
      %add3A_405 = arith.addi %mul3A_4, %mul3A_404 : i32
      %multiple_of3A_406 = tpu.assume_multiple %add3A_405, 8 : i32
      %dma_start3A_407 = tpu.memref_slice %arg3[%multiple_of3A_406] : memref<323584xi32, #tpu.memory_space<hbm>> -> memref<128xi32, #tpu.memory_space<hbm>>
      %dma_start3A_408 = tpu.memref_slice %arg3[%multiple_of3A_406] : memref<323584xi32, #tpu.memory_space<hbm>> -> memref<128xi32, #tpu.memory_space<hbm>>
      tpu.enqueue_dma source(%dma_start3A_408 : memref<128xi32, #tpu.memory_space<hbm>>) target(%arg11 : memref<128xi32, #tpu.memory_space<vmem>>) target_semaphore(%arg24 : memref<!tpu.dma_semaphore, #tpu.memory_space<semaphore_mem>>)
      %dma_start3A_409 = tpu.memref_slice %arg4[%multiple_of3A_406] : memref<323584xi32, #tpu.memory_space<hbm>> -> memref<128xi32, #tpu.memory_space<hbm>>
      %dma_start3A_410 = tpu.memref_slice %arg4[%multiple_of3A_406] : memref<323584xi32, #tpu.memory_space<hbm>> -> memref<128xi32, #tpu.memory_space<hbm>>
      tpu.enqueue_dma source(%dma_start3A_410 : memref<128xi32, #tpu.memory_space<hbm>>) target(%arg15 : memref<128xi32, #tpu.memory_space<vmem>>) target_semaphore(%arg24 : memref<!tpu.dma_semaphore, #tpu.memory_space<semaphore_mem>>)
      %dma_start3A_411 = arith.constant 0 : i32
      %dma_start3A_412 = arith.constant 0 : i32
      %dma_start3A_413 = tpu.memref_slice %arg2[%dma_start3A_411, %dma_start3A_412] : memref<10112x128xf32, #tpu.memory_space<hbm>> -> memref<10112x128xf32, #tpu.memory_space<hbm>>
      tpu.enqueue_indirect_dma source(%dma_start3A_413 : memref<10112x128xf32, #tpu.memory_space<hbm>>) target(%arg17 : memref<128x128xf32, #tpu.memory_space<vmem>>) offsets(%arg9 : memref<128xi32, #tpu.memory_space<vmem>>) semaphore(%arg20 : memref<!tpu.dma_semaphore, #tpu.memory_space<semaphore_mem>>)
      %add3A_414 = arith.constant 5 : i32
      %add3A_415 = arith.addi %mul3A_287, %add3A_414 : i32
      %mul3A_416 = arith.constant 128 : i32
      %mul3A_417 = arith.muli %add3A_415, %mul3A_416 : i32
      %add3A_418 = arith.addi %mul3A_4, %mul3A_417 : i32
      %multiple_of3A_419 = tpu.assume_multiple %add3A_418, 8 : i32
      %dma_wait3A_420 = tpu.memref_slice %arg3[%multiple_of3A_419] : memref<323584xi32, #tpu.memory_space<hbm>> -> memref<128xi32, #tpu.memory_space<hbm>>
      %dma_wait3A_421 = tpu.memref_slice %arg3[%multiple_of3A_419] : memref<323584xi32, #tpu.memory_space<hbm>> -> memref<128xi32, #tpu.memory_space<hbm>>
      tpu.wait_dma2 semaphore(%arg23 : memref<!tpu.dma_semaphore, #tpu.memory_space<semaphore_mem>>) src(%dma_wait3A_421 : memref<128xi32, #tpu.memory_space<hbm>>) dst(%arg10 : memref<128xi32, #tpu.memory_space<vmem>>)
      %dma_wait3A_422 = tpu.memref_slice %arg4[%multiple_of3A_419] : memref<323584xi32, #tpu.memory_space<hbm>> -> memref<128xi32, #tpu.memory_space<hbm>>
      %dma_wait3A_423 = tpu.memref_slice %arg4[%multiple_of3A_419] : memref<323584xi32, #tpu.memory_space<hbm>> -> memref<128xi32, #tpu.memory_space<hbm>>
      tpu.wait_dma2 semaphore(%arg23 : memref<!tpu.dma_semaphore, #tpu.memory_space<semaphore_mem>>) src(%dma_wait3A_423 : memref<128xi32, #tpu.memory_space<hbm>>) dst(%arg14 : memref<128xi32, #tpu.memory_space<vmem>>)
      %dma_wait3A_424 = arith.constant 0 : i32
      %dma_wait3A_425 = arith.constant 0 : i32
      %dma_wait3A_426 = tpu.memref_slice %arg2[%dma_wait3A_424, %dma_wait3A_425] : memref<10112x128xf32, #tpu.memory_space<hbm>> -> memref<10112x128xf32, #tpu.memory_space<hbm>>
      tpu.wait_indirect_dma semaphore(%arg21 : memref<!tpu.dma_semaphore, #tpu.memory_space<semaphore_mem>>) src(%dma_wait3A_426 : memref<10112x128xf32, #tpu.memory_space<hbm>>) dst(%arg18 : memref<128x128xf32, #tpu.memory_space<vmem>>)
      "tpu.region"() ({
        %run_scoped3A = tpu.sem_alloc : memref<!tpu.dma_semaphore, #tpu.memory_space<semaphore_mem>>
        %dma_start3A_457 = arith.constant 0 : i32
        %dma_start3A_458 = arith.constant 0 : i32
        %dma_start3A_459 = tpu.memref_slice %arg8[%dma_start3A_457, %dma_start3A_458] : memref<10112x128xf32, #tpu.memory_space<vmem_shared>> -> memref<10112x128xf32, #tpu.memory_space<vmem_shared>>
        tpu.enqueue_indirect_dma source(%arg18 : memref<128x128xf32, #tpu.memory_space<vmem>>) target(%dma_start3A_459 : memref<10112x128xf32, #tpu.memory_space<vmem_shared>>) offsets(%arg16 : memref<128xi32, #tpu.memory_space<vmem>>) semaphore(%run_scoped3A : memref<!tpu.dma_semaphore, #tpu.memory_space<semaphore_mem>>) {add = true}
        %dma_wait3A_460 = arith.constant 0 : i32
        %dma_wait3A_461 = arith.constant 0 : i32
        %dma_wait3A_462 = tpu.memref_slice %arg8[%dma_wait3A_460, %dma_wait3A_461] : memref<10112x128xf32, #tpu.memory_space<vmem_shared>> -> memref<10112x128xf32, #tpu.memory_space<vmem_shared>>
        tpu.wait_indirect_dma semaphore(%run_scoped3A : memref<!tpu.dma_semaphore, #tpu.memory_space<semaphore_mem>>) src(%arg18 : memref<128x128xf32, #tpu.memory_space<vmem>>) dst(%dma_wait3A_462 : memref<10112x128xf32, #tpu.memory_space<vmem_shared>>)
        tpu.yield
      }) : () -> ()
      %get3A_427 = arith.constant 0 : index
      %get3A_428 = tpu.vector_load %arg16[%get3A_427] {strides = array<i32>} : memref<128xi32, #tpu.memory_space<vmem>>, vector<16xi32>,
      tpu.vector_store_idx %arg19[%get3A_428], %broadcast_in_dim3A_23 {add = true} : memref<10112xf32, #tpu.memory_space<vmem>>[vector<16xi32>], vector<16xf32>,
      %get3A_429 = arith.constant 16 : index
      %get3A_430 = tpu.vector_load %arg16[%get3A_429] {strides = array<i32>} : memref<128xi32, #tpu.memory_space<vmem>>, vector<16xi32>,
      tpu.vector_store_idx %arg19[%get3A_430], %broadcast_in_dim3A_23 {add = true} : memref<10112xf32, #tpu.memory_space<vmem>>[vector<16xi32>], vector<16xf32>,
      %get3A_431 = arith.constant 32 : index
      %get3A_432 = tpu.vector_load %arg16[%get3A_431] {strides = array<i32>} : memref<128xi32, #tpu.memory_space<vmem>>, vector<16xi32>,
      tpu.vector_store_idx %arg19[%get3A_432], %broadcast_in_dim3A_23 {add = true} : memref<10112xf32, #tpu.memory_space<vmem>>[vector<16xi32>], vector<16xf32>,
      %get3A_433 = arith.constant 48 : index
      %get3A_434 = tpu.vector_load %arg16[%get3A_433] {strides = array<i32>} : memref<128xi32, #tpu.memory_space<vmem>>, vector<16xi32>,
      tpu.vector_store_idx %arg19[%get3A_434], %broadcast_in_dim3A_23 {add = true} : memref<10112xf32, #tpu.memory_space<vmem>>[vector<16xi32>], vector<16xf32>,
      %get3A_435 = arith.constant 64 : index
      %get3A_436 = tpu.vector_load %arg16[%get3A_435] {strides = array<i32>} : memref<128xi32, #tpu.memory_space<vmem>>, vector<16xi32>,
      tpu.vector_store_idx %arg19[%get3A_436], %broadcast_in_dim3A_23 {add = true} : memref<10112xf32, #tpu.memory_space<vmem>>[vector<16xi32>], vector<16xf32>,
      %get3A_437 = arith.constant 80 : index
      %get3A_438 = tpu.vector_load %arg16[%get3A_437] {strides = array<i32>} : memref<128xi32, #tpu.memory_space<vmem>>, vector<16xi32>,
      tpu.vector_store_idx %arg19[%get3A_438], %broadcast_in_dim3A_23 {add = true} : memref<10112xf32, #tpu.memory_space<vmem>>[vector<16xi32>], vector<16xf32>,
      %get3A_439 = arith.constant 96 : index
      %get3A_440 = tpu.vector_load %arg16[%get3A_439] {strides = array<i32>} : memref<128xi32, #tpu.memory_space<vmem>>, vector<16xi32>,
      tpu.vector_store_idx %arg19[%get3A_440], %broadcast_in_dim3A_23 {add = true} : memref<10112xf32, #tpu.memory_space<vmem>>[vector<16xi32>], vector<16xf32>,
      %get3A_441 = arith.constant 112 : index
      %get3A_442 = tpu.vector_load %arg16[%get3A_441] {strides = array<i32>} : memref<128xi32, #tpu.memory_space<vmem>>, vector<16xi32>,
      tpu.vector_store_idx %arg19[%get3A_442], %broadcast_in_dim3A_23 {add = true} : memref<10112xf32, #tpu.memory_space<vmem>>[vector<16xi32>], vector<16xf32>,
      %add3A_443 = arith.constant 7 : i32
      %add3A_444 = arith.addi %mul3A_287, %add3A_443 : i32
      %mul3A_445 = arith.constant 128 : i32
      %mul3A_446 = arith.muli %add3A_444, %mul3A_445 : i32
      %add3A_447 = arith.addi %mul3A_4, %mul3A_446 : i32
      %multiple_of3A_448 = tpu.assume_multiple %add3A_447, 8 : i32
      %dma_start3A_449 = tpu.memref_slice %arg3[%multiple_of3A_448] : memref<323584xi32, #tpu.memory_space<hbm>> -> memref<128xi32, #tpu.memory_space<hbm>>
      %dma_start3A_450 = tpu.memref_slice %arg3[%multiple_of3A_448] : memref<323584xi32, #tpu.memory_space<hbm>> -> memref<128xi32, #tpu.memory_space<hbm>>
      tpu.enqueue_dma source(%dma_start3A_450 : memref<128xi32, #tpu.memory_space<hbm>>) target(%arg12 : memref<128xi32, #tpu.memory_space<vmem>>) target_semaphore(%arg25 : memref<!tpu.dma_semaphore, #tpu.memory_space<semaphore_mem>>)
      %dma_start3A_451 = tpu.memref_slice %arg4[%multiple_of3A_448] : memref<323584xi32, #tpu.memory_space<hbm>> -> memref<128xi32, #tpu.memory_space<hbm>>
      %dma_start3A_452 = tpu.memref_slice %arg4[%multiple_of3A_448] : memref<323584xi32, #tpu.memory_space<hbm>> -> memref<128xi32, #tpu.memory_space<hbm>>
      tpu.enqueue_dma source(%dma_start3A_452 : memref<128xi32, #tpu.memory_space<hbm>>) target(%arg16 : memref<128xi32, #tpu.memory_space<vmem>>) target_semaphore(%arg25 : memref<!tpu.dma_semaphore, #tpu.memory_space<semaphore_mem>>)
      %dma_start3A_453 = arith.constant 0 : i32
      %dma_start3A_454 = arith.constant 0 : i32
      %dma_start3A_455 = tpu.memref_slice %arg2[%dma_start3A_453, %dma_start3A_454] : memref<10112x128xf32, #tpu.memory_space<hbm>> -> memref<10112x128xf32, #tpu.memory_space<hbm>>
      tpu.enqueue_indirect_dma source(%dma_start3A_455 : memref<10112x128xf32, #tpu.memory_space<hbm>>) target(%arg18 : memref<128x128xf32, #tpu.memory_space<vmem>>) offsets(%arg10 : memref<128xi32, #tpu.memory_space<vmem>>) semaphore(%arg21 : memref<!tpu.dma_semaphore, #tpu.memory_space<semaphore_mem>>)
      %scan3A_456 = arith.constant 0 : i32
      scf.yield %scan3A_456 : i32
    }
    %scan3A_76 = arith.constant 18 : i32
    %add3A_77 = arith.constant 9472 : i32
    %add3A_78 = arith.addi %mul3A_4, %add3A_77 : i32
    %multiple_of3A_79 = tpu.assume_multiple %add3A_78, 8 : i32
    %dma_wait3A_80 = tpu.memref_slice %arg3[%multiple_of3A_79] : memref<323584xi32, #tpu.memory_space<hbm>> -> memref<128xi32, #tpu.memory_space<hbm>>
    %dma_wait3A_81 = tpu.memref_slice %arg3[%multiple_of3A_79] : memref<323584xi32, #tpu.memory_space<hbm>> -> memref<128xi32, #tpu.memory_space<hbm>>
    tpu.wait_dma2 semaphore(%arg24 : memref<!tpu.dma_semaphore, #tpu.memory_space<semaphore_mem>>) src(%dma_wait3A_81 : memref<128xi32, #tpu.memory_space<hbm>>) dst(%arg11 : memref<128xi32, #tpu.memory_space<vmem>>)
    %dma_wait3A_82 = tpu.memref_slice %arg4[%multiple_of3A_79] : memref<323584xi32, #tpu.memory_space<hbm>> -> memref<128xi32, #tpu.memory_space<hbm>>
    %dma_wait3A_83 = tpu.memref_slice %arg4[%multiple_of3A_79] : memref<323584xi32, #tpu.memory_space<hbm>> -> memref<128xi32, #tpu.memory_space<hbm>>
    tpu.wait_dma2 semaphore(%arg24 : memref<!tpu.dma_semaphore, #tpu.memory_space<semaphore_mem>>) src(%dma_wait3A_83 : memref<128xi32, #tpu.memory_space<hbm>>) dst(%arg15 : memref<128xi32, #tpu.memory_space<vmem>>)
    %dma_wait3A_84 = arith.constant 0 : i32
    %dma_wait3A_85 = arith.constant 0 : i32
    %dma_wait3A_86 = tpu.memref_slice %arg2[%dma_wait3A_84, %dma_wait3A_85] : memref<10112x128xf32, #tpu.memory_space<hbm>> -> memref<10112x128xf32, #tpu.memory_space<hbm>>
    tpu.wait_indirect_dma semaphore(%arg20 : memref<!tpu.dma_semaphore, #tpu.memory_space<semaphore_mem>>) src(%dma_wait3A_86 : memref<10112x128xf32, #tpu.memory_space<hbm>>) dst(%arg17 : memref<128x128xf32, #tpu.memory_space<vmem>>)
    "tpu.region"() ({
      %run_scoped3A = tpu.sem_alloc : memref<!tpu.dma_semaphore, #tpu.memory_space<semaphore_mem>>
      %dma_start3A_284 = arith.constant 0 : i32
      %dma_start3A_285 = arith.constant 0 : i32
      %dma_start3A_286 = tpu.memref_slice %arg8[%dma_start3A_284, %dma_start3A_285] : memref<10112x128xf32, #tpu.memory_space<vmem_shared>> -> memref<10112x128xf32, #tpu.memory_space<vmem_shared>>
      tpu.enqueue_indirect_dma source(%arg17 : memref<128x128xf32, #tpu.memory_space<vmem>>) target(%dma_start3A_286 : memref<10112x128xf32, #tpu.memory_space<vmem_shared>>) offsets(%arg13 : memref<128xi32, #tpu.memory_space<vmem>>) semaphore(%run_scoped3A : memref<!tpu.dma_semaphore, #tpu.memory_space<semaphore_mem>>) {add = true}
      %dma_wait3A_287 = arith.constant 0 : i32
      %dma_wait3A_288 = arith.constant 0 : i32
      %dma_wait3A_289 = tpu.memref_slice %arg8[%dma_wait3A_287, %dma_wait3A_288] : memref<10112x128xf32, #tpu.memory_space<vmem_shared>> -> memref<10112x128xf32, #tpu.memory_space<vmem_shared>>
      tpu.wait_indirect_dma semaphore(%run_scoped3A : memref<!tpu.dma_semaphore, #tpu.memory_space<semaphore_mem>>) src(%arg17 : memref<128x128xf32, #tpu.memory_space<vmem>>) dst(%dma_wait3A_289 : memref<10112x128xf32, #tpu.memory_space<vmem_shared>>)
      tpu.yield
    }) : () -> ()
    %get3A = arith.constant 0 : index
    %get3A_87 = tpu.vector_load %arg13[%get3A] {strides = array<i32>} : memref<128xi32, #tpu.memory_space<vmem>>, vector<16xi32>,
    tpu.vector_store_idx %arg19[%get3A_87], %broadcast_in_dim3A_23 {add = true} : memref<10112xf32, #tpu.memory_space<vmem>>[vector<16xi32>], vector<16xf32>,
    %get3A_88 = arith.constant 16 : index
    %get3A_89 = tpu.vector_load %arg13[%get3A_88] {strides = array<i32>} : memref<128xi32, #tpu.memory_space<vmem>>, vector<16xi32>,
    tpu.vector_store_idx %arg19[%get3A_89], %broadcast_in_dim3A_23 {add = true} : memref<10112xf32, #tpu.memory_space<vmem>>[vector<16xi32>], vector<16xf32>,
    %get3A_90 = arith.constant 32 : index
    %get3A_91 = tpu.vector_load %arg13[%get3A_90] {strides = array<i32>} : memref<128xi32, #tpu.memory_space<vmem>>, vector<16xi32>,
    tpu.vector_store_idx %arg19[%get3A_91], %broadcast_in_dim3A_23 {add = true} : memref<10112xf32, #tpu.memory_space<vmem>>[vector<16xi32>], vector<16xf32>,
    %get3A_92 = arith.constant 48 : index
    %get3A_93 = tpu.vector_load %arg13[%get3A_92] {strides = array<i32>} : memref<128xi32, #tpu.memory_space<vmem>>, vector<16xi32>,
    tpu.vector_store_idx %arg19[%get3A_93], %broadcast_in_dim3A_23 {add = true} : memref<10112xf32, #tpu.memory_space<vmem>>[vector<16xi32>], vector<16xf32>,
    %get3A_94 = arith.constant 64 : index
    %get3A_95 = tpu.vector_load %arg13[%get3A_94] {strides = array<i32>} : memref<128xi32, #tpu.memory_space<vmem>>, vector<16xi32>,
    tpu.vector_store_idx %arg19[%get3A_95], %broadcast_in_dim3A_23 {add = true} : memref<10112xf32, #tpu.memory_space<vmem>>[vector<16xi32>], vector<16xf32>,
    %get3A_96 = arith.constant 80 : index
    %get3A_97 = tpu.vector_load %arg13[%get3A_96] {strides = array<i32>} : memref<128xi32, #tpu.memory_space<vmem>>, vector<16xi32>,
    tpu.vector_store_idx %arg19[%get3A_97], %broadcast_in_dim3A_23 {add = true} : memref<10112xf32, #tpu.memory_space<vmem>>[vector<16xi32>], vector<16xf32>,
    %get3A_98 = arith.constant 96 : index
    %get3A_99 = tpu.vector_load %arg13[%get3A_98] {strides = array<i32>} : memref<128xi32, #tpu.memory_space<vmem>>, vector<16xi32>,
    tpu.vector_store_idx %arg19[%get3A_99], %broadcast_in_dim3A_23 {add = true} : memref<10112xf32, #tpu.memory_space<vmem>>[vector<16xi32>], vector<16xf32>,
    %get3A_100 = arith.constant 112 : index
    %get3A_101 = tpu.vector_load %arg13[%get3A_100] {strides = array<i32>} : memref<128xi32, #tpu.memory_space<vmem>>, vector<16xi32>,
    tpu.vector_store_idx %arg19[%get3A_101], %broadcast_in_dim3A_23 {add = true} : memref<10112xf32, #tpu.memory_space<vmem>>[vector<16xi32>], vector<16xf32>,
    %add3A_102 = arith.constant 9728 : i32
    %add3A_103 = arith.addi %mul3A_4, %add3A_102 : i32
    %multiple_of3A_104 = tpu.assume_multiple %add3A_103, 8 : i32
    %dma_start3A_105 = tpu.memref_slice %arg3[%multiple_of3A_104] : memref<323584xi32, #tpu.memory_space<hbm>> -> memref<128xi32, #tpu.memory_space<hbm>>
    %dma_start3A_106 = tpu.memref_slice %arg3[%multiple_of3A_104] : memref<323584xi32, #tpu.memory_space<hbm>> -> memref<128xi32, #tpu.memory_space<hbm>>
    tpu.enqueue_dma source(%dma_start3A_106 : memref<128xi32, #tpu.memory_space<hbm>>) target(%arg9 : memref<128xi32, #tpu.memory_space<vmem>>) target_semaphore(%arg22 : memref<!tpu.dma_semaphore, #tpu.memory_space<semaphore_mem>>)
    %dma_start3A_107 = tpu.memref_slice %arg4[%multiple_of3A_104] : memref<323584xi32, #tpu.memory_space<hbm>> -> memref<128xi32, #tpu.memory_space<hbm>>
    %dma_start3A_108 = tpu.memref_slice %arg4[%multiple_of3A_104] : memref<323584xi32, #tpu.memory_space<hbm>> -> memref<128xi32, #tpu.memory_space<hbm>>
    tpu.enqueue_dma source(%dma_start3A_108 : memref<128xi32, #tpu.memory_space<hbm>>) target(%arg13 : memref<128xi32, #tpu.memory_space<vmem>>) target_semaphore(%arg22 : memref<!tpu.dma_semaphore, #tpu.memory_space<semaphore_mem>>)
    %dma_start3A_109 = arith.constant 0 : i32
    %dma_start3A_110 = arith.constant 0 : i32
    %dma_start3A_111 = tpu.memref_slice %arg2[%dma_start3A_109, %dma_start3A_110] : memref<10112x128xf32, #tpu.memory_space<hbm>> -> memref<10112x128xf32, #tpu.memory_space<hbm>>
    tpu.enqueue_indirect_dma source(%dma_start3A_111 : memref<10112x128xf32, #tpu.memory_space<hbm>>) target(%arg17 : memref<128x128xf32, #tpu.memory_space<vmem>>) offsets(%arg11 : memref<128xi32, #tpu.memory_space<vmem>>) semaphore(%arg20 : memref<!tpu.dma_semaphore, #tpu.memory_space<semaphore_mem>>)
    %add3A_112 = arith.constant 9600 : i32
    %add3A_113 = arith.addi %mul3A_4, %add3A_112 : i32
    %multiple_of3A_114 = tpu.assume_multiple %add3A_113, 8 : i32
    %dma_wait3A_115 = tpu.memref_slice %arg3[%multiple_of3A_114] : memref<323584xi32, #tpu.memory_space<hbm>> -> memref<128xi32, #tpu.memory_space<hbm>>
    %dma_wait3A_116 = tpu.memref_slice %arg3[%multiple_of3A_114] : memref<323584xi32, #tpu.memory_space<hbm>> -> memref<128xi32, #tpu.memory_space<hbm>>
    tpu.wait_dma2 semaphore(%arg25 : memref<!tpu.dma_semaphore, #tpu.memory_space<semaphore_mem>>) src(%dma_wait3A_116 : memref<128xi32, #tpu.memory_space<hbm>>) dst(%arg12 : memref<128xi32, #tpu.memory_space<vmem>>)
    %dma_wait3A_117 = tpu.memref_slice %arg4[%multiple_of3A_114] : memref<323584xi32, #tpu.memory_space<hbm>> -> memref<128xi32, #tpu.memory_space<hbm>>
    %dma_wait3A_118 = tpu.memref_slice %arg4[%multiple_of3A_114] : memref<323584xi32, #tpu.memory_space<hbm>> -> memref<128xi32, #tpu.memory_space<hbm>>
    tpu.wait_dma2 semaphore(%arg25 : memref<!tpu.dma_semaphore, #tpu.memory_space<semaphore_mem>>) src(%dma_wait3A_118 : memref<128xi32, #tpu.memory_space<hbm>>) dst(%arg16 : memref<128xi32, #tpu.memory_space<vmem>>)
    %dma_wait3A_119 = arith.constant 0 : i32
    %dma_wait3A_120 = arith.constant 0 : i32
    %dma_wait3A_121 = tpu.memref_slice %arg2[%dma_wait3A_119, %dma_wait3A_120] : memref<10112x128xf32, #tpu.memory_space<hbm>> -> memref<10112x128xf32, #tpu.memory_space<hbm>>
    tpu.wait_indirect_dma semaphore(%arg21 : memref<!tpu.dma_semaphore, #tpu.memory_space<semaphore_mem>>) src(%dma_wait3A_121 : memref<10112x128xf32, #tpu.memory_space<hbm>>) dst(%arg18 : memref<128x128xf32, #tpu.memory_space<vmem>>)
    "tpu.region"() ({
      %run_scoped3A = tpu.sem_alloc : memref<!tpu.dma_semaphore, #tpu.memory_space<semaphore_mem>>
      %dma_start3A_284 = arith.constant 0 : i32
      %dma_start3A_285 = arith.constant 0 : i32
      %dma_start3A_286 = tpu.memref_slice %arg8[%dma_start3A_284, %dma_start3A_285] : memref<10112x128xf32, #tpu.memory_space<vmem_shared>> -> memref<10112x128xf32, #tpu.memory_space<vmem_shared>>
      tpu.enqueue_indirect_dma source(%arg18 : memref<128x128xf32, #tpu.memory_space<vmem>>) target(%dma_start3A_286 : memref<10112x128xf32, #tpu.memory_space<vmem_shared>>) offsets(%arg14 : memref<128xi32, #tpu.memory_space<vmem>>) semaphore(%run_scoped3A : memref<!tpu.dma_semaphore, #tpu.memory_space<semaphore_mem>>) {add = true}
      %dma_wait3A_287 = arith.constant 0 : i32
      %dma_wait3A_288 = arith.constant 0 : i32
      %dma_wait3A_289 = tpu.memref_slice %arg8[%dma_wait3A_287, %dma_wait3A_288] : memref<10112x128xf32, #tpu.memory_space<vmem_shared>> -> memref<10112x128xf32, #tpu.memory_space<vmem_shared>>
      tpu.wait_indirect_dma semaphore(%run_scoped3A : memref<!tpu.dma_semaphore, #tpu.memory_space<semaphore_mem>>) src(%arg18 : memref<128x128xf32, #tpu.memory_space<vmem>>) dst(%dma_wait3A_289 : memref<10112x128xf32, #tpu.memory_space<vmem_shared>>)
      tpu.yield
    }) : () -> ()
    %get3A_122 = arith.constant 0 : index
    %get3A_123 = tpu.vector_load %arg14[%get3A_122] {strides = array<i32>} : memref<128xi32, #tpu.memory_space<vmem>>, vector<16xi32>,
    tpu.vector_store_idx %arg19[%get3A_123], %broadcast_in_dim3A_23 {add = true} : memref<10112xf32, #tpu.memory_space<vmem>>[vector<16xi32>], vector<16xf32>,
    %get3A_124 = arith.constant 16 : index
    %get3A_125 = tpu.vector_load %arg14[%get3A_124] {strides = array<i32>} : memref<128xi32, #tpu.memory_space<vmem>>, vector<16xi32>,
    tpu.vector_store_idx %arg19[%get3A_125], %broadcast_in_dim3A_23 {add = true} : memref<10112xf32, #tpu.memory_space<vmem>>[vector<16xi32>], vector<16xf32>,
    %get3A_126 = arith.constant 32 : index
    %get3A_127 = tpu.vector_load %arg14[%get3A_126] {strides = array<i32>} : memref<128xi32, #tpu.memory_space<vmem>>, vector<16xi32>,
    tpu.vector_store_idx %arg19[%get3A_127], %broadcast_in_dim3A_23 {add = true} : memref<10112xf32, #tpu.memory_space<vmem>>[vector<16xi32>], vector<16xf32>,
    %get3A_128 = arith.constant 48 : index
    %get3A_129 = tpu.vector_load %arg14[%get3A_128] {strides = array<i32>} : memref<128xi32, #tpu.memory_space<vmem>>, vector<16xi32>,
    tpu.vector_store_idx %arg19[%get3A_129], %broadcast_in_dim3A_23 {add = true} : memref<10112xf32, #tpu.memory_space<vmem>>[vector<16xi32>], vector<16xf32>,
    %get3A_130 = arith.constant 64 : index
    %get3A_131 = tpu.vector_load %arg14[%get3A_130] {strides = array<i32>} : memref<128xi32, #tpu.memory_space<vmem>>, vector<16xi32>,
    tpu.vector_store_idx %arg19[%get3A_131], %broadcast_in_dim3A_23 {add = true} : memref<10112xf32, #tpu.memory_space<vmem>>[vector<16xi32>], vector<16xf32>,
    %get3A_132 = arith.constant 80 : index
    %get3A_133 = tpu.vector_load %arg14[%get3A_132] {strides = array<i32>} : memref<128xi32, #tpu.memory_space<vmem>>, vector<16xi32>,
    tpu.vector_store_idx %arg19[%get3A_133], %broadcast_in_dim3A_23 {add = true} : memref<10112xf32, #tpu.memory_space<vmem>>[vector<16xi32>], vector<16xf32>,
    %get3A_134 = arith.constant 96 : index
    %get3A_135 = tpu.vector_load %arg14[%get3A_134] {strides = array<i32>} : memref<128xi32, #tpu.memory_space<vmem>>, vector<16xi32>,
    tpu.vector_store_idx %arg19[%get3A_135], %broadcast_in_dim3A_23 {add = true} : memref<10112xf32, #tpu.memory_space<vmem>>[vector<16xi32>], vector<16xf32>,
    %get3A_136 = arith.constant 112 : index
    %get3A_137 = tpu.vector_load %arg14[%get3A_136] {strides = array<i32>} : memref<128xi32, #tpu.memory_space<vmem>>, vector<16xi32>,
    tpu.vector_store_idx %arg19[%get3A_137], %broadcast_in_dim3A_23 {add = true} : memref<10112xf32, #tpu.memory_space<vmem>>[vector<16xi32>], vector<16xf32>,
    %add3A_138 = arith.constant 9856 : i32
    %add3A_139 = arith.addi %mul3A_4, %add3A_138 : i32
    %multiple_of3A_140 = tpu.assume_multiple %add3A_139, 8 : i32
    %dma_start3A_141 = tpu.memref_slice %arg3[%multiple_of3A_140] : memref<323584xi32, #tpu.memory_space<hbm>> -> memref<128xi32, #tpu.memory_space<hbm>>
    %dma_start3A_142 = tpu.memref_slice %arg3[%multiple_of3A_140] : memref<323584xi32, #tpu.memory_space<hbm>> -> memref<128xi32, #tpu.memory_space<hbm>>
    tpu.enqueue_dma source(%dma_start3A_142 : memref<128xi32, #tpu.memory_space<hbm>>) target(%arg10 : memref<128xi32, #tpu.memory_space<vmem>>) target_semaphore(%arg23 : memref<!tpu.dma_semaphore, #tpu.memory_space<semaphore_mem>>)
    %dma_start3A_143 = tpu.memref_slice %arg4[%multiple_of3A_140] : memref<323584xi32, #tpu.memory_space<hbm>> -> memref<128xi32, #tpu.memory_space<hbm>>
    %dma_start3A_144 = tpu.memref_slice %arg4[%multiple_of3A_140] : memref<323584xi32, #tpu.memory_space<hbm>> -> memref<128xi32, #tpu.memory_space<hbm>>
    tpu.enqueue_dma source(%dma_start3A_144 : memref<128xi32, #tpu.memory_space<hbm>>) target(%arg14 : memref<128xi32, #tpu.memory_space<vmem>>) target_semaphore(%arg23 : memref<!tpu.dma_semaphore, #tpu.memory_space<semaphore_mem>>)
    %dma_start3A_145 = arith.constant 0 : i32
    %dma_start3A_146 = arith.constant 0 : i32
    %dma_start3A_147 = tpu.memref_slice %arg2[%dma_start3A_145, %dma_start3A_146] : memref<10112x128xf32, #tpu.memory_space<hbm>> -> memref<10112x128xf32, #tpu.memory_space<hbm>>
    tpu.enqueue_indirect_dma source(%dma_start3A_147 : memref<10112x128xf32, #tpu.memory_space<hbm>>) target(%arg18 : memref<128x128xf32, #tpu.memory_space<vmem>>) offsets(%arg12 : memref<128xi32, #tpu.memory_space<vmem>>) semaphore(%arg21 : memref<!tpu.dma_semaphore, #tpu.memory_space<semaphore_mem>>)
    %add3A_148 = arith.constant 9728 : i32
    %add3A_149 = arith.addi %mul3A_4, %add3A_148 : i32
    %multiple_of3A_150 = tpu.assume_multiple %add3A_149, 8 : i32
    %dma_wait3A_151 = tpu.memref_slice %arg3[%multiple_of3A_150] : memref<323584xi32, #tpu.memory_space<hbm>> -> memref<128xi32, #tpu.memory_space<hbm>>
    %dma_wait3A_152 = tpu.memref_slice %arg3[%multiple_of3A_150] : memref<323584xi32, #tpu.memory_space<hbm>> -> memref<128xi32, #tpu.memory_space<hbm>>
    tpu.wait_dma2 semaphore(%arg22 : memref<!tpu.dma_semaphore, #tpu.memory_space<semaphore_mem>>) src(%dma_wait3A_152 : memref<128xi32, #tpu.memory_space<hbm>>) dst(%arg9 : memref<128xi32, #tpu.memory_space<vmem>>)
    %dma_wait3A_153 = tpu.memref_slice %arg4[%multiple_of3A_150] : memref<323584xi32, #tpu.memory_space<hbm>> -> memref<128xi32, #tpu.memory_space<hbm>>
    %dma_wait3A_154 = tpu.memref_slice %arg4[%multiple_of3A_150] : memref<323584xi32, #tpu.memory_space<hbm>> -> memref<128xi32, #tpu.memory_space<hbm>>
    tpu.wait_dma2 semaphore(%arg22 : memref<!tpu.dma_semaphore, #tpu.memory_space<semaphore_mem>>) src(%dma_wait3A_154 : memref<128xi32, #tpu.memory_space<hbm>>) dst(%arg13 : memref<128xi32, #tpu.memory_space<vmem>>)
    %dma_wait3A_155 = arith.constant 0 : i32
    %dma_wait3A_156 = arith.constant 0 : i32
    %dma_wait3A_157 = tpu.memref_slice %arg2[%dma_wait3A_155, %dma_wait3A_156] : memref<10112x128xf32, #tpu.memory_space<hbm>> -> memref<10112x128xf32, #tpu.memory_space<hbm>>
    tpu.wait_indirect_dma semaphore(%arg20 : memref<!tpu.dma_semaphore, #tpu.memory_space<semaphore_mem>>) src(%dma_wait3A_157 : memref<10112x128xf32, #tpu.memory_space<hbm>>) dst(%arg17 : memref<128x128xf32, #tpu.memory_space<vmem>>)
    "tpu.region"() ({
      %run_scoped3A = tpu.sem_alloc : memref<!tpu.dma_semaphore, #tpu.memory_space<semaphore_mem>>
      %dma_start3A_284 = arith.constant 0 : i32
      %dma_start3A_285 = arith.constant 0 : i32
      %dma_start3A_286 = tpu.memref_slice %arg8[%dma_start3A_284, %dma_start3A_285] : memref<10112x128xf32, #tpu.memory_space<vmem_shared>> -> memref<10112x128xf32, #tpu.memory_space<vmem_shared>>
      tpu.enqueue_indirect_dma source(%arg17 : memref<128x128xf32, #tpu.memory_space<vmem>>) target(%dma_start3A_286 : memref<10112x128xf32, #tpu.memory_space<vmem_shared>>) offsets(%arg15 : memref<128xi32, #tpu.memory_space<vmem>>) semaphore(%run_scoped3A : memref<!tpu.dma_semaphore, #tpu.memory_space<semaphore_mem>>) {add = true}
      %dma_wait3A_287 = arith.constant 0 : i32
      %dma_wait3A_288 = arith.constant 0 : i32
      %dma_wait3A_289 = tpu.memref_slice %arg8[%dma_wait3A_287, %dma_wait3A_288] : memref<10112x128xf32, #tpu.memory_space<vmem_shared>> -> memref<10112x128xf32, #tpu.memory_space<vmem_shared>>
      tpu.wait_indirect_dma semaphore(%run_scoped3A : memref<!tpu.dma_semaphore, #tpu.memory_space<semaphore_mem>>) src(%arg17 : memref<128x128xf32, #tpu.memory_space<vmem>>) dst(%dma_wait3A_289 : memref<10112x128xf32, #tpu.memory_space<vmem_shared>>)
      tpu.yield
    }) : () -> ()
    %get3A_158 = arith.constant 0 : index
    %get3A_159 = tpu.vector_load %arg15[%get3A_158] {strides = array<i32>} : memref<128xi32, #tpu.memory_space<vmem>>, vector<16xi32>,
    tpu.vector_store_idx %arg19[%get3A_159], %broadcast_in_dim3A_23 {add = true} : memref<10112xf32, #tpu.memory_space<vmem>>[vector<16xi32>], vector<16xf32>,
    %get3A_160 = arith.constant 16 : index
    %get3A_161 = tpu.vector_load %arg15[%get3A_160] {strides = array<i32>} : memref<128xi32, #tpu.memory_space<vmem>>, vector<16xi32>,
    tpu.vector_store_idx %arg19[%get3A_161], %broadcast_in_dim3A_23 {add = true} : memref<10112xf32, #tpu.memory_space<vmem>>[vector<16xi32>], vector<16xf32>,
    %get3A_162 = arith.constant 32 : index
    %get3A_163 = tpu.vector_load %arg15[%get3A_162] {strides = array<i32>} : memref<128xi32, #tpu.memory_space<vmem>>, vector<16xi32>,
    tpu.vector_store_idx %arg19[%get3A_163], %broadcast_in_dim3A_23 {add = true} : memref<10112xf32, #tpu.memory_space<vmem>>[vector<16xi32>], vector<16xf32>,
    %get3A_164 = arith.constant 48 : index
    %get3A_165 = tpu.vector_load %arg15[%get3A_164] {strides = array<i32>} : memref<128xi32, #tpu.memory_space<vmem>>, vector<16xi32>,
    tpu.vector_store_idx %arg19[%get3A_165], %broadcast_in_dim3A_23 {add = true} : memref<10112xf32, #tpu.memory_space<vmem>>[vector<16xi32>], vector<16xf32>,
    %get3A_166 = arith.constant 64 : index
    %get3A_167 = tpu.vector_load %arg15[%get3A_166] {strides = array<i32>} : memref<128xi32, #tpu.memory_space<vmem>>, vector<16xi32>,
    tpu.vector_store_idx %arg19[%get3A_167], %broadcast_in_dim3A_23 {add = true} : memref<10112xf32, #tpu.memory_space<vmem>>[vector<16xi32>], vector<16xf32>,
    %get3A_168 = arith.constant 80 : index
    %get3A_169 = tpu.vector_load %arg15[%get3A_168] {strides = array<i32>} : memref<128xi32, #tpu.memory_space<vmem>>, vector<16xi32>,
    tpu.vector_store_idx %arg19[%get3A_169], %broadcast_in_dim3A_23 {add = true} : memref<10112xf32, #tpu.memory_space<vmem>>[vector<16xi32>], vector<16xf32>,
    %get3A_170 = arith.constant 96 : index
    %get3A_171 = tpu.vector_load %arg15[%get3A_170] {strides = array<i32>} : memref<128xi32, #tpu.memory_space<vmem>>, vector<16xi32>,
    tpu.vector_store_idx %arg19[%get3A_171], %broadcast_in_dim3A_23 {add = true} : memref<10112xf32, #tpu.memory_space<vmem>>[vector<16xi32>], vector<16xf32>,
    %get3A_172 = arith.constant 112 : index
    %get3A_173 = tpu.vector_load %arg15[%get3A_172] {strides = array<i32>} : memref<128xi32, #tpu.memory_space<vmem>>, vector<16xi32>,
    tpu.vector_store_idx %arg19[%get3A_173], %broadcast_in_dim3A_23 {add = true} : memref<10112xf32, #tpu.memory_space<vmem>>[vector<16xi32>], vector<16xf32>,
    %add3A_174 = arith.constant 9984 : i32
    %add3A_175 = arith.addi %mul3A_4, %add3A_174 : i32
    %multiple_of3A_176 = tpu.assume_multiple %add3A_175, 8 : i32
    %dma_start3A_177 = tpu.memref_slice %arg3[%multiple_of3A_176] : memref<323584xi32, #tpu.memory_space<hbm>> -> memref<128xi32, #tpu.memory_space<hbm>>
    %dma_start3A_178 = tpu.memref_slice %arg3[%multiple_of3A_176] : memref<323584xi32, #tpu.memory_space<hbm>> -> memref<128xi32, #tpu.memory_space<hbm>>
    tpu.enqueue_dma source(%dma_start3A_178 : memref<128xi32, #tpu.memory_space<hbm>>) target(%arg11 : memref<128xi32, #tpu.memory_space<vmem>>) target_semaphore(%arg24 : memref<!tpu.dma_semaphore, #tpu.memory_space<semaphore_mem>>)
    %dma_start3A_179 = tpu.memref_slice %arg4[%multiple_of3A_176] : memref<323584xi32, #tpu.memory_space<hbm>> -> memref<128xi32, #tpu.memory_space<hbm>>
    %dma_start3A_180 = tpu.memref_slice %arg4[%multiple_of3A_176] : memref<323584xi32, #tpu.memory_space<hbm>> -> memref<128xi32, #tpu.memory_space<hbm>>
    tpu.enqueue_dma source(%dma_start3A_180 : memref<128xi32, #tpu.memory_space<hbm>>) target(%arg15 : memref<128xi32, #tpu.memory_space<vmem>>) target_semaphore(%arg24 : memref<!tpu.dma_semaphore, #tpu.memory_space<semaphore_mem>>)
    %dma_start3A_181 = arith.constant 0 : i32
    %dma_start3A_182 = arith.constant 0 : i32
    %dma_start3A_183 = tpu.memref_slice %arg2[%dma_start3A_181, %dma_start3A_182] : memref<10112x128xf32, #tpu.memory_space<hbm>> -> memref<10112x128xf32, #tpu.memory_space<hbm>>
    tpu.enqueue_indirect_dma source(%dma_start3A_183 : memref<10112x128xf32, #tpu.memory_space<hbm>>) target(%arg17 : memref<128x128xf32, #tpu.memory_space<vmem>>) offsets(%arg9 : memref<128xi32, #tpu.memory_space<vmem>>) semaphore(%arg20 : memref<!tpu.dma_semaphore, #tpu.memory_space<semaphore_mem>>)
    %add3A_184 = arith.constant 9856 : i32
    %add3A_185 = arith.addi %mul3A_4, %add3A_184 : i32
    %multiple_of3A_186 = tpu.assume_multiple %add3A_185, 8 : i32
    %dma_wait3A_187 = tpu.memref_slice %arg3[%multiple_of3A_186] : memref<323584xi32, #tpu.memory_space<hbm>> -> memref<128xi32, #tpu.memory_space<hbm>>
    %dma_wait3A_188 = tpu.memref_slice %arg3[%multiple_of3A_186] : memref<323584xi32, #tpu.memory_space<hbm>> -> memref<128xi32, #tpu.memory_space<hbm>>
    tpu.wait_dma2 semaphore(%arg23 : memref<!tpu.dma_semaphore, #tpu.memory_space<semaphore_mem>>) src(%dma_wait3A_188 : memref<128xi32, #tpu.memory_space<hbm>>) dst(%arg10 : memref<128xi32, #tpu.memory_space<vmem>>)
    %dma_wait3A_189 = tpu.memref_slice %arg4[%multiple_of3A_186] : memref<323584xi32, #tpu.memory_space<hbm>> -> memref<128xi32, #tpu.memory_space<hbm>>
    %dma_wait3A_190 = tpu.memref_slice %arg4[%multiple_of3A_186] : memref<323584xi32, #tpu.memory_space<hbm>> -> memref<128xi32, #tpu.memory_space<hbm>>
    tpu.wait_dma2 semaphore(%arg23 : memref<!tpu.dma_semaphore, #tpu.memory_space<semaphore_mem>>) src(%dma_wait3A_190 : memref<128xi32, #tpu.memory_space<hbm>>) dst(%arg14 : memref<128xi32, #tpu.memory_space<vmem>>)
    %dma_wait3A_191 = arith.constant 0 : i32
    %dma_wait3A_192 = arith.constant 0 : i32
    %dma_wait3A_193 = tpu.memref_slice %arg2[%dma_wait3A_191, %dma_wait3A_192] : memref<10112x128xf32, #tpu.memory_space<hbm>> -> memref<10112x128xf32, #tpu.memory_space<hbm>>
    tpu.wait_indirect_dma semaphore(%arg21 : memref<!tpu.dma_semaphore, #tpu.memory_space<semaphore_mem>>) src(%dma_wait3A_193 : memref<10112x128xf32, #tpu.memory_space<hbm>>) dst(%arg18 : memref<128x128xf32, #tpu.memory_space<vmem>>)
    "tpu.region"() ({
      %run_scoped3A = tpu.sem_alloc : memref<!tpu.dma_semaphore, #tpu.memory_space<semaphore_mem>>
      %dma_start3A_284 = arith.constant 0 : i32
      %dma_start3A_285 = arith.constant 0 : i32
      %dma_start3A_286 = tpu.memref_slice %arg8[%dma_start3A_284, %dma_start3A_285] : memref<10112x128xf32, #tpu.memory_space<vmem_shared>> -> memref<10112x128xf32, #tpu.memory_space<vmem_shared>>
      tpu.enqueue_indirect_dma source(%arg18 : memref<128x128xf32, #tpu.memory_space<vmem>>) target(%dma_start3A_286 : memref<10112x128xf32, #tpu.memory_space<vmem_shared>>) offsets(%arg16 : memref<128xi32, #tpu.memory_space<vmem>>) semaphore(%run_scoped3A : memref<!tpu.dma_semaphore, #tpu.memory_space<semaphore_mem>>) {add = true}
      %dma_wait3A_287 = arith.constant 0 : i32
      %dma_wait3A_288 = arith.constant 0 : i32
      %dma_wait3A_289 = tpu.memref_slice %arg8[%dma_wait3A_287, %dma_wait3A_288] : memref<10112x128xf32, #tpu.memory_space<vmem_shared>> -> memref<10112x128xf32, #tpu.memory_space<vmem_shared>>
      tpu.wait_indirect_dma semaphore(%run_scoped3A : memref<!tpu.dma_semaphore, #tpu.memory_space<semaphore_mem>>) src(%arg18 : memref<128x128xf32, #tpu.memory_space<vmem>>) dst(%dma_wait3A_289 : memref<10112x128xf32, #tpu.memory_space<vmem_shared>>)
      tpu.yield
    }) : () -> ()
    %get3A_194 = arith.constant 0 : index
    %get3A_195 = tpu.vector_load %arg16[%get3A_194] {strides = array<i32>} : memref<128xi32, #tpu.memory_space<vmem>>, vector<16xi32>,
    tpu.vector_store_idx %arg19[%get3A_195], %broadcast_in_dim3A_23 {add = true} : memref<10112xf32, #tpu.memory_space<vmem>>[vector<16xi32>], vector<16xf32>,
    %get3A_196 = arith.constant 16 : index
    %get3A_197 = tpu.vector_load %arg16[%get3A_196] {strides = array<i32>} : memref<128xi32, #tpu.memory_space<vmem>>, vector<16xi32>,
    tpu.vector_store_idx %arg19[%get3A_197], %broadcast_in_dim3A_23 {add = true} : memref<10112xf32, #tpu.memory_space<vmem>>[vector<16xi32>], vector<16xf32>,
    %get3A_198 = arith.constant 32 : index
    %get3A_199 = tpu.vector_load %arg16[%get3A_198] {strides = array<i32>} : memref<128xi32, #tpu.memory_space<vmem>>, vector<16xi32>,
    tpu.vector_store_idx %arg19[%get3A_199], %broadcast_in_dim3A_23 {add = true} : memref<10112xf32, #tpu.memory_space<vmem>>[vector<16xi32>], vector<16xf32>,
    %get3A_200 = arith.constant 48 : index
    %get3A_201 = tpu.vector_load %arg16[%get3A_200] {strides = array<i32>} : memref<128xi32, #tpu.memory_space<vmem>>, vector<16xi32>,
    tpu.vector_store_idx %arg19[%get3A_201], %broadcast_in_dim3A_23 {add = true} : memref<10112xf32, #tpu.memory_space<vmem>>[vector<16xi32>], vector<16xf32>,
    %get3A_202 = arith.constant 64 : index
    %get3A_203 = tpu.vector_load %arg16[%get3A_202] {strides = array<i32>} : memref<128xi32, #tpu.memory_space<vmem>>, vector<16xi32>,
    tpu.vector_store_idx %arg19[%get3A_203], %broadcast_in_dim3A_23 {add = true} : memref<10112xf32, #tpu.memory_space<vmem>>[vector<16xi32>], vector<16xf32>,
    %get3A_204 = arith.constant 80 : index
    %get3A_205 = tpu.vector_load %arg16[%get3A_204] {strides = array<i32>} : memref<128xi32, #tpu.memory_space<vmem>>, vector<16xi32>,
    tpu.vector_store_idx %arg19[%get3A_205], %broadcast_in_dim3A_23 {add = true} : memref<10112xf32, #tpu.memory_space<vmem>>[vector<16xi32>], vector<16xf32>,
    %get3A_206 = arith.constant 96 : index
    %get3A_207 = tpu.vector_load %arg16[%get3A_206] {strides = array<i32>} : memref<128xi32, #tpu.memory_space<vmem>>, vector<16xi32>,
    tpu.vector_store_idx %arg19[%get3A_207], %broadcast_in_dim3A_23 {add = true} : memref<10112xf32, #tpu.memory_space<vmem>>[vector<16xi32>], vector<16xf32>,
    %get3A_208 = arith.constant 112 : index
    %get3A_209 = tpu.vector_load %arg16[%get3A_208] {strides = array<i32>} : memref<128xi32, #tpu.memory_space<vmem>>, vector<16xi32>,
    tpu.vector_store_idx %arg19[%get3A_209], %broadcast_in_dim3A_23 {add = true} : memref<10112xf32, #tpu.memory_space<vmem>>[vector<16xi32>], vector<16xf32>,
    %dma_start3A_210 = arith.constant 0 : i32
    %dma_start3A_211 = arith.constant 0 : i32
    %dma_start3A_212 = tpu.memref_slice %arg2[%dma_start3A_210, %dma_start3A_211] : memref<10112x128xf32, #tpu.memory_space<hbm>> -> memref<10112x128xf32, #tpu.memory_space<hbm>>
    tpu.enqueue_indirect_dma source(%dma_start3A_212 : memref<10112x128xf32, #tpu.memory_space<hbm>>) target(%arg18 : memref<128x128xf32, #tpu.memory_space<vmem>>) offsets(%arg10 : memref<128xi32, #tpu.memory_space<vmem>>) semaphore(%arg21 : memref<!tpu.dma_semaphore, #tpu.memory_space<semaphore_mem>>)
    %add3A_213 = arith.constant 9984 : i32
    %add3A_214 = arith.addi %mul3A_4, %add3A_213 : i32
    %multiple_of3A_215 = tpu.assume_multiple %add3A_214, 8 : i32
    %dma_wait3A_216 = tpu.memref_slice %arg3[%multiple_of3A_215] : memref<323584xi32, #tpu.memory_space<hbm>> -> memref<128xi32, #tpu.memory_space<hbm>>
    %dma_wait3A_217 = tpu.memref_slice %arg3[%multiple_of3A_215] : memref<323584xi32, #tpu.memory_space<hbm>> -> memref<128xi32, #tpu.memory_space<hbm>>
    tpu.wait_dma2 semaphore(%arg24 : memref<!tpu.dma_semaphore, #tpu.memory_space<semaphore_mem>>) src(%dma_wait3A_217 : memref<128xi32, #tpu.memory_space<hbm>>) dst(%arg11 : memref<128xi32, #tpu.memory_space<vmem>>)
    %dma_wait3A_218 = tpu.memref_slice %arg4[%multiple_of3A_215] : memref<323584xi32, #tpu.memory_space<hbm>> -> memref<128xi32, #tpu.memory_space<hbm>>
    %dma_wait3A_219 = tpu.memref_slice %arg4[%multiple_of3A_215] : memref<323584xi32, #tpu.memory_space<hbm>> -> memref<128xi32, #tpu.memory_space<hbm>>
    tpu.wait_dma2 semaphore(%arg24 : memref<!tpu.dma_semaphore, #tpu.memory_space<semaphore_mem>>) src(%dma_wait3A_219 : memref<128xi32, #tpu.memory_space<hbm>>) dst(%arg15 : memref<128xi32, #tpu.memory_space<vmem>>)
    %dma_wait3A_220 = arith.constant 0 : i32
    %dma_wait3A_221 = arith.constant 0 : i32
    %dma_wait3A_222 = tpu.memref_slice %arg2[%dma_wait3A_220, %dma_wait3A_221] : memref<10112x128xf32, #tpu.memory_space<hbm>> -> memref<10112x128xf32, #tpu.memory_space<hbm>>
    tpu.wait_indirect_dma semaphore(%arg20 : memref<!tpu.dma_semaphore, #tpu.memory_space<semaphore_mem>>) src(%dma_wait3A_222 : memref<10112x128xf32, #tpu.memory_space<hbm>>) dst(%arg17 : memref<128x128xf32, #tpu.memory_space<vmem>>)
    "tpu.region"() ({
      %run_scoped3A = tpu.sem_alloc : memref<!tpu.dma_semaphore, #tpu.memory_space<semaphore_mem>>
      %dma_start3A_284 = arith.constant 0 : i32
      %dma_start3A_285 = arith.constant 0 : i32
      %dma_start3A_286 = tpu.memref_slice %arg8[%dma_start3A_284, %dma_start3A_285] : memref<10112x128xf32, #tpu.memory_space<vmem_shared>> -> memref<10112x128xf32, #tpu.memory_space<vmem_shared>>
      tpu.enqueue_indirect_dma source(%arg17 : memref<128x128xf32, #tpu.memory_space<vmem>>) target(%dma_start3A_286 : memref<10112x128xf32, #tpu.memory_space<vmem_shared>>) offsets(%arg13 : memref<128xi32, #tpu.memory_space<vmem>>) semaphore(%run_scoped3A : memref<!tpu.dma_semaphore, #tpu.memory_space<semaphore_mem>>) {add = true}
      %dma_wait3A_287 = arith.constant 0 : i32
      %dma_wait3A_288 = arith.constant 0 : i32
      %dma_wait3A_289 = tpu.memref_slice %arg8[%dma_wait3A_287, %dma_wait3A_288] : memref<10112x128xf32, #tpu.memory_space<vmem_shared>> -> memref<10112x128xf32, #tpu.memory_space<vmem_shared>>
      tpu.wait_indirect_dma semaphore(%run_scoped3A : memref<!tpu.dma_semaphore, #tpu.memory_space<semaphore_mem>>) src(%arg17 : memref<128x128xf32, #tpu.memory_space<vmem>>) dst(%dma_wait3A_289 : memref<10112x128xf32, #tpu.memory_space<vmem_shared>>)
      tpu.yield
    }) : () -> ()
    %get3A_223 = arith.constant 0 : index
    %get3A_224 = tpu.vector_load %arg13[%get3A_223] {strides = array<i32>} : memref<128xi32, #tpu.memory_space<vmem>>, vector<16xi32>,
    tpu.vector_store_idx %arg19[%get3A_224], %broadcast_in_dim3A_23 {add = true} : memref<10112xf32, #tpu.memory_space<vmem>>[vector<16xi32>], vector<16xf32>,
    %get3A_225 = arith.constant 16 : index
    %get3A_226 = tpu.vector_load %arg13[%get3A_225] {strides = array<i32>} : memref<128xi32, #tpu.memory_space<vmem>>, vector<16xi32>,
    tpu.vector_store_idx %arg19[%get3A_226], %broadcast_in_dim3A_23 {add = true} : memref<10112xf32, #tpu.memory_space<vmem>>[vector<16xi32>], vector<16xf32>,
    %get3A_227 = arith.constant 32 : index
    %get3A_228 = tpu.vector_load %arg13[%get3A_227] {strides = array<i32>} : memref<128xi32, #tpu.memory_space<vmem>>, vector<16xi32>,
    tpu.vector_store_idx %arg19[%get3A_228], %broadcast_in_dim3A_23 {add = true} : memref<10112xf32, #tpu.memory_space<vmem>>[vector<16xi32>], vector<16xf32>,
    %get3A_229 = arith.constant 48 : index
    %get3A_230 = tpu.vector_load %arg13[%get3A_229] {strides = array<i32>} : memref<128xi32, #tpu.memory_space<vmem>>, vector<16xi32>,
    tpu.vector_store_idx %arg19[%get3A_230], %broadcast_in_dim3A_23 {add = true} : memref<10112xf32, #tpu.memory_space<vmem>>[vector<16xi32>], vector<16xf32>,
    %get3A_231 = arith.constant 64 : index
    %get3A_232 = tpu.vector_load %arg13[%get3A_231] {strides = array<i32>} : memref<128xi32, #tpu.memory_space<vmem>>, vector<16xi32>,
    tpu.vector_store_idx %arg19[%get3A_232], %broadcast_in_dim3A_23 {add = true} : memref<10112xf32, #tpu.memory_space<vmem>>[vector<16xi32>], vector<16xf32>,
    %get3A_233 = arith.constant 80 : index
    %get3A_234 = tpu.vector_load %arg13[%get3A_233] {strides = array<i32>} : memref<128xi32, #tpu.memory_space<vmem>>, vector<16xi32>,
    tpu.vector_store_idx %arg19[%get3A_234], %broadcast_in_dim3A_23 {add = true} : memref<10112xf32, #tpu.memory_space<vmem>>[vector<16xi32>], vector<16xf32>,
    %get3A_235 = arith.constant 96 : index
    %get3A_236 = tpu.vector_load %arg13[%get3A_235] {strides = array<i32>} : memref<128xi32, #tpu.memory_space<vmem>>, vector<16xi32>,
    tpu.vector_store_idx %arg19[%get3A_236], %broadcast_in_dim3A_23 {add = true} : memref<10112xf32, #tpu.memory_space<vmem>>[vector<16xi32>], vector<16xf32>,
    %get3A_237 = arith.constant 112 : index
    %get3A_238 = tpu.vector_load %arg13[%get3A_237] {strides = array<i32>} : memref<128xi32, #tpu.memory_space<vmem>>, vector<16xi32>,
    tpu.vector_store_idx %arg19[%get3A_238], %broadcast_in_dim3A_23 {add = true} : memref<10112xf32, #tpu.memory_space<vmem>>[vector<16xi32>], vector<16xf32>,
    %dma_start3A_239 = arith.constant 0 : i32
    %dma_start3A_240 = arith.constant 0 : i32
    %dma_start3A_241 = tpu.memref_slice %arg2[%dma_start3A_239, %dma_start3A_240] : memref<10112x128xf32, #tpu.memory_space<hbm>> -> memref<10112x128xf32, #tpu.memory_space<hbm>>
    tpu.enqueue_indirect_dma source(%dma_start3A_241 : memref<10112x128xf32, #tpu.memory_space<hbm>>) target(%arg17 : memref<128x128xf32, #tpu.memory_space<vmem>>) offsets(%arg11 : memref<128xi32, #tpu.memory_space<vmem>>) semaphore(%arg20 : memref<!tpu.dma_semaphore, #tpu.memory_space<semaphore_mem>>)
    %dma_wait3A_242 = arith.constant 0 : i32
    %dma_wait3A_243 = arith.constant 0 : i32
    %dma_wait3A_244 = tpu.memref_slice %arg2[%dma_wait3A_242, %dma_wait3A_243] : memref<10112x128xf32, #tpu.memory_space<hbm>> -> memref<10112x128xf32, #tpu.memory_space<hbm>>
    tpu.wait_indirect_dma semaphore(%arg21 : memref<!tpu.dma_semaphore, #tpu.memory_space<semaphore_mem>>) src(%dma_wait3A_244 : memref<10112x128xf32, #tpu.memory_space<hbm>>) dst(%arg18 : memref<128x128xf32, #tpu.memory_space<vmem>>)
    "tpu.region"() ({
      %run_scoped3A = tpu.sem_alloc : memref<!tpu.dma_semaphore, #tpu.memory_space<semaphore_mem>>
      %dma_start3A_284 = arith.constant 0 : i32
      %dma_start3A_285 = arith.constant 0 : i32
      %dma_start3A_286 = tpu.memref_slice %arg8[%dma_start3A_284, %dma_start3A_285] : memref<10112x128xf32, #tpu.memory_space<vmem_shared>> -> memref<10112x128xf32, #tpu.memory_space<vmem_shared>>
      tpu.enqueue_indirect_dma source(%arg18 : memref<128x128xf32, #tpu.memory_space<vmem>>) target(%dma_start3A_286 : memref<10112x128xf32, #tpu.memory_space<vmem_shared>>) offsets(%arg14 : memref<128xi32, #tpu.memory_space<vmem>>) semaphore(%run_scoped3A : memref<!tpu.dma_semaphore, #tpu.memory_space<semaphore_mem>>) {add = true}
      %dma_wait3A_287 = arith.constant 0 : i32
      %dma_wait3A_288 = arith.constant 0 : i32
      %dma_wait3A_289 = tpu.memref_slice %arg8[%dma_wait3A_287, %dma_wait3A_288] : memref<10112x128xf32, #tpu.memory_space<vmem_shared>> -> memref<10112x128xf32, #tpu.memory_space<vmem_shared>>
      tpu.wait_indirect_dma semaphore(%run_scoped3A : memref<!tpu.dma_semaphore, #tpu.memory_space<semaphore_mem>>) src(%arg18 : memref<128x128xf32, #tpu.memory_space<vmem>>) dst(%dma_wait3A_289 : memref<10112x128xf32, #tpu.memory_space<vmem_shared>>)
      tpu.yield
    }) : () -> ()
    %get3A_245 = arith.constant 0 : index
    %get3A_246 = tpu.vector_load %arg14[%get3A_245] {strides = array<i32>} : memref<128xi32, #tpu.memory_space<vmem>>, vector<16xi32>,
    tpu.vector_store_idx %arg19[%get3A_246], %broadcast_in_dim3A_23 {add = true} : memref<10112xf32, #tpu.memory_space<vmem>>[vector<16xi32>], vector<16xf32>,
    %get3A_247 = arith.constant 16 : index
    %get3A_248 = tpu.vector_load %arg14[%get3A_247] {strides = array<i32>} : memref<128xi32, #tpu.memory_space<vmem>>, vector<16xi32>,
    tpu.vector_store_idx %arg19[%get3A_248], %broadcast_in_dim3A_23 {add = true} : memref<10112xf32, #tpu.memory_space<vmem>>[vector<16xi32>], vector<16xf32>,
    %get3A_249 = arith.constant 32 : index
    %get3A_250 = tpu.vector_load %arg14[%get3A_249] {strides = array<i32>} : memref<128xi32, #tpu.memory_space<vmem>>, vector<16xi32>,
    tpu.vector_store_idx %arg19[%get3A_250], %broadcast_in_dim3A_23 {add = true} : memref<10112xf32, #tpu.memory_space<vmem>>[vector<16xi32>], vector<16xf32>,
    %get3A_251 = arith.constant 48 : index
    %get3A_252 = tpu.vector_load %arg14[%get3A_251] {strides = array<i32>} : memref<128xi32, #tpu.memory_space<vmem>>, vector<16xi32>,
    tpu.vector_store_idx %arg19[%get3A_252], %broadcast_in_dim3A_23 {add = true} : memref<10112xf32, #tpu.memory_space<vmem>>[vector<16xi32>], vector<16xf32>,
    %get3A_253 = arith.constant 64 : index
    %get3A_254 = tpu.vector_load %arg14[%get3A_253] {strides = array<i32>} : memref<128xi32, #tpu.memory_space<vmem>>, vector<16xi32>,
    tpu.vector_store_idx %arg19[%get3A_254], %broadcast_in_dim3A_23 {add = true} : memref<10112xf32, #tpu.memory_space<vmem>>[vector<16xi32>], vector<16xf32>,
    %get3A_255 = arith.constant 80 : index
    %get3A_256 = tpu.vector_load %arg14[%get3A_255] {strides = array<i32>} : memref<128xi32, #tpu.memory_space<vmem>>, vector<16xi32>,
    tpu.vector_store_idx %arg19[%get3A_256], %broadcast_in_dim3A_23 {add = true} : memref<10112xf32, #tpu.memory_space<vmem>>[vector<16xi32>], vector<16xf32>,
    %get3A_257 = arith.constant 96 : index
    %get3A_258 = tpu.vector_load %arg14[%get3A_257] {strides = array<i32>} : memref<128xi32, #tpu.memory_space<vmem>>, vector<16xi32>,
    tpu.vector_store_idx %arg19[%get3A_258], %broadcast_in_dim3A_23 {add = true} : memref<10112xf32, #tpu.memory_space<vmem>>[vector<16xi32>], vector<16xf32>,
    %get3A_259 = arith.constant 112 : index
    %get3A_260 = tpu.vector_load %arg14[%get3A_259] {strides = array<i32>} : memref<128xi32, #tpu.memory_space<vmem>>, vector<16xi32>,
    tpu.vector_store_idx %arg19[%get3A_260], %broadcast_in_dim3A_23 {add = true} : memref<10112xf32, #tpu.memory_space<vmem>>[vector<16xi32>], vector<16xf32>,
    %dma_wait3A_261 = arith.constant 0 : i32
    %dma_wait3A_262 = arith.constant 0 : i32
    %dma_wait3A_263 = tpu.memref_slice %arg2[%dma_wait3A_261, %dma_wait3A_262] : memref<10112x128xf32, #tpu.memory_space<hbm>> -> memref<10112x128xf32, #tpu.memory_space<hbm>>
    tpu.wait_indirect_dma semaphore(%arg20 : memref<!tpu.dma_semaphore, #tpu.memory_space<semaphore_mem>>) src(%dma_wait3A_263 : memref<10112x128xf32, #tpu.memory_space<hbm>>) dst(%arg17 : memref<128x128xf32, #tpu.memory_space<vmem>>)
    "tpu.region"() ({
      %run_scoped3A = tpu.sem_alloc : memref<!tpu.dma_semaphore, #tpu.memory_space<semaphore_mem>>
      %dma_start3A_284 = arith.constant 0 : i32
      %dma_start3A_285 = arith.constant 0 : i32
      %dma_start3A_286 = tpu.memref_slice %arg8[%dma_start3A_284, %dma_start3A_285] : memref<10112x128xf32, #tpu.memory_space<vmem_shared>> -> memref<10112x128xf32, #tpu.memory_space<vmem_shared>>
      tpu.enqueue_indirect_dma source(%arg17 : memref<128x128xf32, #tpu.memory_space<vmem>>) target(%dma_start3A_286 : memref<10112x128xf32, #tpu.memory_space<vmem_shared>>) offsets(%arg15 : memref<128xi32, #tpu.memory_space<vmem>>) semaphore(%run_scoped3A : memref<!tpu.dma_semaphore, #tpu.memory_space<semaphore_mem>>) {add = true}
      %dma_wait3A_287 = arith.constant 0 : i32
      %dma_wait3A_288 = arith.constant 0 : i32
      %dma_wait3A_289 = tpu.memref_slice %arg8[%dma_wait3A_287, %dma_wait3A_288] : memref<10112x128xf32, #tpu.memory_space<vmem_shared>> -> memref<10112x128xf32, #tpu.memory_space<vmem_shared>>
      tpu.wait_indirect_dma semaphore(%run_scoped3A : memref<!tpu.dma_semaphore, #tpu.memory_space<semaphore_mem>>) src(%arg17 : memref<128x128xf32, #tpu.memory_space<vmem>>) dst(%dma_wait3A_289 : memref<10112x128xf32, #tpu.memory_space<vmem_shared>>)
      tpu.yield
    }) : () -> ()
    %get3A_264 = arith.constant 0 : index
    %get3A_265 = tpu.vector_load %arg15[%get3A_264] {strides = array<i32>} : memref<128xi32, #tpu.memory_space<vmem>>, vector<16xi32>,
    tpu.vector_store_idx %arg19[%get3A_265], %broadcast_in_dim3A_23 {add = true} : memref<10112xf32, #tpu.memory_space<vmem>>[vector<16xi32>], vector<16xf32>,
    %get3A_266 = arith.constant 16 : index
    %get3A_267 = tpu.vector_load %arg15[%get3A_266] {strides = array<i32>} : memref<128xi32, #tpu.memory_space<vmem>>, vector<16xi32>,
    tpu.vector_store_idx %arg19[%get3A_267], %broadcast_in_dim3A_23 {add = true} : memref<10112xf32, #tpu.memory_space<vmem>>[vector<16xi32>], vector<16xf32>,
    %get3A_268 = arith.constant 32 : index
    %get3A_269 = tpu.vector_load %arg15[%get3A_268] {strides = array<i32>} : memref<128xi32, #tpu.memory_space<vmem>>, vector<16xi32>,
    tpu.vector_store_idx %arg19[%get3A_269], %broadcast_in_dim3A_23 {add = true} : memref<10112xf32, #tpu.memory_space<vmem>>[vector<16xi32>], vector<16xf32>,
    %get3A_270 = arith.constant 48 : index
    %get3A_271 = tpu.vector_load %arg15[%get3A_270] {strides = array<i32>} : memref<128xi32, #tpu.memory_space<vmem>>, vector<16xi32>,
    tpu.vector_store_idx %arg19[%get3A_271], %broadcast_in_dim3A_23 {add = true} : memref<10112xf32, #tpu.memory_space<vmem>>[vector<16xi32>], vector<16xf32>,
    %get3A_272 = arith.constant 64 : index
    %get3A_273 = tpu.vector_load %arg15[%get3A_272] {strides = array<i32>} : memref<128xi32, #tpu.memory_space<vmem>>, vector<16xi32>,
    tpu.vector_store_idx %arg19[%get3A_273], %broadcast_in_dim3A_23 {add = true} : memref<10112xf32, #tpu.memory_space<vmem>>[vector<16xi32>], vector<16xf32>,
    %get3A_274 = arith.constant 80 : index
    %get3A_275 = tpu.vector_load %arg15[%get3A_274] {strides = array<i32>} : memref<128xi32, #tpu.memory_space<vmem>>, vector<16xi32>,
    tpu.vector_store_idx %arg19[%get3A_275], %broadcast_in_dim3A_23 {add = true} : memref<10112xf32, #tpu.memory_space<vmem>>[vector<16xi32>], vector<16xf32>,
    %get3A_276 = arith.constant 96 : index
    %get3A_277 = tpu.vector_load %arg15[%get3A_276] {strides = array<i32>} : memref<128xi32, #tpu.memory_space<vmem>>, vector<16xi32>,
    tpu.vector_store_idx %arg19[%get3A_277], %broadcast_in_dim3A_23 {add = true} : memref<10112xf32, #tpu.memory_space<vmem>>[vector<16xi32>], vector<16xf32>,
    %get3A_278 = arith.constant 112 : index
    %get3A_279 = tpu.vector_load %arg15[%get3A_278] {strides = array<i32>} : memref<128xi32, #tpu.memory_space<vmem>>, vector<16xi32>,
    tpu.vector_store_idx %arg19[%get3A_279], %broadcast_in_dim3A_23 {add = true} : memref<10112xf32, #tpu.memory_space<vmem>>[vector<16xi32>], vector<16xf32>,
    %mul3A_280 = arith.constant 10112 : i32
    %mul3A_281 = arith.muli %add3A, %mul3A_280 : i32
    %multiple_of3A_282 = tpu.assume_multiple %mul3A_281, 8 : i32
    "tpu.region"() ({
      %run_scoped3A = tpu.sem_alloc : memref<!tpu.dma_semaphore, #tpu.memory_space<semaphore_mem>>
      %dma_start3A_284 = tpu.memref_slice %arg7[%multiple_of3A_282] : memref<323584xf32, #tpu.memory_space<hbm>> -> memref<10112xf32, #tpu.memory_space<hbm>>
      %dma_start3A_285 = tpu.memref_slice %arg7[%multiple_of3A_282] : memref<323584xf32, #tpu.memory_space<hbm>> -> memref<10112xf32, #tpu.memory_space<hbm>>
      tpu.enqueue_dma source(%arg19 : memref<10112xf32, #tpu.memory_space<vmem>>) target(%dma_start3A_285 : memref<10112xf32, #tpu.memory_space<hbm>>) target_semaphore(%run_scoped3A : memref<!tpu.dma_semaphore, #tpu.memory_space<semaphore_mem>>)
      %dma_wait3A_286 = tpu.memref_slice %arg7[%multiple_of3A_282] : memref<323584xf32, #tpu.memory_space<hbm>> -> memref<10112xf32, #tpu.memory_space<hbm>>
      %dma_wait3A_287 = tpu.memref_slice %arg7[%multiple_of3A_282] : memref<323584xf32, #tpu.memory_space<hbm>> -> memref<10112xf32, #tpu.memory_space<hbm>>
      tpu.wait_dma2 semaphore(%run_scoped3A : memref<!tpu.dma_semaphore, #tpu.memory_space<semaphore_mem>>) src(%arg19 : memref<10112xf32, #tpu.memory_space<vmem>>) dst(%dma_wait3A_287 : memref<10112xf32, #tpu.memory_space<hbm>>)
      tpu.yield
    }) : () -> ()
    %barrier3A_283 = arith.constant 0 : index
    tpu.barrier barrier_id(%barrier3A_283)
    "tpu.region"() ({
      %run_scoped3A = tpu.sem_alloc : memref<!tpu.dma_semaphore, #tpu.memory_space<semaphore_mem>>
      %dma_start3A_284 = arith.constant 0 : i32
      %dma_start3A_285 = tpu.memref_slice %arg6[%arg0, %multiple_of3A, %dma_start3A_284] : memref<2x10112x128xf32, #tpu.memory_space<hbm>> -> memref<1x632x128xf32, #tpu.memory_space<hbm>>
      %dma_start3A_286 = tpu.memref_squeeze %dma_start3A_285 : memref<1x632x128xf32, #tpu.memory_space<hbm>> -> memref<632x128xf32, #tpu.memory_space<hbm>>
      %dma_start3A_287 = arith.constant 0 : i32
      %dma_start3A_288 = tpu.memref_slice %arg8[%multiple_of3A, %dma_start3A_287] : memref<10112x128xf32, #tpu.memory_space<vmem_shared>> -> memref<632x128xf32, #tpu.memory_space<vmem_shared>>
      tpu.enqueue_dma source(%dma_start3A_288 : memref<632x128xf32, #tpu.memory_space<vmem_shared>>) target(%dma_start3A_286 : memref<632x128xf32, #tpu.memory_space<hbm>>) target_semaphore(%run_scoped3A : memref<!tpu.dma_semaphore, #tpu.memory_space<semaphore_mem>>)
      %dma_wait3A_289 = arith.constant 0 : i32
      %dma_wait3A_290 = tpu.memref_slice %arg6[%arg0, %multiple_of3A, %dma_wait3A_289] : memref<2x10112x128xf32, #tpu.memory_space<hbm>> -> memref<1x632x128xf32, #tpu.memory_space<hbm>>
      %dma_wait3A_291 = tpu.memref_squeeze %dma_wait3A_290 : memref<1x632x128xf32, #tpu.memory_space<hbm>> -> memref<632x128xf32, #tpu.memory_space<hbm>>
      %dma_wait3A_292 = arith.constant 0 : i32
      %dma_wait3A_293 = tpu.memref_slice %arg8[%multiple_of3A, %dma_wait3A_292] : memref<10112x128xf32, #tpu.memory_space<vmem_shared>> -> memref<632x128xf32, #tpu.memory_space<vmem_shared>>
      tpu.wait_dma2 semaphore(%run_scoped3A : memref<!tpu.dma_semaphore, #tpu.memory_space<semaphore_mem>>) src(%dma_wait3A_293 : memref<632x128xf32, #tpu.memory_space<vmem_shared>>) dst(%dma_wait3A_291 : memref<632x128xf32, #tpu.memory_space<hbm>>)
      tpu.yield
    }) : () -> ()
    return
  }
}

#map = affine_map<(d0, d1) -> (0)>
#map1 = affine_map<(d0, d1) -> (0, 0, 0)>
module attributes {stable_mosaic.version = 14 : i64} {
  func.func @_edge_logits(%arg0: i32, %arg1: i32, %arg2: memref<10112xf32, #tpu.memory_space<hbm>>, %arg3: memref<10112xf32, #tpu.memory_space<hbm>>, %arg4: memref<32x79x128xi32, #tpu.memory_space<hbm>>, %arg5: memref<32x79x128xi32, #tpu.memory_space<hbm>>, %arg6: memref<32x79x128xf32, #tpu.memory_space<hbm>>, %arg7: memref<10112xf32, #tpu.memory_space<vmem>>, %arg8: memref<10112xf32, #tpu.memory_space<vmem>>, %arg9: memref<79x128xi32, #tpu.memory_space<vmem>>, %arg10: memref<79x128xi32, #tpu.memory_space<vmem>>, %arg11: memref<79x128xf32, #tpu.memory_space<vmem>>) attributes {dimension_semantics = [#tpu.dimension_semantics<core_parallel>, #tpu.dimension_semantics<subcore_parallel>], iteration_bounds = array<i64: 2, 16>, scalar_prefetch = 0 : i64, scratch_operands = 5 : i64, tpu.core_type = #tpu.core_type<sc_vector_subcore>, window_params = [{transform_indices = #map}, {transform_indices = #map}, {transform_indices = #map1}, {transform_indices = #map1}, {transform_indices = #map1}]} {
    %mul3A = arith.constant 2 : i32
    %mul3A_0 = arith.muli %arg1, %mul3A : i32
    %add3A = arith.addi %mul3A_0, %arg0 : i32
    "tpu.region"() ({
      %run_scoped3A = tpu.sem_alloc : memref<!tpu.dma_semaphore, #tpu.memory_space<semaphore_mem>>
      tpu.enqueue_dma source(%arg2 : memref<10112xf32, #tpu.memory_space<hbm>>) target(%arg7 : memref<10112xf32, #tpu.memory_space<vmem>>) target_semaphore(%run_scoped3A : memref<!tpu.dma_semaphore, #tpu.memory_space<semaphore_mem>>)
      tpu.wait_dma2 semaphore(%run_scoped3A : memref<!tpu.dma_semaphore, #tpu.memory_space<semaphore_mem>>) src(%arg2 : memref<10112xf32, #tpu.memory_space<hbm>>) dst(%arg7 : memref<10112xf32, #tpu.memory_space<vmem>>)
      tpu.yield
    }) : () -> ()
    "tpu.region"() ({
      %run_scoped3A = tpu.sem_alloc : memref<!tpu.dma_semaphore, #tpu.memory_space<semaphore_mem>>
      tpu.enqueue_dma source(%arg3 : memref<10112xf32, #tpu.memory_space<hbm>>) target(%arg8 : memref<10112xf32, #tpu.memory_space<vmem>>) target_semaphore(%run_scoped3A : memref<!tpu.dma_semaphore, #tpu.memory_space<semaphore_mem>>)
      tpu.wait_dma2 semaphore(%run_scoped3A : memref<!tpu.dma_semaphore, #tpu.memory_space<semaphore_mem>>) src(%arg3 : memref<10112xf32, #tpu.memory_space<hbm>>) dst(%arg8 : memref<10112xf32, #tpu.memory_space<vmem>>)
      tpu.yield
    }) : () -> ()
    "tpu.region"() ({
      %run_scoped3A = tpu.sem_alloc : memref<!tpu.dma_semaphore, #tpu.memory_space<semaphore_mem>>
      %dma_start3A = arith.constant 0 : i32
      %dma_start3A_7 = arith.constant 0 : i32
      %dma_start3A_8 = tpu.memref_slice %arg4[%add3A, %dma_start3A, %dma_start3A_7] : memref<32x79x128xi32, #tpu.memory_space<hbm>> -> memref<1x79x128xi32, #tpu.memory_space<hbm>>
      %dma_start3A_9 = tpu.memref_squeeze %dma_start3A_8 : memref<1x79x128xi32, #tpu.memory_space<hbm>> -> memref<79x128xi32, #tpu.memory_space<hbm>>
      %dma_start3A_10 = arith.constant 0 : i32
      %dma_start3A_11 = arith.constant 0 : i32
      %dma_start3A_12 = tpu.memref_slice %arg4[%add3A, %dma_start3A_10, %dma_start3A_11] : memref<32x79x128xi32, #tpu.memory_space<hbm>> -> memref<1x79x128xi32, #tpu.memory_space<hbm>>
      %dma_start3A_13 = tpu.memref_squeeze %dma_start3A_12 : memref<1x79x128xi32, #tpu.memory_space<hbm>> -> memref<79x128xi32, #tpu.memory_space<hbm>>
      tpu.enqueue_dma source(%dma_start3A_13 : memref<79x128xi32, #tpu.memory_space<hbm>>) target(%arg9 : memref<79x128xi32, #tpu.memory_space<vmem>>) target_semaphore(%run_scoped3A : memref<!tpu.dma_semaphore, #tpu.memory_space<semaphore_mem>>)
      %dma_wait3A = arith.constant 0 : i32
      %dma_wait3A_14 = arith.constant 0 : i32
      %dma_wait3A_15 = tpu.memref_slice %arg4[%add3A, %dma_wait3A, %dma_wait3A_14] : memref<32x79x128xi32, #tpu.memory_space<hbm>> -> memref<1x79x128xi32, #tpu.memory_space<hbm>>
      %dma_wait3A_16 = tpu.memref_squeeze %dma_wait3A_15 : memref<1x79x128xi32, #tpu.memory_space<hbm>> -> memref<79x128xi32, #tpu.memory_space<hbm>>
      %dma_wait3A_17 = arith.constant 0 : i32
      %dma_wait3A_18 = arith.constant 0 : i32
      %dma_wait3A_19 = tpu.memref_slice %arg4[%add3A, %dma_wait3A_17, %dma_wait3A_18] : memref<32x79x128xi32, #tpu.memory_space<hbm>> -> memref<1x79x128xi32, #tpu.memory_space<hbm>>
      %dma_wait3A_20 = tpu.memref_squeeze %dma_wait3A_19 : memref<1x79x128xi32, #tpu.memory_space<hbm>> -> memref<79x128xi32, #tpu.memory_space<hbm>>
      tpu.wait_dma2 semaphore(%run_scoped3A : memref<!tpu.dma_semaphore, #tpu.memory_space<semaphore_mem>>) src(%dma_wait3A_20 : memref<79x128xi32, #tpu.memory_space<hbm>>) dst(%arg9 : memref<79x128xi32, #tpu.memory_space<vmem>>)
      tpu.yield
    }) : () -> ()
    "tpu.region"() ({
      %run_scoped3A = tpu.sem_alloc : memref<!tpu.dma_semaphore, #tpu.memory_space<semaphore_mem>>
      %dma_start3A = arith.constant 0 : i32
      %dma_start3A_7 = arith.constant 0 : i32
      %dma_start3A_8 = tpu.memref_slice %arg5[%add3A, %dma_start3A, %dma_start3A_7] : memref<32x79x128xi32, #tpu.memory_space<hbm>> -> memref<1x79x128xi32, #tpu.memory_space<hbm>>
      %dma_start3A_9 = tpu.memref_squeeze %dma_start3A_8 : memref<1x79x128xi32, #tpu.memory_space<hbm>> -> memref<79x128xi32, #tpu.memory_space<hbm>>
      %dma_start3A_10 = arith.constant 0 : i32
      %dma_start3A_11 = arith.constant 0 : i32
      %dma_start3A_12 = tpu.memref_slice %arg5[%add3A, %dma_start3A_10, %dma_start3A_11] : memref<32x79x128xi32, #tpu.memory_space<hbm>> -> memref<1x79x128xi32, #tpu.memory_space<hbm>>
      %dma_start3A_13 = tpu.memref_squeeze %dma_start3A_12 : memref<1x79x128xi32, #tpu.memory_space<hbm>> -> memref<79x128xi32, #tpu.memory_space<hbm>>
      tpu.enqueue_dma source(%dma_start3A_13 : memref<79x128xi32, #tpu.memory_space<hbm>>) target(%arg10 : memref<79x128xi32, #tpu.memory_space<vmem>>) target_semaphore(%run_scoped3A : memref<!tpu.dma_semaphore, #tpu.memory_space<semaphore_mem>>)
      %dma_wait3A = arith.constant 0 : i32
      %dma_wait3A_14 = arith.constant 0 : i32
      %dma_wait3A_15 = tpu.memref_slice %arg5[%add3A, %dma_wait3A, %dma_wait3A_14] : memref<32x79x128xi32, #tpu.memory_space<hbm>> -> memref<1x79x128xi32, #tpu.memory_space<hbm>>
      %dma_wait3A_16 = tpu.memref_squeeze %dma_wait3A_15 : memref<1x79x128xi32, #tpu.memory_space<hbm>> -> memref<79x128xi32, #tpu.memory_space<hbm>>
      %dma_wait3A_17 = arith.constant 0 : i32
      %dma_wait3A_18 = arith.constant 0 : i32
      %dma_wait3A_19 = tpu.memref_slice %arg5[%add3A, %dma_wait3A_17, %dma_wait3A_18] : memref<32x79x128xi32, #tpu.memory_space<hbm>> -> memref<1x79x128xi32, #tpu.memory_space<hbm>>
      %dma_wait3A_20 = tpu.memref_squeeze %dma_wait3A_19 : memref<1x79x128xi32, #tpu.memory_space<hbm>> -> memref<79x128xi32, #tpu.memory_space<hbm>>
      tpu.wait_dma2 semaphore(%run_scoped3A : memref<!tpu.dma_semaphore, #tpu.memory_space<semaphore_mem>>) src(%dma_wait3A_20 : memref<79x128xi32, #tpu.memory_space<hbm>>) dst(%arg10 : memref<79x128xi32, #tpu.memory_space<vmem>>)
      tpu.yield
    }) : () -> ()
    %scan3A = arith.constant 0 : i32
    %scan3A_1 = arith.constant 0 : i32
    %scan3A_2 = arith.constant 79 : i32
    %scan3A_3 = arith.addi %scan3A_1, %scan3A_2 : i32
    %scan3A_4 = arith.constant 1 : i32
    %scan3A_5 = scf.for %scan3A_7 = %scan3A_1 to %scan3A_3 step %scan3A_4 iter_args(%scan3A_8 = %scan3A) -> (i32)  : i32 {
      %get3A = arith.index_cast %scan3A_7 : i32 to index
      %get3A_9 = arith.constant 0 : index
      %get3A_10 = tpu.vector_load %arg9[%get3A, %get3A_9] {strides = array<i32>} : memref<79x128xi32, #tpu.memory_space<vmem>>, vector<16xi32>,
      %get3A_11 = arith.index_cast %scan3A_7 : i32 to index
      %get3A_12 = arith.constant 0 : index
      %get3A_13 = tpu.vector_load %arg10[%get3A_11, %get3A_12] {strides = array<i32>} : memref<79x128xi32, #tpu.memory_space<vmem>>, vector<16xi32>,
      %gather3A = tpu.vector_load_idx %arg7[%get3A_10] : memref<10112xf32, #tpu.memory_space<vmem>>[vector<16xi32>], vector<16xf32>,
      %gather3A_14 = tpu.vector_load_idx %arg8[%get3A_13] : memref<10112xf32, #tpu.memory_space<vmem>>[vector<16xi32>], vector<16xf32>,
      %add3A_15 = arith.addf %gather3A, %gather3A_14 : vector<16xf32>
      %neg3A = arith.constant 0.000000e+00 : f32
      %neg3A_16 = vector.broadcast %neg3A : f32 to vector<16xf32>
      %neg3A_17 = arith.subf %neg3A_16, %add3A_15 : vector<16xf32>
      %exp3A = math.exp %neg3A_17 : vector<16xf32>
      %add3A_18 = arith.constant 1.000000e+00 : f32
      %add3A_19 = vector.broadcast %add3A_18 : f32 to vector<16xf32>
      %add3A_20 = arith.addf %add3A_19, %exp3A : vector<16xf32>
      %div3A = arith.constant 1.000000e+00 : f32
      %div3A_21 = vector.broadcast %div3A : f32 to vector<16xf32>
      %div3A_22 = arith.divf %div3A_21, %add3A_20 : vector<16xf32>
      %swap3A = arith.index_cast %scan3A_7 : i32 to index
      %swap3A_23 = arith.constant 0 : index
      %swap3A_24 = tpu.vector_load %arg11[%swap3A, %swap3A_23] {strides = array<i32>} : memref<79x128xf32, #tpu.memory_space<vmem>>, vector<16xf32>,
      tpu.vector_store %arg11[%swap3A, %swap3A_23], %div3A_22 {strides = array<i32>} : memref<79x128xf32, #tpu.memory_space<vmem>>, vector<16xf32>,
      %get3A_25 = arith.index_cast %scan3A_7 : i32 to index
      %get3A_26 = arith.constant 16 : index
      %get3A_27 = tpu.vector_load %arg9[%get3A_25, %get3A_26] {strides = array<i32>} : memref<79x128xi32, #tpu.memory_space<vmem>>, vector<16xi32>,
      %get3A_28 = arith.index_cast %scan3A_7 : i32 to index
      %get3A_29 = arith.constant 16 : index
      %get3A_30 = tpu.vector_load %arg10[%get3A_28, %get3A_29] {strides = array<i32>} : memref<79x128xi32, #tpu.memory_space<vmem>>, vector<16xi32>,
      %gather3A_31 = tpu.vector_load_idx %arg7[%get3A_27] : memref<10112xf32, #tpu.memory_space<vmem>>[vector<16xi32>], vector<16xf32>,
      %gather3A_32 = tpu.vector_load_idx %arg8[%get3A_30] : memref<10112xf32, #tpu.memory_space<vmem>>[vector<16xi32>], vector<16xf32>,
      %add3A_33 = arith.addf %gather3A_31, %gather3A_32 : vector<16xf32>
      %neg3A_34 = arith.constant 0.000000e+00 : f32
      %neg3A_35 = vector.broadcast %neg3A_34 : f32 to vector<16xf32>
      %neg3A_36 = arith.subf %neg3A_35, %add3A_33 : vector<16xf32>
      %exp3A_37 = math.exp %neg3A_36 : vector<16xf32>
      %add3A_38 = arith.constant 1.000000e+00 : f32
      %add3A_39 = vector.broadcast %add3A_38 : f32 to vector<16xf32>
      %add3A_40 = arith.addf %add3A_39, %exp3A_37 : vector<16xf32>
      %div3A_41 = arith.constant 1.000000e+00 : f32
      %div3A_42 = vector.broadcast %div3A_41 : f32 to vector<16xf32>
      %div3A_43 = arith.divf %div3A_42, %add3A_40 : vector<16xf32>
      %swap3A_44 = arith.index_cast %scan3A_7 : i32 to index
      %swap3A_45 = arith.constant 16 : index
      %swap3A_46 = tpu.vector_load %arg11[%swap3A_44, %swap3A_45] {strides = array<i32>} : memref<79x128xf32, #tpu.memory_space<vmem>>, vector<16xf32>,
      tpu.vector_store %arg11[%swap3A_44, %swap3A_45], %div3A_43 {strides = array<i32>} : memref<79x128xf32, #tpu.memory_space<vmem>>, vector<16xf32>,
      %get3A_47 = arith.index_cast %scan3A_7 : i32 to index
      %get3A_48 = arith.constant 32 : index
      %get3A_49 = tpu.vector_load %arg9[%get3A_47, %get3A_48] {strides = array<i32>} : memref<79x128xi32, #tpu.memory_space<vmem>>, vector<16xi32>,
      %get3A_50 = arith.index_cast %scan3A_7 : i32 to index
      %get3A_51 = arith.constant 32 : index
      %get3A_52 = tpu.vector_load %arg10[%get3A_50, %get3A_51] {strides = array<i32>} : memref<79x128xi32, #tpu.memory_space<vmem>>, vector<16xi32>,
      %gather3A_53 = tpu.vector_load_idx %arg7[%get3A_49] : memref<10112xf32, #tpu.memory_space<vmem>>[vector<16xi32>], vector<16xf32>,
      %gather3A_54 = tpu.vector_load_idx %arg8[%get3A_52] : memref<10112xf32, #tpu.memory_space<vmem>>[vector<16xi32>], vector<16xf32>,
      %add3A_55 = arith.addf %gather3A_53, %gather3A_54 : vector<16xf32>
      %neg3A_56 = arith.constant 0.000000e+00 : f32
      %neg3A_57 = vector.broadcast %neg3A_56 : f32 to vector<16xf32>
      %neg3A_58 = arith.subf %neg3A_57, %add3A_55 : vector<16xf32>
      %exp3A_59 = math.exp %neg3A_58 : vector<16xf32>
      %add3A_60 = arith.constant 1.000000e+00 : f32
      %add3A_61 = vector.broadcast %add3A_60 : f32 to vector<16xf32>
      %add3A_62 = arith.addf %add3A_61, %exp3A_59 : vector<16xf32>
      %div3A_63 = arith.constant 1.000000e+00 : f32
      %div3A_64 = vector.broadcast %div3A_63 : f32 to vector<16xf32>
      %div3A_65 = arith.divf %div3A_64, %add3A_62 : vector<16xf32>
      %swap3A_66 = arith.index_cast %scan3A_7 : i32 to index
      %swap3A_67 = arith.constant 32 : index
      %swap3A_68 = tpu.vector_load %arg11[%swap3A_66, %swap3A_67] {strides = array<i32>} : memref<79x128xf32, #tpu.memory_space<vmem>>, vector<16xf32>,
      tpu.vector_store %arg11[%swap3A_66, %swap3A_67], %div3A_65 {strides = array<i32>} : memref<79x128xf32, #tpu.memory_space<vmem>>, vector<16xf32>,
      %get3A_69 = arith.index_cast %scan3A_7 : i32 to index
      %get3A_70 = arith.constant 48 : index
      %get3A_71 = tpu.vector_load %arg9[%get3A_69, %get3A_70] {strides = array<i32>} : memref<79x128xi32, #tpu.memory_space<vmem>>, vector<16xi32>,
      %get3A_72 = arith.index_cast %scan3A_7 : i32 to index
      %get3A_73 = arith.constant 48 : index
      %get3A_74 = tpu.vector_load %arg10[%get3A_72, %get3A_73] {strides = array<i32>} : memref<79x128xi32, #tpu.memory_space<vmem>>, vector<16xi32>,
      %gather3A_75 = tpu.vector_load_idx %arg7[%get3A_71] : memref<10112xf32, #tpu.memory_space<vmem>>[vector<16xi32>], vector<16xf32>,
      %gather3A_76 = tpu.vector_load_idx %arg8[%get3A_74] : memref<10112xf32, #tpu.memory_space<vmem>>[vector<16xi32>], vector<16xf32>,
      %add3A_77 = arith.addf %gather3A_75, %gather3A_76 : vector<16xf32>
      %neg3A_78 = arith.constant 0.000000e+00 : f32
      %neg3A_79 = vector.broadcast %neg3A_78 : f32 to vector<16xf32>
      %neg3A_80 = arith.subf %neg3A_79, %add3A_77 : vector<16xf32>
      %exp3A_81 = math.exp %neg3A_80 : vector<16xf32>
      %add3A_82 = arith.constant 1.000000e+00 : f32
      %add3A_83 = vector.broadcast %add3A_82 : f32 to vector<16xf32>
      %add3A_84 = arith.addf %add3A_83, %exp3A_81 : vector<16xf32>
      %div3A_85 = arith.constant 1.000000e+00 : f32
      %div3A_86 = vector.broadcast %div3A_85 : f32 to vector<16xf32>
      %div3A_87 = arith.divf %div3A_86, %add3A_84 : vector<16xf32>
      %swap3A_88 = arith.index_cast %scan3A_7 : i32 to index
      %swap3A_89 = arith.constant 48 : index
      %swap3A_90 = tpu.vector_load %arg11[%swap3A_88, %swap3A_89] {strides = array<i32>} : memref<79x128xf32, #tpu.memory_space<vmem>>, vector<16xf32>,
      tpu.vector_store %arg11[%swap3A_88, %swap3A_89], %div3A_87 {strides = array<i32>} : memref<79x128xf32, #tpu.memory_space<vmem>>, vector<16xf32>,
      %get3A_91 = arith.index_cast %scan3A_7 : i32 to index
      %get3A_92 = arith.constant 64 : index
      %get3A_93 = tpu.vector_load %arg9[%get3A_91, %get3A_92] {strides = array<i32>} : memref<79x128xi32, #tpu.memory_space<vmem>>, vector<16xi32>,
      %get3A_94 = arith.index_cast %scan3A_7 : i32 to index
      %get3A_95 = arith.constant 64 : index
      %get3A_96 = tpu.vector_load %arg10[%get3A_94, %get3A_95] {strides = array<i32>} : memref<79x128xi32, #tpu.memory_space<vmem>>, vector<16xi32>,
      %gather3A_97 = tpu.vector_load_idx %arg7[%get3A_93] : memref<10112xf32, #tpu.memory_space<vmem>>[vector<16xi32>], vector<16xf32>,
      %gather3A_98 = tpu.vector_load_idx %arg8[%get3A_96] : memref<10112xf32, #tpu.memory_space<vmem>>[vector<16xi32>], vector<16xf32>,
      %add3A_99 = arith.addf %gather3A_97, %gather3A_98 : vector<16xf32>
      %neg3A_100 = arith.constant 0.000000e+00 : f32
      %neg3A_101 = vector.broadcast %neg3A_100 : f32 to vector<16xf32>
      %neg3A_102 = arith.subf %neg3A_101, %add3A_99 : vector<16xf32>
      %exp3A_103 = math.exp %neg3A_102 : vector<16xf32>
      %add3A_104 = arith.constant 1.000000e+00 : f32
      %add3A_105 = vector.broadcast %add3A_104 : f32 to vector<16xf32>
      %add3A_106 = arith.addf %add3A_105, %exp3A_103 : vector<16xf32>
      %div3A_107 = arith.constant 1.000000e+00 : f32
      %div3A_108 = vector.broadcast %div3A_107 : f32 to vector<16xf32>
      %div3A_109 = arith.divf %div3A_108, %add3A_106 : vector<16xf32>
      %swap3A_110 = arith.index_cast %scan3A_7 : i32 to index
      %swap3A_111 = arith.constant 64 : index
      %swap3A_112 = tpu.vector_load %arg11[%swap3A_110, %swap3A_111] {strides = array<i32>} : memref<79x128xf32, #tpu.memory_space<vmem>>, vector<16xf32>,
      tpu.vector_store %arg11[%swap3A_110, %swap3A_111], %div3A_109 {strides = array<i32>} : memref<79x128xf32, #tpu.memory_space<vmem>>, vector<16xf32>,
      %get3A_113 = arith.index_cast %scan3A_7 : i32 to index
      %get3A_114 = arith.constant 80 : index
      %get3A_115 = tpu.vector_load %arg9[%get3A_113, %get3A_114] {strides = array<i32>} : memref<79x128xi32, #tpu.memory_space<vmem>>, vector<16xi32>,
      %get3A_116 = arith.index_cast %scan3A_7 : i32 to index
      %get3A_117 = arith.constant 80 : index
      %get3A_118 = tpu.vector_load %arg10[%get3A_116, %get3A_117] {strides = array<i32>} : memref<79x128xi32, #tpu.memory_space<vmem>>, vector<16xi32>,
      %gather3A_119 = tpu.vector_load_idx %arg7[%get3A_115] : memref<10112xf32, #tpu.memory_space<vmem>>[vector<16xi32>], vector<16xf32>,
      %gather3A_120 = tpu.vector_load_idx %arg8[%get3A_118] : memref<10112xf32, #tpu.memory_space<vmem>>[vector<16xi32>], vector<16xf32>,
      %add3A_121 = arith.addf %gather3A_119, %gather3A_120 : vector<16xf32>
      %neg3A_122 = arith.constant 0.000000e+00 : f32
      %neg3A_123 = vector.broadcast %neg3A_122 : f32 to vector<16xf32>
      %neg3A_124 = arith.subf %neg3A_123, %add3A_121 : vector<16xf32>
      %exp3A_125 = math.exp %neg3A_124 : vector<16xf32>
      %add3A_126 = arith.constant 1.000000e+00 : f32
      %add3A_127 = vector.broadcast %add3A_126 : f32 to vector<16xf32>
      %add3A_128 = arith.addf %add3A_127, %exp3A_125 : vector<16xf32>
      %div3A_129 = arith.constant 1.000000e+00 : f32
      %div3A_130 = vector.broadcast %div3A_129 : f32 to vector<16xf32>
      %div3A_131 = arith.divf %div3A_130, %add3A_128 : vector<16xf32>
      %swap3A_132 = arith.index_cast %scan3A_7 : i32 to index
      %swap3A_133 = arith.constant 80 : index
      %swap3A_134 = tpu.vector_load %arg11[%swap3A_132, %swap3A_133] {strides = array<i32>} : memref<79x128xf32, #tpu.memory_space<vmem>>, vector<16xf32>,
      tpu.vector_store %arg11[%swap3A_132, %swap3A_133], %div3A_131 {strides = array<i32>} : memref<79x128xf32, #tpu.memory_space<vmem>>, vector<16xf32>,
      %get3A_135 = arith.index_cast %scan3A_7 : i32 to index
      %get3A_136 = arith.constant 96 : index
      %get3A_137 = tpu.vector_load %arg9[%get3A_135, %get3A_136] {strides = array<i32>} : memref<79x128xi32, #tpu.memory_space<vmem>>, vector<16xi32>,
      %get3A_138 = arith.index_cast %scan3A_7 : i32 to index
      %get3A_139 = arith.constant 96 : index
      %get3A_140 = tpu.vector_load %arg10[%get3A_138, %get3A_139] {strides = array<i32>} : memref<79x128xi32, #tpu.memory_space<vmem>>, vector<16xi32>,
      %gather3A_141 = tpu.vector_load_idx %arg7[%get3A_137] : memref<10112xf32, #tpu.memory_space<vmem>>[vector<16xi32>], vector<16xf32>,
      %gather3A_142 = tpu.vector_load_idx %arg8[%get3A_140] : memref<10112xf32, #tpu.memory_space<vmem>>[vector<16xi32>], vector<16xf32>,
      %add3A_143 = arith.addf %gather3A_141, %gather3A_142 : vector<16xf32>
      %neg3A_144 = arith.constant 0.000000e+00 : f32
      %neg3A_145 = vector.broadcast %neg3A_144 : f32 to vector<16xf32>
      %neg3A_146 = arith.subf %neg3A_145, %add3A_143 : vector<16xf32>
      %exp3A_147 = math.exp %neg3A_146 : vector<16xf32>
      %add3A_148 = arith.constant 1.000000e+00 : f32
      %add3A_149 = vector.broadcast %add3A_148 : f32 to vector<16xf32>
      %add3A_150 = arith.addf %add3A_149, %exp3A_147 : vector<16xf32>
      %div3A_151 = arith.constant 1.000000e+00 : f32
      %div3A_152 = vector.broadcast %div3A_151 : f32 to vector<16xf32>
      %div3A_153 = arith.divf %div3A_152, %add3A_150 : vector<16xf32>
      %swap3A_154 = arith.index_cast %scan3A_7 : i32 to index
      %swap3A_155 = arith.constant 96 : index
      %swap3A_156 = tpu.vector_load %arg11[%swap3A_154, %swap3A_155] {strides = array<i32>} : memref<79x128xf32, #tpu.memory_space<vmem>>, vector<16xf32>,
      tpu.vector_store %arg11[%swap3A_154, %swap3A_155], %div3A_153 {strides = array<i32>} : memref<79x128xf32, #tpu.memory_space<vmem>>, vector<16xf32>,
      %get3A_157 = arith.index_cast %scan3A_7 : i32 to index
      %get3A_158 = arith.constant 112 : index
      %get3A_159 = tpu.vector_load %arg9[%get3A_157, %get3A_158] {strides = array<i32>} : memref<79x128xi32, #tpu.memory_space<vmem>>, vector<16xi32>,
      %get3A_160 = arith.index_cast %scan3A_7 : i32 to index
      %get3A_161 = arith.constant 112 : index
      %get3A_162 = tpu.vector_load %arg10[%get3A_160, %get3A_161] {strides = array<i32>} : memref<79x128xi32, #tpu.memory_space<vmem>>, vector<16xi32>,
      %gather3A_163 = tpu.vector_load_idx %arg7[%get3A_159] : memref<10112xf32, #tpu.memory_space<vmem>>[vector<16xi32>], vector<16xf32>,
      %gather3A_164 = tpu.vector_load_idx %arg8[%get3A_162] : memref<10112xf32, #tpu.memory_space<vmem>>[vector<16xi32>], vector<16xf32>,
      %add3A_165 = arith.addf %gather3A_163, %gather3A_164 : vector<16xf32>
      %neg3A_166 = arith.constant 0.000000e+00 : f32
      %neg3A_167 = vector.broadcast %neg3A_166 : f32 to vector<16xf32>
      %neg3A_168 = arith.subf %neg3A_167, %add3A_165 : vector<16xf32>
      %exp3A_169 = math.exp %neg3A_168 : vector<16xf32>
      %add3A_170 = arith.constant 1.000000e+00 : f32
      %add3A_171 = vector.broadcast %add3A_170 : f32 to vector<16xf32>
      %add3A_172 = arith.addf %add3A_171, %exp3A_169 : vector<16xf32>
      %div3A_173 = arith.constant 1.000000e+00 : f32
      %div3A_174 = vector.broadcast %div3A_173 : f32 to vector<16xf32>
      %div3A_175 = arith.divf %div3A_174, %add3A_172 : vector<16xf32>
      %swap3A_176 = arith.index_cast %scan3A_7 : i32 to index
      %swap3A_177 = arith.constant 112 : index
      %swap3A_178 = tpu.vector_load %arg11[%swap3A_176, %swap3A_177] {strides = array<i32>} : memref<79x128xf32, #tpu.memory_space<vmem>>, vector<16xf32>,
      tpu.vector_store %arg11[%swap3A_176, %swap3A_177], %div3A_175 {strides = array<i32>} : memref<79x128xf32, #tpu.memory_space<vmem>>, vector<16xf32>,
      %scan3A_179 = arith.constant 0 : i32
      scf.yield %scan3A_179 : i32
    }
    %scan3A_6 = arith.constant 79 : i32
    "tpu.region"() ({
      %run_scoped3A = tpu.sem_alloc : memref<!tpu.dma_semaphore, #tpu.memory_space<semaphore_mem>>
      %dma_start3A = arith.constant 0 : i32
      %dma_start3A_7 = arith.constant 0 : i32
      %dma_start3A_8 = tpu.memref_slice %arg6[%add3A, %dma_start3A, %dma_start3A_7] : memref<32x79x128xf32, #tpu.memory_space<hbm>> -> memref<1x79x128xf32, #tpu.memory_space<hbm>>
      %dma_start3A_9 = tpu.memref_squeeze %dma_start3A_8 : memref<1x79x128xf32, #tpu.memory_space<hbm>> -> memref<79x128xf32, #tpu.memory_space<hbm>>
      %dma_start3A_10 = arith.constant 0 : i32
      %dma_start3A_11 = arith.constant 0 : i32
      %dma_start3A_12 = tpu.memref_slice %arg6[%add3A, %dma_start3A_10, %dma_start3A_11] : memref<32x79x128xf32, #tpu.memory_space<hbm>> -> memref<1x79x128xf32, #tpu.memory_space<hbm>>
      %dma_start3A_13 = tpu.memref_squeeze %dma_start3A_12 : memref<1x79x128xf32, #tpu.memory_space<hbm>> -> memref<79x128xf32, #tpu.memory_space<hbm>>
      tpu.enqueue_dma source(%arg11 : memref<79x128xf32, #tpu.memory_space<vmem>>) target(%dma_start3A_13 : memref<79x128xf32, #tpu.memory_space<hbm>>) target_semaphore(%run_scoped3A : memref<!tpu.dma_semaphore, #tpu.memory_space<semaphore_mem>>)
      %dma_wait3A = arith.constant 0 : i32
      %dma_wait3A_14 = arith.constant 0 : i32
      %dma_wait3A_15 = tpu.memref_slice %arg6[%add3A, %dma_wait3A, %dma_wait3A_14] : memref<32x79x128xf32, #tpu.memory_space<hbm>> -> memref<1x79x128xf32, #tpu.memory_space<hbm>>
      %dma_wait3A_16 = tpu.memref_squeeze %dma_wait3A_15 : memref<1x79x128xf32, #tpu.memory_space<hbm>> -> memref<79x128xf32, #tpu.memory_space<hbm>>
      %dma_wait3A_17 = arith.constant 0 : i32
      %dma_wait3A_18 = arith.constant 0 : i32
      %dma_wait3A_19 = tpu.memref_slice %arg6[%add3A, %dma_wait3A_17, %dma_wait3A_18] : memref<32x79x128xf32, #tpu.memory_space<hbm>> -> memref<1x79x128xf32, #tpu.memory_space<hbm>>
      %dma_wait3A_20 = tpu.memref_squeeze %dma_wait3A_19 : memref<1x79x128xf32, #tpu.memory_space<hbm>> -> memref<79x128xf32, #tpu.memory_space<hbm>>
      tpu.wait_dma2 semaphore(%run_scoped3A : memref<!tpu.dma_semaphore, #tpu.memory_space<semaphore_mem>>) src(%arg11 : memref<79x128xf32, #tpu.memory_space<vmem>>) dst(%dma_wait3A_20 : memref<79x128xf32, #tpu.memory_space<hbm>>)
      tpu.yield
    }) : () -> ()
    return
  }
}

module attributes {stable_mosaic.version = 14 : i64} {
  func.func @_dense_body(%arg0: memref<10112x128xf32, #tpu.memory_space<vmem>>, %arg1: memref<2x10112x128xf32, #tpu.memory_space<vmem>>, %arg2: memref<32x10112xf32, #tpu.memory_space<vmem>>, %arg3: memref<128x128xf32, #tpu.memory_space<vmem>>, %arg4: memref<128x128xf32, #tpu.memory_space<vmem>>, %arg5: memref<1x128xf32, #tpu.memory_space<vmem>>, %arg6: memref<2x128xf32, #tpu.memory_space<vmem>>, %arg7: memref<1xf32, #tpu.memory_space<smem>>, %arg8: memref<10112xf32, #tpu.memory_space<vmem>>, %arg9: memref<10112xf32, #tpu.memory_space<vmem>>) attributes {dimension_semantics = [], scalar_prefetch = 0 : i64, scratch_operands = 0 : i64, tpu.core_type = #tpu.core_type<tc>} {
    %get3A = arith.constant 0 : index
    %get3A_0 = arith.constant 0 : index
    %get3A_1 = arith.constant 0 : index
    %get3A_2 = vector.load %arg1[%get3A, %get3A_0, %get3A_1] : memref<2x10112x128xf32, #tpu.memory_space<vmem>>, vector<1x10112x128xf32>
    %get3A_3 = vector.shape_cast %get3A_2 : vector<1x10112x128xf32> to vector<10112x128xf32>
    %get3A_4 = arith.constant 1 : index
    %get3A_5 = arith.constant 0 : index
    %get3A_6 = arith.constant 0 : index
    %get3A_7 = vector.load %arg1[%get3A_4, %get3A_5, %get3A_6] : memref<2x10112x128xf32, #tpu.memory_space<vmem>>, vector<1x10112x128xf32>
    %get3A_8 = vector.shape_cast %get3A_7 : vector<1x10112x128xf32> to vector<10112x128xf32>
    %add3A = arith.addf %get3A_3, %get3A_8 : vector<10112x128xf32>
    %get3A_9 = arith.constant 0 : index
    %get3A_10 = arith.constant 0 : index
    %get3A_11 = vector.load %arg2[%get3A_9, %get3A_10] : memref<32x10112xf32, #tpu.memory_space<vmem>>, vector<32x10112xf32>
    %reduce_sum3A = arith.constant dense<0.000000e+00> : vector<10112xf32>
    %reduce_sum3A_12 = vector.multi_reduction <add>, %get3A_11, %reduce_sum3A [0] : vector<32x10112xf32> to vector<10112xf32>
    %max3A = arith.constant 1.000000e+00 : f32
    %max3A_13 = vector.broadcast %max3A : f32 to vector<10112xf32>
    %max3A_14 = arith.maximumf %reduce_sum3A_12, %max3A_13 : vector<10112xf32>
    %div3A = arith.constant 1.000000e+00 : f32
    %div3A_15 = vector.broadcast %div3A : f32 to vector<10112xf32>
    %div3A_16 = arith.divf %div3A_15, %max3A_14 : vector<10112xf32>
    %broadcast_in_dim3A = vector.shape_cast %div3A_16 : vector<10112xf32> to vector<10112x1xf32>
    %mul3A = vector.broadcast %broadcast_in_dim3A : vector<10112x1xf32> to vector<10112x128xf32>
    %mul3A_17 = arith.mulf %add3A, %mul3A : vector<10112x128xf32>
    %get3A_18 = arith.constant 0 : index
    %get3A_19 = arith.constant 0 : index
    %get3A_20 = vector.load %arg0[%get3A_18, %get3A_19] : memref<10112x128xf32, #tpu.memory_space<vmem>>, vector<10112x128xf32>
    %get3A_21 = arith.constant 0 : index
    %get3A_22 = arith.constant 0 : index
    %get3A_23 = vector.load %arg3[%get3A_21, %get3A_22] : memref<128x128xf32, #tpu.memory_space<vmem>>, vector<128x128xf32>
    %dot_general3A = arith.constant dense<0.000000e+00> : vector<10112x128xf32>
    %dot_general3A_24 = tpu.matmul %get3A_20, %get3A_23, %dot_general3A {dimension_numbers = #tpu.dot_dimension_numbers<[1], [0], [0], [1], [0, 0, 1, 1], [], []>, transpose_lhs_hint = false} : vector<10112x128xf32>, vector<128x128xf32>, vector<10112x128xf32> -> vector<10112x128xf32>
    %get3A_25 = arith.constant 0 : index
    %get3A_26 = arith.constant 0 : index
    %get3A_27 = vector.load %arg4[%get3A_25, %get3A_26] : memref<128x128xf32, #tpu.memory_space<vmem>>, vector<128x128xf32>
    %dot_general3A_28 = arith.constant dense<0.000000e+00> : vector<10112x128xf32>
    %dot_general3A_29 = tpu.matmul %mul3A_17, %get3A_27, %dot_general3A_28 {dimension_numbers = #tpu.dot_dimension_numbers<[1], [0], [0], [1], [0, 0, 1, 1], [], []>, transpose_lhs_hint = false} : vector<10112x128xf32>, vector<128x128xf32>, vector<10112x128xf32> -> vector<10112x128xf32>
    %add3A_30 = arith.addf %dot_general3A_24, %dot_general3A_29 : vector<10112x128xf32>
    %get3A_31 = arith.constant 0 : index
    %get3A_32 = arith.constant 0 : index
    %get3A_33 = vector.load %arg5[%get3A_31, %get3A_32] : memref<1x128xf32, #tpu.memory_space<vmem>>, vector<1x128xf32>
    %add3A_34 = vector.broadcast %get3A_33 : vector<1x128xf32> to vector<10112x128xf32>
    %add3A_35 = arith.addf %add3A_30, %add3A_34 : vector<10112x128xf32>
    %max3A_36 = arith.constant 0.000000e+00 : f32
    %max3A_37 = vector.broadcast %max3A_36 : f32 to vector<10112x128xf32>
    %max3A_38 = arith.maximumf %add3A_35, %max3A_37 : vector<10112x128xf32>
    %get3A_39 = arith.constant 0 : index
    %get3A_40 = memref.load %arg7[%get3A_39] : memref<1xf32, #tpu.memory_space<smem>>
    %get3A_41 = arith.constant 0 : index
    %get3A_42 = arith.constant 0 : index
    %get3A_43 = vector.load %arg6[%get3A_41, %get3A_42] : memref<2x128xf32, #tpu.memory_space<vmem>>, vector<1x128xf32>
    %mul3A_44 = vector.broadcast %get3A_43 : vector<1x128xf32> to vector<10112x128xf32>
    %mul3A_45 = arith.mulf %max3A_38, %mul3A_44 : vector<10112x128xf32>
    %reduce_sum3A_46 = arith.constant dense<0.000000e+00> : vector<10112xf32>
    %reduce_sum3A_47 = vector.multi_reduction <add>, %mul3A_45, %reduce_sum3A_46 [1] : vector<10112x128xf32> to vector<10112xf32>
    %add3A_48 = vector.broadcast %get3A_40 : f32 to vector<10112xf32>
    %add3A_49 = arith.addf %reduce_sum3A_47, %add3A_48 : vector<10112xf32>
    %swap3A = arith.constant 0 : index
    %swap3A_50 = vector.load %arg8[%swap3A] : memref<10112xf32, #tpu.memory_space<vmem>>, vector<10112xf32>
    tpu.vector_store %arg8[%swap3A], %add3A_49 {strides = array<i32>} : memref<10112xf32, #tpu.memory_space<vmem>>, vector<10112xf32>,
    %get3A_51 = arith.constant 1 : index
    %get3A_52 = arith.constant 0 : index
    %get3A_53 = vector.load %arg6[%get3A_51, %get3A_52] : memref<2x128xf32, #tpu.memory_space<vmem>>, vector<1x128xf32>
    %mul3A_54 = vector.broadcast %get3A_53 : vector<1x128xf32> to vector<10112x128xf32>
    %mul3A_55 = arith.mulf %max3A_38, %mul3A_54 : vector<10112x128xf32>
    %reduce_sum3A_56 = arith.constant dense<0.000000e+00> : vector<10112xf32>
    %reduce_sum3A_57 = vector.multi_reduction <add>, %mul3A_55, %reduce_sum3A_56 [1] : vector<10112x128xf32> to vector<10112xf32>
    %add3A_58 = vector.broadcast %get3A_40 : f32 to vector<10112xf32>
    %add3A_59 = arith.addf %reduce_sum3A_57, %add3A_58 : vector<10112xf32>
    %swap3A_60 = arith.constant 0 : index
    %swap3A_61 = vector.load %arg9[%swap3A_60] : memref<10112xf32, #tpu.memory_space<vmem>>, vector<10112xf32>
    tpu.vector_store %arg9[%swap3A_60], %add3A_59 {strides = array<i32>} : memref<10112xf32, #tpu.memory_space<vmem>>, vector<10112xf32>,
    return
  }
}

</mosaic_0001>

<sc_bundles>
// kernel: kernel.5.cloned.1.call-start
scs
__scs_entry_jumppad:
0x0: {  	(pc) =	sbr.rel $0x88, $3  }
0x1: {  	(tag) =	ssettag $0x0;
	lr =	simm.s32 $0x1  }
0x2: {  	[smem:$0x3F9A] =	sst lr;
	_ =	strace $0xD0000000  }
0x3: {  	_ = 	snop  }
0x4: {  	_ = 	snop  }
0x5: {  	_ = 	snop  }
0x6: {  	_ = 	snop  }
0x7: {  	_ = 	snop  }
__scs_overlays_trampoline_lowered:
0x8: {  	[smem:$0x3FA9] =	sst s0  }
0x9: {  	[smem:$0x3FAA] =	sst s1  }
0xa: {  	[smem:$0x3FAB] =	sst s2  }
0xb: {  	[smem:$0x3FAC] =	sst s3  }
0xc: {  	[smem:$0x3FAD] =	sst s4  }
0xd: {  	[smem:$0x3FAE] =	sst s5  }
0xe: {  	[smem:$0x3FAF] =	sst s6  }
0xf: {  	[smem:$0x3FB0] =	sst s7  }
0x10: {  	[smem:$0x3FB1] =	sst s8  }
0x11: {  	[smem:$0x3FB2] =	sst s9;
	s0 =	simm.s32 @!p0 $0x0  }
0x12: {  	s1 =	sld [smem:$0x3F98];
	s0 =	simm.s32 @p0 $0x1  }
0x13: {  	[smem:$0x3FB3] =	sst s0;
	s0 =	simm.s32 @!p1 $0x0  }
0x14: {  	s2 =	sld [smem:$0x3F97];
	s0 =	simm.s32 @p1 $0x1  }
0x15: {  	[smem:$0x3FB4] =	sst s0;
	s0 =	simm.s32 @!p2 $0x0  }
0x16: {  	s3 =	sld [smem:$0x3FDB];
	s0 =	simm.s32 @p2 $0x1  }
0x17: {  	s4 =	simm.s32 $0x1BF5;
	[smem:$0x3FB6] =	sst s0  }
0x18: {  	s0 =	sld [smem:$0x3F99];
	_ =	swait.ge [sflag:s4], $0x0  }
0x19: {  	s7 =	sld [smem:$0x3F9A]  }
0x1a: {  	s8 =	sadd.s32 $0xFFFFE003, lr  }
0x1b: {  	s9 =	sadd.s32 $0xFFFFFEF7, lr;
	s5 =	simm.s32 $0xFFFFFFFF;
	p2 =	slt.u32 s8, $0xFFFFF086  }
0x1c: {  	p1 =	slt.u32 s9, $0xF7A;
	s5 =	simm.s32 @!p2 $0x0  }
0x1d: {  	s5 =	simm.s32 @p1 $0x1;
	p0 =	seq.s32 s7, s2  }
0x1e: {  	s7 =	smul.u32 @!p0 $0xF7A, s2;
	p2 =	seq.s32 @!p0 s5, $0x0  }
0x1f: {  	s9 =	smul.u32 $0xF7A, s1;
	s8 =	simm.s32 @!p0 $0x1BF5;
	p2 =	por !p2, p0  }
0x20: {  	[sflag:s8] =	ssyncset.s32 @!p0 $0xFFFFF086;
	s6 =	sadd.s32 @!p0 s3, s7;
	s7 =	simm.s32 @!p0 $0x108  }
0x21: {  	s3 =	sadd.s32 s3, s9;
	s6 =	sadd.s32 @!p0 $0x88, s6;
	s7 =	simm.s32 @p2 $0x1082  }
0x22: {  	[simem:s7], [sflag:s8] =	dma.local @!p0 [hbm:s6], $0xF7A  }
0x23: {  	s9 =	sor.u32 $0xD0000000, s2;
	s6 =	simm.s32 $0x108;
	_ =	swait.ge @!p0 [sflag:s8], $0x0  }
0x24: {  	s3 =	sadd.s32 $0x88, s3;
	s6 =	simm.s32 @!p1 $0x1082;
	[sflag:s4] =	ssyncset.s32 $0xFFFFF086  }
0x25: {  	[simem:s6], [sflag:s4] =	dma.local [hbm:s3], $0xF7A  }
0x26: {  	[smem:$0x3F9A] =	sst s1;
	(tag) =	ssettag s2;
	_ =	strace s9  }
0x27: {  	s1 =	sld [smem:$0x3FAA]  }
0x28: {  	s2 =	sld [smem:$0x3FAB]  }
0x29: {  	s4 =	sld [smem:$0x3FAD]  }
0x2a: {  	p0 =	seq.s32 s5, $0x0;
	s5 =	sld [smem:$0x3FAE]  }
0x2b: {  	s6 =	sld [smem:$0x3FAF]  }
0x2c: {  	s7 =	sld [smem:$0x3FB0]  }
0x2d: {  	s3 =	simm.s32 $0x108;
	s8 =	sld [smem:$0x3FB1]  }
0x2e: {  	s3 =	simm.s32 @!p0 $0x1082;
	s9 =	sld [smem:$0x3FB2]  }
0x2f: {  	lr =	sadd.s32 s0, s3;
	s0 =	sld [smem:$0x3FA9]  }
0x30: {  	s3 =	sld [smem:$0x3FAC]  }
0x31: {  	[smem:$0x3FB5] =	sst s10  }
0x32: {  	s10 =	sld [smem:$0x3FB3];
	_ =	sdelay $0x3  }
0x33: {  	p0 =	seq.s32 s10, $0x1;
	s10 =	sld [smem:$0x3FB5];
	_ =	sdelay $0x3  }
0x34: {  	[smem:$0x3FB5] =	sst s10  }
0x35: {  	s10 =	sld [smem:$0x3FB4];
	_ =	sdelay $0x3  }
0x36: {  	p1 =	seq.s32 s10, $0x1;
	s10 =	sld [smem:$0x3FB5];
	_ =	sdelay $0x3  }
0x37: {  	[smem:$0x3FB5] =	sst s10  }
0x38: {  	s10 =	sld [smem:$0x3FB6]  }
0x39: {  	_ = 	snop;
	(pc) =	sbr.ind lr, $3  }
0x3a: {  	_ = 	snop  }
0x3b: {  	_ = 	snop  }
0x3c: {  	p2 =	seq.s32 s10, $0x1;
	s10 =	sld [smem:$0x3FB5]  }
0x3d: {  	_ =	shalt  }
0x3e: {  	_ =	shalt  }
0x3f: {  	_ =	shalt  }
0x40: {  	_ =	shalt  }
0x41: {  	_ =	shalt  }
0x42: {  	_ =	shalt  }
0x43: {  	_ =	shalt  }
0x44: {  	_ =	shalt  }
0x45: {  	_ =	shalt  }
0x46: {  	_ =	shalt  }
0x47: {  	_ =	shalt  }
0x48: {  	_ =	shalt  }
0x49: {  	_ =	shalt  }
0x4a: {  	_ =	shalt  }
0x4b: {  	_ =	shalt  }
0x4c: {  	_ =	shalt  }
0x4d: {  	_ =	shalt  }
0x4e: {  	_ =	shalt  }
0x4f: {  	_ =	shalt  }
0x50: {  	_ =	shalt  }
0x51: {  	_ =	shalt  }
0x52: {  	_ =	shalt  }
0x53: {  	_ =	shalt  }
0x54: {  	_ =	shalt  }
0x55: {  	_ =	shalt  }
0x56: {  	_ =	shalt  }
0x57: {  	_ =	shalt  }
0x58: {  	_ =	shalt  }
0x59: {  	_ =	shalt  }
0x5a: {  	_ =	shalt  }
0x5b: {  	_ =	shalt  }
0x5c: {  	_ =	shalt  }
0x5d: {  	_ =	shalt  }
0x5e: {  	_ =	shalt  }
0x5f: {  	_ =	shalt  }
0x60: {  	_ =	shalt  }
0x61: {  	_ =	shalt  }
0x62: {  	_ =	shalt  }
0x63: {  	_ =	shalt  }
0x64: {  	_ =	shalt  }
0x65: {  	_ =	shalt  }
0x66: {  	_ =	shalt  }
0x67: {  	_ =	shalt  }
0x68: {  	_ =	shalt  }
0x69: {  	_ =	shalt  }
0x6a: {  	_ =	shalt  }
0x6b: {  	_ =	shalt  }
0x6c: {  	_ =	shalt  }
0x6d: {  	_ =	shalt  }
0x6e: {  	_ =	shalt  }
0x6f: {  	_ =	shalt  }
0x70: {  	_ =	shalt  }
0x71: {  	_ =	shalt  }
0x72: {  	_ =	shalt  }
0x73: {  	_ =	shalt  }
0x74: {  	_ =	shalt  }
0x75: {  	_ =	shalt  }
0x76: {  	_ =	shalt  }
0x77: {  	_ =	shalt  }
0x78: {  	_ =	shalt  }
0x79: {  	_ =	shalt  }
0x7a: {  	_ =	shalt  }
0x7b: {  	_ =	shalt  }
0x7c: {  	_ =	shalt  }
0x7d: {  	_ =	shalt  }
0x7e: {  	_ =	shalt  }
0x7f: {  	_ =	shalt  }
0x80: {  	_ =	shalt  }
0x81: {  	_ =	shalt  }
0x82: {  	_ =	shalt  }
0x83: {  	_ =	shalt  }
0x84: {  	_ =	shalt  }
0x85: {  	_ =	shalt  }
0x86: {  	_ =	shalt  }
0x87: {  	_ =	shalt  }
.Lfunc_end0:
.L_simem_size_0:
called_computation_lowered:
.L_overlay_start_0:
0x88: {  	s2 =	sld [smem:$0x3FD9]  }
0x89: {  	s3 =	sld [smem:$0x3FFE];
	_ =	sdelay $0x1  }
0x8a: {  	s1 =	srdreg.scid  }
0x8b: {  	s0 =	sand.u32 $0x1, s1  }
0x8c: {  	s17 =	sshll.u32 s0, $0xA;
	s2 =	sadd.s32 s3, s2  }
0x8d: {  	s2 =	sadd.s32 s2, s17  }
0x8e: {  	[smem:$0x3FC1] =	sst s2  }
0x8f: {  	_ = 	snop  }
0x90: {  	s2 =	sld [smem:$0x3FD0];
	(tm) =	ssettm $0x1  }
0x91: {  	s18 =	sld [smem:$0x3FFB];
	_ =	sdelay $0x3  }
0x92: {  	_ =	strace s18  }
0x93: {  	s3 =	sld [smem:$0x3FFC];
	_ =	sdelay $0x3  }
0x94: {  	_ =	strace s3  }
0x95: {  	s3 =	sld [smem:$0x3FFD];
	_ =	sdelay $0x3  }
0x96: {  	_ =	strace s3  }
0x97: {  	_ =	strace $0x8FFFFFFF  }
0x98: {  	s19 =	sld [smem:$0x3FDB];
	_ =	sdelay $0x1  }
0x99: {  	s4 =	simm.s32 $_scs_section_size  }
0x9a: {  	s5 =	simm.s32 $_size__tile_overlayer_lowered;
	s6 =	simm.s32 $_tile_overlayer_lowered  }
0x9b: {  	s22 =	simm.s32 $0x1BFF;
	s21 =	sshll.u32 s6, $0x1;
	s3 =	sadd.s32 s4, s19  }
0x9c: {  	s7 =	simm.s32 $0x0;
	s20 =	sshll.u32 s5, $0x1;
	s5 =	sadd.s32 s21, s3  }
0x9d: {  	[timem:s7], [sflag:s22] =	dma.local [hbm:s5], s20  }
0x9e: {  	_ =	swait.ge [sflag:s22], s20  }
0x9f: {  	s4 =	ssub.s32 $0x0, s20;
	[sflag:s22] =	ssyncset.done $0x0  }
0xa0: {  	[sflag:s22] =	ssyncadd.s32 s4;
	_ =	sdelay $0x1  }
0xa1: {  	s23 =	simm.s32 $0x1B8B  }
0xa2: {  	_ =	swait.ge [sflag:s23], $0x1  }
0xa3: {  	[sflag:s23] =	ssyncset.done $0x0  }
0xa4: {  	s25 =	simm.s32 $0x1B8E;
	s24 =	sld [smem:$0x3FFE];
	[sflag:s23] =	ssyncadd.s32 $0xFFFFFFFF  }
0xa5: {  	s26 =	simm.s32 $execute0_lowered;
	[smem:$0x3FD2] =	sst s25  }
0xa6: {  	s5 =	sshll.u32 s26, $0x1;
	_ =	strace $0x80000046;
	[dreg:$0x1] =	wrdreg $0xFFFFFFFF  }
0xa7: {  	s28 =	simm.s32 $_size_execute0_lowered;
	s3 =	sadd.s32 s3, s5;
	[dreg:$0x0] =	wrdreg $0x0  }
0xa8: {  	s5 =	sshll.u32 s28, $0x1;
	[dreg:$0x2] =	wrdreg s3  }
0xa9: {  	[dreg:$0x3] =	wrdreg s5  }
0xaa: {  	[dreg:$0x4] =	wrdreg $0xC0  }
0xab: {  	_ =	task [dreg:s7], $0x5FFFF  }
0xac: {  	[dreg:$0x1] =	wrdreg $0xFFFFFFFF  }
0xad: {  	[dreg:$0x0] =	wrdreg $0x60  }
0xae: {  	[dreg:$0x2] =	wrdreg s24  }
0xaf: {  	[dreg:$0x3] =	wrdreg s2  }
0xb0: {  	[dreg:$0x4] =	wrdreg $0x0  }
0xb1: {  	[dreg:$0x5] =	wrdreg $0x9  }
0xb2: {  	_ =	task.clear_ibuf [dreg:s7], $0x6FFFF;
	_ =	strace $0x90000046  }
0xb3: {  	s29 =	simm.s32 $0x9;
	_ =	strace $0x80000048  }
0xb4: {  	_ =	swait.ge [sflag:s29], $0x1  }
0xb5: {  	[sflag:s29] =	ssyncadd.s32 $0xFFFFFFFF  }
0xb6: {  	_ =	strace $0x90000048  }
0xb7: {  	_ =	sfence  }
0xb8: {  	s30 =	sld [smem:$0x0];
	_ =	sdelay $0x2  }
0xb9: {  	s31 =	sshll.u32 s1, $0xD;
	s1 =	sshrl.u32 s1, $0x2  }
0xba: {  	s3 =	sand.u32 $0x4000, s31;
	s1 =	sadd.s32 s1, s30  }
0xbb: {  	s0 =	sor.u32 s3, s0;
	s1 =	sshll.u32 s1, $0x11  }
0xbc: {  	s0 =	sor.u32 s1, s0  }
0xbd: {  	s0 =	sadd.s32 $0x8F2B, s0  }
0xbe: {  	[sflag:s0] =	ssyncadd.remote.s32 $0x1  }
0xbf: {  	_ =	sfence.sel $0xFFFF  }
0xc0: {  	[dreg:$0x0] =	wrdreg $0xFFFFFFFF;
	(pc) =	sbr.abs _section_cstart, $3  }
0xc1: {  	[dreg:$0x1] =	wrdreg $0xFFFFFFFF  }
0xc2: {  	_ =	task.clear_ibuf [dreg:s7], $0x2FFFF;
	_ =	strace $0x9FFFFFFF  }
0xc3: {  	(tm) =	ssettm $0x7FFFFFFF  }
tec
execute0_lowered:
.L_overlay_start_1:
0x0: {  	(tag) =	ssettag $0x1  }
0x1: {  	s0 =	rddreg [dreg:$0x0];
	s12 =	stileid.u32  }
0x2: {  	s2 =	rddreg [dreg:$0x2];
	s6 =	smul.u32 $0x13C00, s12  }
0x3: {  	s1 =	srdreg.scid;
	s4 =	simm.s32 $0x0;
	s10 =	smul.u32 $0x4F000, s12  }
0x4: {  	s1 =	sand.u32 $0x1, s1;
	[smem:$0x7FF] =	sst s4;
	s14 =	smul.u32 $0x4F00, s12  }
0x5: {  	s5 =	sshll.u32 s12, $0x1;
	s3 =	smul.u32 $0x13C000, s1;
	_ =	strace $0x80000047  }
0x6: {  	s7 =	sor.u32 s1, s5;
	s31 =	ssub.s32 $0x2, s1;
	s1 =	smul.u32 $0x2780, s1  }
0x7: {  	s8 =	smul.u32 $0x2780, s7;
	s7 =	sadd.s32 $0xAA00, s0;
	s11 =	sshrl.u32 s31, $0x1  }
0x8: {  	s13 =	sshrl.u32 s10, $0x2;
	s3 =	sadd.s32 s6, s3;
	s6 =	sadd.s32 $0xC00, s0  }
0x9: {  	s11 =	ssub.s32 s31, s11;
	s1 =	sadd.s32 s1, s14;
	s9 =	sshrl.u32 s8, $0x3  }
0xa: {  	s8 =	sadd.s32 s13, s2;
	s25 =	sadd.s32 $0x300, s1;
	s13 =	sadd.s32 s6, s9  }
0xb: {  	s15 =	sadd.s32 $0x10, s9;
	s16 =	sadd.s32 s7, s9;
	[dreg:$0xa] =	wrdreg s13  }
0xc: {  	s28 =	sshrl.u32 s25, $0x3;
	s25 =	smax.u32 s11, $0x1;
	[dreg:$0xb] =	wrdreg s16  }
0xd: {  	s17 =	sadd.s32 s6, s15;
	[dreg:$0x1a] =	wrdreg s25  }
0xe: {  	s18 =	sadd.s32 $0x20, s9;
	s12 =	sadd.s32 s7, s15;
	[dreg:$0xc] =	wrdreg s17  }
0xf: {  	s20 =	sadd.s32 $0x30, s9;
	s19 =	sadd.s32 s6, s18;
	[dreg:$0xd] =	wrdreg s12  }
0x10: {  	s21 =	sadd.s32 $0x380, s1;
	s22 =	sadd.s32 s6, s20;
	[dreg:$0xe] =	wrdreg s19  }
0x11: {  	s23 =	sshrl.u32 s21, $0x3;
	s10 =	sadd.s32 s7, s20;
	[dreg:$0x10] =	wrdreg s22  }
0x12: {  	s5 =	sadd.s32 $0x14800, s0;
	s24 =	sadd.s32 s23, s7;
	[dreg:$0x11] =	wrdreg s10  }
0x13: {  	s3 =	sshrl.u32 s3, $0x3;
	s26 =	sadd.s32 s23, s6;
	[dreg:$0x4] =	wrdreg s24  }
0x14: {  	s3 =	sadd.s32 s3, s0;
	s30 =	sadd.s32 s28, s7;
	[dreg:$0x5] =	wrdreg s26  }
0x15: {  	s0 =	sadd.s32 s9, s0;
	s14 =	sadd.s32 s28, s6;
	[dreg:$0x6] =	wrdreg s30  }
0x16: {  	s31 =	sadd.s32 $0x280, s1;
	s0 =	sadd.s32 $0x3C000, s0;
	[dreg:$0x7] =	wrdreg s14  }
0x17: {  	s29 =	sadd.s32 $0x200, s1;
	s28 =	sadd.s32 $0x8000, s8;
	[dreg:$0x18] =	wrdreg s0  }
0x18: {  	s15 =	sshrl.u32 s31, $0x3;
	s31 =	sadd.s32 $0x10000, s8;
	[dreg:$0x1c] =	wrdreg s28  }
0x19: {  	s16 =	sadd.s32 $0x4C0, s9;
	s12 =	sadd.s32 s7, s18;
	[dreg:$0x1e] =	wrdreg s31  }
0x1a: {  	s1 =	simm.s32 $0x7;
	s14 =	sadd.s32 s6, s16;
	[dreg:$0xf] =	wrdreg s12  }
0x1b: {  	s11 =	simm.s32 $0x13C80;
	s17 =	sadd.s32 s15, s7;
	[dreg:$0x12] =	wrdreg s14  }
0x1c: {  	s20 =	sadd.s32 $0x4D0, s9;
	s19 =	sadd.s32 s7, s16;
	[dreg:$0x8] =	wrdreg s17  }
0x1d: {  	s9 =	sadd.s32 $0x4E0, s9;
	s18 =	sadd.s32 s15, s6;
	[dreg:$0x13] =	wrdreg s19  }
0x1e: {  	s13 =	simm.s32 $0x13D00;
	s21 =	sadd.s32 s6, s20;
	[dreg:$0x9] =	wrdreg s18  }
0x1f: {  	s25 =	simm.s32 $0x0;
	s22 =	sadd.s32 s7, s20;
	[dreg:$0x14] =	wrdreg s21  }
0x20: {  	s23 =	sadd.s32 s6, s9;
	s9 =	sadd.s32 s7, s9;
	[dreg:$0x15] =	wrdreg s22  }
0x21: {  	s24 =	sadd.s32 $0x45E00, s3;
	s26 =	sadd.s32 $0x4000, s8;
	[dreg:$0x16] =	wrdreg s23  }
0x22: {  	s30 =	sadd.s32 $0xC000, s8;
	s0 =	simm.s32 $0x1C000;
	[dreg:$0x17] =	wrdreg s9  }
0x23: {  	s3 =	simm.s32 $0x14000;
	s10 =	simm.s32 $0x13E00;
	[dreg:$0x19] =	wrdreg s24  }
0x24: {  	s15 =	simm.s32 $0x13D80;
	s16 =	simm.s32 $0x13F80;
	[dreg:$0x1b] =	wrdreg s26  }
0x25: {  	s20 =	simm.s32 $0x18000;
	[dreg:$0x1d] =	wrdreg s30;
	s9 =	simm.s32 $0x13C00  }
0x26: {  	s12 =	simm.s32 $0x13E80;
	s14 =	simm.s32 $0x13F00;
	s17 =	simm.s32 $0x3  }
0x27: {  	s18 =	simm.s32 $0x80;
	s19 =	simm.s32 $0x4;
	s21 =	simm.s32 $0x5  }
0x28: {  	v0 =	vimm.f32 $0.0e+00;
	v1 =	vimm.f32 $1.000000000e+00;
	s22 =	simm.s32 $0x1;
	s23 =	simm.s32 $0x6;
	s24 =	simm.s32 $0x2  }
.LBB2_1:
0x29: {  	s26 =	rddreg [dreg:$0x1]  }
0x2a: {  	[tilespmem:s0], [sflag:$0x7] =	stream.linear.gather [hbm4b:s26+s4], $0x2780, $0x38;
	[tilespmem:$0x1E780] =	vst v63  }
0x2b: {  	_ =	swait.ge [sflag:s1], $0x2780  }
0x2c: {  	[sflag:s1] =	ssyncset.done $0x0  }
0x2d: {  	s28 =	simm.s32 $0x200;
	s26 =	simm.s32 $0x0;
	[sflag:s1] =	ssyncadd.s32 $0xFFFFD880  }
.LBB2_2:
0x2e: {  	p0 =	sne.s32 s28, $0xFE00;
	[tilespmem:s26+$0x14070] =	vst v0  }
0x2f: {  	[tilespmem:s26+$0x14000] =	vst v0  }
0x30: {  	[tilespmem:s26+$0x14010] =	vst v0  }
.Ltmp0:
0x31: {  	[tilespmem:s26+$0x14020] =	vst v0;
	(pc) =	sbr.rel @p0 .LBB2_2-.Ltmp0, $4  }
0x32: {  	[tilespmem:s26+$0x14030] =	vst v0  }
0x33: {  	[tilespmem:s26+$0x14040] =	vst v0  }
0x34: {  	[tilespmem:s26+$0x14050] =	vst v0  }
0x35: {  	[tilespmem:s26+$0x14060] =	vst v0;
	s26 =	sshra.s32 s28, $0x2;
	s28 =	sadd.s32 $0x200, s28  }
0x36: {  	[tilespmem:s26+$0x14070] =	vst v0  }
0x37: {  	[tilespmem:s26+$0x14000] =	vst v0  }
0x38: {  	[tilespmem:s26+$0x14010] =	vst v0  }
0x39: {  	[tilespmem:s26+$0x14020] =	vst v0  }
0x3a: {  	[tilespmem:s26+$0x14030] =	vst v0  }
0x3b: {  	[tilespmem:s26+$0x14040] =	vst v0  }
0x3c: {  	[tilespmem:s26+$0x14050] =	vst v0  }
0x3d: {  	[tilespmem:s26+$0x14060] =	vst v0  }
0x3e: {  	[spmem:s8] =	stream.linear.scatter [tilespmem:s3], [sflag:$0x7], $0x4000, $0x38;
	[tilespmem:$0x1E780] =	vst v63  }
0x3f: {  	_ =	swait.ge [sflag:s1], $0x4000  }
0x40: {  	[sflag:s1] =	ssyncset.done $0x0  }
0x41: {  	s30 =	rddreg [dreg:$0x1b];
	[sflag:s1] =	ssyncadd.s32 $0xFFFFC000  }
0x42: {  	[spmem:s30] =	stream.linear.scatter [tilespmem:s3], [sflag:$0x7], $0x4000, $0x38;
	[tilespmem:$0x1E780] =	vst v63  }
0x43: {  	_ =	swait.ge [sflag:s1], $0x4000  }
0x44: {  	[sflag:s1] =	ssyncset.done $0x0  }
0x45: {  	s31 =	rddreg [dreg:$0x1c];
	[sflag:s1] =	ssyncadd.s32 $0xFFFFC000  }
0x46: {  	[spmem:s31] =	stream.linear.scatter [tilespmem:s3], [sflag:$0x7], $0x4000, $0x38;
	[tilespmem:$0x1E780] =	vst v63  }
0x47: {  	_ =	swait.ge [sflag:s1], $0x4000  }
0x48: {  	[sflag:s1] =	ssyncset.done $0x0  }
0x49: {  	s30 =	rddreg [dreg:$0x1d];
	[sflag:s1] =	ssyncadd.s32 $0xFFFFC000  }
0x4a: {  	[spmem:s30] =	stream.linear.scatter [tilespmem:s3], [sflag:$0x7], $0x4000, $0x38;
	[tilespmem:$0x1E780] =	vst v63  }
0x4b: {  	_ =	swait.ge [sflag:s1], $0x4000  }
0x4c: {  	[sflag:s1] =	ssyncset.done $0x0  }
0x4d: {  	s31 =	rddreg [dreg:$0x1e];
	[sflag:s1] =	ssyncadd.s32 $0xFFFFC000  }
0x4e: {  	[spmem:s31] =	stream.linear.scatter [tilespmem:s3], [sflag:$0x7], $0x3C00, $0x38;
	[tilespmem:$0x1E780] =	vst v63  }
0x4f: {  	_ =	swait.ge [sflag:s1], $0x3C00  }
0x50: {  	[sflag:s1] =	ssyncset.done $0x0  }
0x51: {  	[sflag:s1] =	ssyncadd.s32 $0xFFFFC400  }
0x52: {  	[bflag:$0x0] =	sbarrier.arrive $0xFFFF  }
0x53: {  	s28 =	simm.s32 $0x0;
	s30 =	rddreg [dreg:$0xa]  }
0x54: {  	[tilespmem:s9], [sflag:$0x3] =	stream.linear.gather [hbm4b:s30+s28], $0x80, $0x38;
	[tilespmem:$0x1E780] =	vst v63  }
0x55: {  	s31 =	rddreg [dreg:$0xb]  }
0x56: {  	[tilespmem:s10], [sflag:$0x3] =	stream.linear.gather [hbm4b:s31+s28], $0x80, $0x38;
	[tilespmem:$0x1E780] =	vst v63  }
0x57: {  	s30 =	rddreg [dreg:$0xc]  }
0x58: {  	[tilespmem:s11], [sflag:$0x4] =	stream.linear.gather [hbm4b:s30+s28], $0x80, $0x38;
	[tilespmem:$0x1E780] =	vst v63  }
0x59: {  	s31 =	rddreg [dreg:$0xd]  }
0x5a: {  	[tilespmem:s12], [sflag:$0x4] =	stream.linear.gather [hbm4b:s31+s28], $0x80, $0x38;
	[tilespmem:$0x1E780] =	vst v63  }
0x5b: {  	s30 =	rddreg [dreg:$0xe]  }
0x5c: {  	[tilespmem:s13], [sflag:$0x5] =	stream.linear.gather [hbm4b:s30+s28], $0x80, $0x38;
	[tilespmem:$0x1E780] =	vst v63  }
0x5d: {  	s31 =	rddreg [dreg:$0xf]  }
0x5e: {  	[tilespmem:s14], [sflag:$0x5] =	stream.linear.gather [hbm4b:s31+s28], $0x80, $0x38;
	[tilespmem:$0x1E780] =	vst v63  }
0x5f: {  	s30 =	rddreg [dreg:$0x10]  }
0x60: {  	[tilespmem:s15], [sflag:$0x6] =	stream.linear.gather [hbm4b:s30+s28], $0x80, $0x38;
	[tilespmem:$0x1E780] =	vst v63  }
0x61: {  	s31 =	rddreg [dreg:$0x11]  }
0x62: {  	[tilespmem:s16], [sflag:$0x6] =	stream.linear.gather [hbm4b:s31+s28], $0x80, $0x38;
	[tilespmem:$0x1E780] =	vst v63  }
0x63: {  	_ =	swait.ge [sflag:s17], $0x80  }
0x64: {  	[sflag:s17] =	ssyncset.done $0x0  }
0x65: {  	[sflag:s17] =	ssyncadd.s32 $0xFFFFFF80  }
0x66: {  	_ =	swait.ge [sflag:s17], $0x80  }
0x67: {  	[sflag:s17] =	ssyncset.done $0x0  }
0x68: {  	[sflag:s17] =	ssyncadd.s32 $0xFFFFFF80  }
0x69: {  	[tilespmem:s3], [sflag:$0x1] =	stream.indirect.gather [hbm4b:s5+s18], $0x80, s9, s18, $0xb8;
	[tilespmem:$0x1E780] =	vst v63  }
0x6a: {  	_ =	swait.ge [sflag:s19], $0x80  }
0x6b: {  	[sflag:s19] =	ssyncset.done $0x0  }
0x6c: {  	[sflag:s19] =	ssyncadd.s32 $0xFFFFFF80  }
0x6d: {  	_ =	swait.ge [sflag:s19], $0x80  }
0x6e: {  	[sflag:s19] =	ssyncset.done $0x0  }
0x6f: {  	s26 =	smov.u32 s29;
	[sflag:s19] =	ssyncadd.s32 $0xFFFFFF80  }
0x70: {  	[tilespmem:s20], [sflag:$0x2] =	stream.indirect.gather [hbm4b:s5+s18], $0x80, s11, s18, $0xb8;
	[tilespmem:$0x1E780] =	vst v63  }
.LBB2_4:
0x71: {  	_ =	swait.ge [sflag:s21], $0x80  }
0x72: {  	[sflag:s21] =	ssyncset.done $0x0  }
0x73: {  	[sflag:s21] =	ssyncadd.s32 $0xFFFFFF80  }
0x74: {  	_ =	swait.ge [sflag:s21], $0x80  }
0x75: {  	[sflag:s21] =	ssyncset.done $0x0  }
0x76: {  	[sflag:s21] =	ssyncadd.s32 $0xFFFFFF80  }
0x77: {  	_ =	swait.ge [sflag:s22], $0x4000  }
0x78: {  	[sflag:s22] =	ssyncset.done $0x0  }
0x79: {  	[sflag:s22] =	ssyncadd.s32 $0xFFFFC000  }
0x7a: {  	[spmem:s2] =	stream.indirect.scatter.add.f32 [tilespmem:s3], [sflag:$0x7], $0x80, s10, s18, $0xb8;
	[tilespmem:$0x1E780] =	vst v63  }
0x7b: {  	_ =	swait.ge [sflag:s1], $0x4000  }
0x7c: {  	[sflag:s1] =	ssyncset.done $0x0  }
0x7d: {  	[sflag:s1] =	ssyncadd.s32 $0xFFFFC000  }
0x7e: {  	v2 =	vld [tilespmem:$0x13E00];
	_ =	sdelay $0x7  }
0x7f: {  	[tilespmem:v2+s0+$0x0] =	vst.idx.add.f32.msk $0xffff, v1  }
0x80: {  	v2 =	vld [tilespmem:$0x13E10];
	_ =	sdelay $0x7  }
0x81: {  	[tilespmem:v2+s0+$0x0] =	vst.idx.add.f32.msk $0xffff, v1  }
0x82: {  	v2 =	vld [tilespmem:$0x13E20];
	_ =	sdelay $0x7  }
0x83: {  	[tilespmem:v2+s0+$0x0] =	vst.idx.add.f32.msk $0xffff, v1  }
0x84: {  	v2 =	vld [tilespmem:$0x13E30];
	_ =	sdelay $0x7  }
0x85: {  	[tilespmem:v2+s0+$0x0] =	vst.idx.add.f32.msk $0xffff, v1  }
0x86: {  	v2 =	vld [tilespmem:$0x13E40];
	_ =	sdelay $0x7  }
0x87: {  	[tilespmem:v2+s0+$0x0] =	vst.idx.add.f32.msk $0xffff, v1  }
0x88: {  	v2 =	vld [tilespmem:$0x13E50];
	_ =	sdelay $0x7  }
0x89: {  	[tilespmem:v2+s0+$0x0] =	vst.idx.add.f32.msk $0xffff, v1  }
0x8a: {  	v2 =	vld [tilespmem:$0x13E60];
	_ =	sdelay $0x7  }
0x8b: {  	[tilespmem:v2+s0+$0x0] =	vst.idx.add.f32.msk $0xffff, v1  }
0x8c: {  	v2 =	vld [tilespmem:$0x13E70];
	_ =	sdelay $0x6  }
0x8d: {  	s30 =	sshrl.u32 s26, $0x3  }
0x8e: {  	s31 =	sadd.s32 s6, s30;
	[tilespmem:v2+s0+$0x0] =	vst.idx.add.f32.msk $0xffff, v1  }
0x8f: {  	[tilespmem:s9], [sflag:$0x3] =	stream.linear.gather [hbm4b:s31+s4], $0x80, $0x38;
	[tilespmem:$0x1E780] =	vst v63  }
0x90: {  	s30 =	sadd.s32 s7, s30  }
0x91: {  	[tilespmem:s10], [sflag:$0x3] =	stream.linear.gather [hbm4b:s30+s4], $0x80, $0x38;
	[tilespmem:$0x1E780] =	vst v63  }
0x92: {  	_ = 	snop  }
0x93: {  	[tilespmem:s3], [sflag:$0x1] =	stream.indirect.gather [hbm4b:s5+s18], $0x80, s13, s18, $0xb8;
	[tilespmem:$0x1E780] =	vst v63  }
0x94: {  	_ =	swait.ge [sflag:s23], $0x80  }
0x95: {  	[sflag:s23] =	ssyncset.done $0x0  }
0x96: {  	[sflag:s23] =	ssyncadd.s32 $0xFFFFFF80  }
0x97: {  	_ =	swait.ge [sflag:s23], $0x80  }
0x98: {  	[sflag:s23] =	ssyncset.done $0x0  }
0x99: {  	[sflag:s23] =	ssyncadd.s32 $0xFFFFFF80  }
0x9a: {  	_ =	swait.ge [sflag:s24], $0x4000  }
0x9b: {  	[sflag:s24] =	ssyncset.done $0x0  }
0x9c: {  	[sflag:s24] =	ssyncadd.s32 $0xFFFFC000  }
0x9d: {  	[spmem:s2] =	stream.indirect.scatter.add.f32 [tilespmem:s20], [sflag:$0x7], $0x80, s12, s18, $0xb8;
	[tilespmem:$0x1E780] =	vst v63  }
0x9e: {  	_ =	swait.ge [sflag:s1], $0x4000  }
0x9f: {  	[sflag:s1] =	ssyncset.done $0x0  }
0xa0: {  	[sflag:s1] =	ssyncadd.s32 $0xFFFFC000  }
0xa1: {  	v2 =	vld [tilespmem:$0x13E80];
	_ =	sdelay $0x7  }
0xa2: {  	[tilespmem:v2+s0+$0x0] =	vst.idx.add.f32.msk $0xffff, v1  }
0xa3: {  	v2 =	vld [tilespmem:$0x13E90];
	_ =	sdelay $0x7  }
0xa4: {  	[tilespmem:v2+s0+$0x0] =	vst.idx.add.f32.msk $0xffff, v1  }
0xa5: {  	v2 =	vld [tilespmem:$0x13EA0];
	_ =	sdelay $0x7  }
0xa6: {  	[tilespmem:v2+s0+$0x0] =	vst.idx.add.f32.msk $0xffff, v1  }
0xa7: {  	v2 =	vld [tilespmem:$0x13EB0];
	_ =	sdelay $0x7  }
0xa8: {  	[tilespmem:v2+s0+$0x0] =	vst.idx.add.f32.msk $0xffff, v1  }
0xa9: {  	v2 =	vld [tilespmem:$0x13EC0];
	_ =	sdelay $0x7  }
0xaa: {  	[tilespmem:v2+s0+$0x0] =	vst.idx.add.f32.msk $0xffff, v1  }
0xab: {  	v2 =	vld [tilespmem:$0x13ED0];
	_ =	sdelay $0x7  }
0xac: {  	[tilespmem:v2+s0+$0x0] =	vst.idx.add.f32.msk $0xffff, v1  }
0xad: {  	v2 =	vld [tilespmem:$0x13EE0];
	_ =	sdelay $0x7  }
0xae: {  	[tilespmem:v2+s0+$0x0] =	vst.idx.add.f32.msk $0xffff, v1  }
0xaf: {  	v2 =	vld [tilespmem:$0x13EF0];
	_ =	sdelay $0x6  }
0xb0: {  	s30 =	rddreg [dreg:$0x9]  }
0xb1: {  	s31 =	rddreg [dreg:$0x8];
	s30 =	sadd.s32 s28, s30;
	[tilespmem:v2+s0+$0x0] =	vst.idx.add.f32.msk $0xffff, v1  }
0xb2: {  	[tilespmem:s11], [sflag:$0x4] =	stream.linear.gather [hbm4b:s30+s4], $0x80, $0x38;
	[tilespmem:$0x1E780] =	vst v63  }
0xb3: {  	s31 =	sadd.s32 s28, s31  }
0xb4: {  	[tilespmem:s12], [sflag:$0x4] =	stream.linear.gather [hbm4b:s31+s4], $0x80, $0x38;
	[tilespmem:$0x1E780] =	vst v63  }
0xb5: {  	_ = 	snop  }
0xb6: {  	[tilespmem:s20], [sflag:$0x2] =	stream.indirect.gather [hbm4b:s5+s18], $0x80, s15, s18, $0xb8;
	[tilespmem:$0x1E780] =	vst v63  }
0xb7: {  	_ =	swait.ge [sflag:s17], $0x80  }
0xb8: {  	[sflag:s17] =	ssyncset.done $0x0  }
0xb9: {  	[sflag:s17] =	ssyncadd.s32 $0xFFFFFF80  }
0xba: {  	_ =	swait.ge [sflag:s17], $0x80  }
0xbb: {  	[sflag:s17] =	ssyncset.done $0x0  }
0xbc: {  	[sflag:s17] =	ssyncadd.s32 $0xFFFFFF80  }
0xbd: {  	_ =	swait.ge [sflag:s22], $0x4000  }
0xbe: {  	[sflag:s22] =	ssyncset.done $0x0  }
0xbf: {  	[sflag:s22] =	ssyncadd.s32 $0xFFFFC000  }
0xc0: {  	[spmem:s2] =	stream.indirect.scatter.add.f32 [tilespmem:s3], [sflag:$0x7], $0x80, s14, s18, $0xb8;
	[tilespmem:$0x1E780] =	vst v63  }
0xc1: {  	_ =	swait.ge [sflag:s1], $0x4000  }
0xc2: {  	[sflag:s1] =	ssyncset.done $0x0  }
0xc3: {  	[sflag:s1] =	ssyncadd.s32 $0xFFFFC000  }
0xc4: {  	v2 =	vld [tilespmem:$0x13F00];
	_ =	sdelay $0x7  }
0xc5: {  	[tilespmem:v2+s0+$0x0] =	vst.idx.add.f32.msk $0xffff, v1  }
0xc6: {  	v2 =	vld [tilespmem:$0x13F10];
	_ =	sdelay $0x7  }
0xc7: {  	[tilespmem:v2+s0+$0x0] =	vst.idx.add.f32.msk $0xffff, v1  }
0xc8: {  	v2 =	vld [tilespmem:$0x13F20];
	_ =	sdelay $0x7  }
0xc9: {  	[tilespmem:v2+s0+$0x0] =	vst.idx.add.f32.msk $0xffff, v1  }
0xca: {  	v2 =	vld [tilespmem:$0x13F30];
	_ =	sdelay $0x7  }
0xcb: {  	[tilespmem:v2+s0+$0x0] =	vst.idx.add.f32.msk $0xffff, v1  }
0xcc: {  	v2 =	vld [tilespmem:$0x13F40];
	_ =	sdelay $0x7  }
0xcd: {  	[tilespmem:v2+s0+$0x0] =	vst.idx.add.f32.msk $0xffff, v1  }
0xce: {  	v2 =	vld [tilespmem:$0x13F50];
	_ =	sdelay $0x7  }
0xcf: {  	[tilespmem:v2+s0+$0x0] =	vst.idx.add.f32.msk $0xffff, v1  }
0xd0: {  	v2 =	vld [tilespmem:$0x13F60];
	_ =	sdelay $0x7  }
0xd1: {  	[tilespmem:v2+s0+$0x0] =	vst.idx.add.f32.msk $0xffff, v1  }
0xd2: {  	v2 =	vld [tilespmem:$0x13F70];
	_ =	sdelay $0x6  }
0xd3: {  	s30 =	rddreg [dreg:$0x7]  }
0xd4: {  	s31 =	rddreg [dreg:$0x6];
	s30 =	sadd.s32 s28, s30;
	[tilespmem:v2+s0+$0x0] =	vst.idx.add.f32.msk $0xffff, v1  }
0xd5: {  	[tilespmem:s13], [sflag:$0x5] =	stream.linear.gather [hbm4b:s30+s4], $0x80, $0x38;
	[tilespmem:$0x1E780] =	vst v63  }
0xd6: {  	s31 =	sadd.s32 s28, s31  }
0xd7: {  	[tilespmem:s14], [sflag:$0x5] =	stream.linear.gather [hbm4b:s31+s4], $0x80, $0x38;
	[tilespmem:$0x1E780] =	vst v63  }
0xd8: {  	_ = 	snop  }
0xd9: {  	[tilespmem:s3], [sflag:$0x1] =	stream.indirect.gather [hbm4b:s5+s18], $0x80, s9, s18, $0xb8;
	[tilespmem:$0x1E780] =	vst v63  }
0xda: {  	_ =	swait.ge [sflag:s19], $0x80  }
0xdb: {  	[sflag:s19] =	ssyncset.done $0x0  }
0xdc: {  	[sflag:s19] =	ssyncadd.s32 $0xFFFFFF80  }
0xdd: {  	_ =	swait.ge [sflag:s19], $0x80  }
0xde: {  	[sflag:s19] =	ssyncset.done $0x0  }
0xdf: {  	[sflag:s19] =	ssyncadd.s32 $0xFFFFFF80  }
0xe0: {  	_ =	swait.ge [sflag:s24], $0x4000  }
0xe1: {  	[sflag:s24] =	ssyncset.done $0x0  }
0xe2: {  	[sflag:s24] =	ssyncadd.s32 $0xFFFFC000  }
0xe3: {  	[spmem:s2] =	stream.indirect.scatter.add.f32 [tilespmem:s20], [sflag:$0x7], $0x80, s16, s18, $0xb8;
	[tilespmem:$0x1E780] =	vst v63  }
0xe4: {  	_ =	swait.ge [sflag:s1], $0x4000  }
0xe5: {  	[sflag:s1] =	ssyncset.done $0x0  }
0xe6: {  	[sflag:s1] =	ssyncadd.s32 $0xFFFFC000  }
0xe7: {  	v2 =	vld [tilespmem:$0x13F80];
	_ =	sdelay $0x7  }
0xe8: {  	[tilespmem:v2+s0+$0x0] =	vst.idx.add.f32.msk $0xffff, v1  }
0xe9: {  	v2 =	vld [tilespmem:$0x13F90];
	_ =	sdelay $0x7  }
0xea: {  	[tilespmem:v2+s0+$0x0] =	vst.idx.add.f32.msk $0xffff, v1  }
0xeb: {  	v2 =	vld [tilespmem:$0x13FA0];
	_ =	sdelay $0x7  }
0xec: {  	[tilespmem:v2+s0+$0x0] =	vst.idx.add.f32.msk $0xffff, v1  }
0xed: {  	v2 =	vld [tilespmem:$0x13FB0];
	_ =	sdelay $0x7  }
0xee: {  	[tilespmem:v2+s0+$0x0] =	vst.idx.add.f32.msk $0xffff, v1  }
0xef: {  	v2 =	vld [tilespmem:$0x13FC0];
	_ =	sdelay $0x7  }
0xf0: {  	[tilespmem:v2+s0+$0x0] =	vst.idx.add.f32.msk $0xffff, v1  }
0xf1: {  	v2 =	vld [tilespmem:$0x13FD0];
	_ =	sdelay $0x7  }
0xf2: {  	[tilespmem:v2+s0+$0x0] =	vst.idx.add.f32.msk $0xffff, v1  }
0xf3: {  	v2 =	vld [tilespmem:$0x13FE0];
	_ =	sdelay $0x7  }
0xf4: {  	[tilespmem:v2+s0+$0x0] =	vst.idx.add.f32.msk $0xffff, v1  }
0xf5: {  	v2 =	vld [tilespmem:$0x13FF0];
	_ =	sdelay $0x6  }
0xf6: {  	s30 =	rddreg [dreg:$0x5]  }
0xf7: {  	p0 =	sne.s32 s28, $0x440;
	s30 =	sadd.s32 s28, s30;
	[tilespmem:v2+s0+$0x0] =	vst.idx.add.f32.msk $0xffff, v1  }
0xf8: {  	[tilespmem:s15], [sflag:$0x6] =	stream.linear.gather [hbm4b:s30+s4], $0x80, $0x38;
	[tilespmem:$0x1E780] =	vst v63  }
.Ltmp1:
0xf9: {  	s31 =	rddreg [dreg:$0x4];
	(pc) =	sbr.rel @p0 .LBB2_4-.Ltmp1, $4  }
0xfa: {  	s31 =	sadd.s32 s28, s31  }
0xfb: {  	[tilespmem:s16], [sflag:$0x6] =	stream.linear.gather [hbm4b:s31+s4], $0x80, $0x38;
	[tilespmem:$0x1E780] =	vst v63  }
0xfc: {  	s26 =	sadd.s32 $0x200, s26;
	s28 =	sadd.s32 $0x40, s28  }
0xfd: {  	[tilespmem:s20], [sflag:$0x2] =	stream.indirect.gather [hbm4b:s5+s18], $0x80, s11, s18, $0xb8;
	[tilespmem:$0x1E780] =	vst v63  }
0xfe: {  	_ =	swait.ge [sflag:s21], $0x80  }
0xff: {  	[sflag:s21] =	ssyncset.done $0x0  }
0x100: {  	[sflag:s21] =	ssyncadd.s32 $0xFFFFFF80  }
0x101: {  	_ =	swait.ge [sflag:s21], $0x80  }
0x102: {  	[sflag:s21] =	ssyncset.done $0x0  }
0x103: {  	[sflag:s21] =	ssyncadd.s32 $0xFFFFFF80  }
0x104: {  	_ =	swait.ge [sflag:s22], $0x4000  }
0x105: {  	[sflag:s22] =	ssyncset.done $0x0  }
0x106: {  	[sflag:s22] =	ssyncadd.s32 $0xFFFFC000  }
0x107: {  	[spmem:s2] =	stream.indirect.scatter.add.f32 [tilespmem:s3], [sflag:$0x7], $0x80, s10, s18, $0xb8;
	[tilespmem:$0x1E780] =	vst v63  }
0x108: {  	_ =	swait.ge [sflag:s1], $0x4000  }
0x109: {  	[sflag:s1] =	ssyncset.done $0x0  }
0x10a: {  	[sflag:s1] =	ssyncadd.s32 $0xFFFFC000  }
0x10b: {  	v2 =	vld [tilespmem:$0x13E00];
	_ =	sdelay $0x7  }
0x10c: {  	[tilespmem:v2+s0+$0x0] =	vst.idx.add.f32.msk $0xffff, v1  }
0x10d: {  	v2 =	vld [tilespmem:$0x13E10];
	_ =	sdelay $0x7  }
0x10e: {  	[tilespmem:v2+s0+$0x0] =	vst.idx.add.f32.msk $0xffff, v1  }
0x10f: {  	v2 =	vld [tilespmem:$0x13E20];
	_ =	sdelay $0x7  }
0x110: {  	[tilespmem:v2+s0+$0x0] =	vst.idx.add.f32.msk $0xffff, v1  }
0x111: {  	v2 =	vld [tilespmem:$0x13E30];
	_ =	sdelay $0x7  }
0x112: {  	[tilespmem:v2+s0+$0x0] =	vst.idx.add.f32.msk $0xffff, v1  }
0x113: {  	v2 =	vld [tilespmem:$0x13E40];
	_ =	sdelay $0x7  }
0x114: {  	[tilespmem:v2+s0+$0x0] =	vst.idx.add.f32.msk $0xffff, v1  }
0x115: {  	v2 =	vld [tilespmem:$0x13E50];
	_ =	sdelay $0x7  }
0x116: {  	[tilespmem:v2+s0+$0x0] =	vst.idx.add.f32.msk $0xffff, v1  }
0x117: {  	v2 =	vld [tilespmem:$0x13E60];
	_ =	sdelay $0x7  }
0x118: {  	[tilespmem:v2+s0+$0x0] =	vst.idx.add.f32.msk $0xffff, v1  }
0x119: {  	v2 =	vld [tilespmem:$0x13E70];
	_ =	sdelay $0x7  }
0x11a: {  	s26 =	rddreg [dreg:$0x12];
	[tilespmem:v2+s0+$0x0] =	vst.idx.add.f32.msk $0xffff, v1  }
0x11b: {  	[tilespmem:s9], [sflag:$0x3] =	stream.linear.gather [hbm4b:s26+s4], $0x80, $0x38;
	[tilespmem:$0x1E780] =	vst v63  }
0x11c: {  	s30 =	rddreg [dreg:$0x13]  }
0x11d: {  	[tilespmem:s10], [sflag:$0x3] =	stream.linear.gather [hbm4b:s30+s4], $0x80, $0x38;
	[tilespmem:$0x1E780] =	vst v63  }
0x11e: {  	_ = 	snop  }
0x11f: {  	[tilespmem:s3], [sflag:$0x1] =	stream.indirect.gather [hbm4b:s5+s18], $0x80, s13, s18, $0xb8;
	[tilespmem:$0x1E780] =	vst v63  }
0x120: {  	_ =	swait.ge [sflag:s23], $0x80  }
0x121: {  	[sflag:s23] =	ssyncset.done $0x0  }
0x122: {  	[sflag:s23] =	ssyncadd.s32 $0xFFFFFF80  }
0x123: {  	_ =	swait.ge [sflag:s23], $0x80  }
0x124: {  	[sflag:s23] =	ssyncset.done $0x0  }
0x125: {  	[sflag:s23] =	ssyncadd.s32 $0xFFFFFF80  }
0x126: {  	_ =	swait.ge [sflag:s24], $0x4000  }
0x127: {  	[sflag:s24] =	ssyncset.done $0x0  }
0x128: {  	[sflag:s24] =	ssyncadd.s32 $0xFFFFC000  }
0x129: {  	[spmem:s2] =	stream.indirect.scatter.add.f32 [tilespmem:s20], [sflag:$0x7], $0x80, s12, s18, $0xb8;
	[tilespmem:$0x1E780] =	vst v63  }
0x12a: {  	_ =	swait.ge [sflag:s1], $0x4000  }
0x12b: {  	[sflag:s1] =	ssyncset.done $0x0  }
0x12c: {  	[sflag:s1] =	ssyncadd.s32 $0xFFFFC000  }
0x12d: {  	v2 =	vld [tilespmem:$0x13E80];
	_ =	sdelay $0x7  }
0x12e: {  	[tilespmem:v2+s0+$0x0] =	vst.idx.add.f32.msk $0xffff, v1  }
0x12f: {  	v2 =	vld [tilespmem:$0x13E90];
	_ =	sdelay $0x7  }
0x130: {  	[tilespmem:v2+s0+$0x0] =	vst.idx.add.f32.msk $0xffff, v1  }
0x131: {  	v2 =	vld [tilespmem:$0x13EA0];
	_ =	sdelay $0x7  }
0x132: {  	[tilespmem:v2+s0+$0x0] =	vst.idx.add.f32.msk $0xffff, v1  }
0x133: {  	v2 =	vld [tilespmem:$0x13EB0];
	_ =	sdelay $0x7  }
0x134: {  	[tilespmem:v2+s0+$0x0] =	vst.idx.add.f32.msk $0xffff, v1  }
0x135: {  	v2 =	vld [tilespmem:$0x13EC0];
	_ =	sdelay $0x7  }
0x136: {  	[tilespmem:v2+s0+$0x0] =	vst.idx.add.f32.msk $0xffff, v1  }
0x137: {  	v2 =	vld [tilespmem:$0x13ED0];
	_ =	sdelay $0x7  }
0x138: {  	[tilespmem:v2+s0+$0x0] =	vst.idx.add.f32.msk $0xffff, v1  }
0x139: {  	v2 =	vld [tilespmem:$0x13EE0];
	_ =	sdelay $0x7  }
0x13a: {  	[tilespmem:v2+s0+$0x0] =	vst.idx.add.f32.msk $0xffff, v1  }
0x13b: {  	v2 =	vld [tilespmem:$0x13EF0];
	_ =	sdelay $0x7  }
0x13c: {  	s31 =	rddreg [dreg:$0x14];
	[tilespmem:v2+s0+$0x0] =	vst.idx.add.f32.msk $0xffff, v1  }
0x13d: {  	[tilespmem:s11], [sflag:$0x4] =	stream.linear.gather [hbm4b:s31+s4], $0x80, $0x38;
	[tilespmem:$0x1E780] =	vst v63  }
0x13e: {  	s28 =	rddreg [dreg:$0x15]  }
0x13f: {  	[tilespmem:s12], [sflag:$0x4] =	stream.linear.gather [hbm4b:s28+s4], $0x80, $0x38;
	[tilespmem:$0x1E780] =	vst v63  }
0x140: {  	_ = 	snop  }
0x141: {  	[tilespmem:s20], [sflag:$0x2] =	stream.indirect.gather [hbm4b:s5+s18], $0x80, s15, s18, $0xb8;
	[tilespmem:$0x1E780] =	vst v63  }
0x142: {  	_ =	swait.ge [sflag:s17], $0x80  }
0x143: {  	[sflag:s17] =	ssyncset.done $0x0  }
0x144: {  	[sflag:s17] =	ssyncadd.s32 $0xFFFFFF80  }
0x145: {  	_ =	swait.ge [sflag:s17], $0x80  }
0x146: {  	[sflag:s17] =	ssyncset.done $0x0  }
0x147: {  	[sflag:s17] =	ssyncadd.s32 $0xFFFFFF80  }
0x148: {  	_ =	swait.ge [sflag:s22], $0x4000  }
0x149: {  	[sflag:s22] =	ssyncset.done $0x0  }
0x14a: {  	[sflag:s22] =	ssyncadd.s32 $0xFFFFC000  }
0x14b: {  	[spmem:s2] =	stream.indirect.scatter.add.f32 [tilespmem:s3], [sflag:$0x7], $0x80, s14, s18, $0xb8;
	[tilespmem:$0x1E780] =	vst v63  }
0x14c: {  	_ =	swait.ge [sflag:s1], $0x4000  }
0x14d: {  	[sflag:s1] =	ssyncset.done $0x0  }
0x14e: {  	[sflag:s1] =	ssyncadd.s32 $0xFFFFC000  }
0x14f: {  	v2 =	vld [tilespmem:$0x13F00];
	_ =	sdelay $0x7  }
0x150: {  	[tilespmem:v2+s0+$0x0] =	vst.idx.add.f32.msk $0xffff, v1  }
0x151: {  	v2 =	vld [tilespmem:$0x13F10];
	_ =	sdelay $0x7  }
0x152: {  	[tilespmem:v2+s0+$0x0] =	vst.idx.add.f32.msk $0xffff, v1  }
0x153: {  	v2 =	vld [tilespmem:$0x13F20];
	_ =	sdelay $0x7  }
0x154: {  	[tilespmem:v2+s0+$0x0] =	vst.idx.add.f32.msk $0xffff, v1  }
0x155: {  	v2 =	vld [tilespmem:$0x13F30];
	_ =	sdelay $0x7  }
0x156: {  	[tilespmem:v2+s0+$0x0] =	vst.idx.add.f32.msk $0xffff, v1  }
0x157: {  	v2 =	vld [tilespmem:$0x13F40];
	_ =	sdelay $0x7  }
0x158: {  	[tilespmem:v2+s0+$0x0] =	vst.idx.add.f32.msk $0xffff, v1  }
0x159: {  	v2 =	vld [tilespmem:$0x13F50];
	_ =	sdelay $0x7  }
0x15a: {  	[tilespmem:v2+s0+$0x0] =	vst.idx.add.f32.msk $0xffff, v1  }
0x15b: {  	v2 =	vld [tilespmem:$0x13F60];
	_ =	sdelay $0x7  }
0x15c: {  	[tilespmem:v2+s0+$0x0] =	vst.idx.add.f32.msk $0xffff, v1  }
0x15d: {  	v2 =	vld [tilespmem:$0x13F70];
	_ =	sdelay $0x7  }
0x15e: {  	s30 =	rddreg [dreg:$0x16];
	[tilespmem:v2+s0+$0x0] =	vst.idx.add.f32.msk $0xffff, v1  }
0x15f: {  	[tilespmem:s13], [sflag:$0x5] =	stream.linear.gather [hbm4b:s30+s4], $0x80, $0x38;
	[tilespmem:$0x1E780] =	vst v63  }
0x160: {  	s31 =	rddreg [dreg:$0x17]  }
0x161: {  	[tilespmem:s14], [sflag:$0x5] =	stream.linear.gather [hbm4b:s31+s4], $0x80, $0x38;
	[tilespmem:$0x1E780] =	vst v63  }
0x162: {  	_ = 	snop  }
0x163: {  	[tilespmem:s3], [sflag:$0x1] =	stream.indirect.gather [hbm4b:s5+s18], $0x80, s9, s18, $0xb8;
	[tilespmem:$0x1E780] =	vst v63  }
0x164: {  	_ =	swait.ge [sflag:s19], $0x80  }
0x165: {  	[sflag:s19] =	ssyncset.done $0x0  }
0x166: {  	[sflag:s19] =	ssyncadd.s32 $0xFFFFFF80  }
0x167: {  	_ =	swait.ge [sflag:s19], $0x80  }
0x168: {  	[sflag:s19] =	ssyncset.done $0x0  }
0x169: {  	[sflag:s19] =	ssyncadd.s32 $0xFFFFFF80  }
0x16a: {  	_ =	swait.ge [sflag:s24], $0x4000  }
0x16b: {  	[sflag:s24] =	ssyncset.done $0x0  }
0x16c: {  	[sflag:s24] =	ssyncadd.s32 $0xFFFFC000  }
0x16d: {  	[spmem:s2] =	stream.indirect.scatter.add.f32 [tilespmem:s20], [sflag:$0x7], $0x80, s16, s18, $0xb8;
	[tilespmem:$0x1E780] =	vst v63  }
0x16e: {  	_ =	swait.ge [sflag:s1], $0x4000  }
0x16f: {  	[sflag:s1] =	ssyncset.done $0x0  }
0x170: {  	[sflag:s1] =	ssyncadd.s32 $0xFFFFC000  }
0x171: {  	v2 =	vld [tilespmem:$0x13F80];
	_ =	sdelay $0x7  }
0x172: {  	[tilespmem:v2+s0+$0x0] =	vst.idx.add.f32.msk $0xffff, v1  }
0x173: {  	v2 =	vld [tilespmem:$0x13F90];
	_ =	sdelay $0x7  }
0x174: {  	[tilespmem:v2+s0+$0x0] =	vst.idx.add.f32.msk $0xffff, v1  }
0x175: {  	v2 =	vld [tilespmem:$0x13FA0];
	_ =	sdelay $0x7  }
0x176: {  	[tilespmem:v2+s0+$0x0] =	vst.idx.add.f32.msk $0xffff, v1  }
0x177: {  	v2 =	vld [tilespmem:$0x13FB0];
	_ =	sdelay $0x7  }
0x178: {  	[tilespmem:v2+s0+$0x0] =	vst.idx.add.f32.msk $0xffff, v1  }
0x179: {  	v2 =	vld [tilespmem:$0x13FC0];
	_ =	sdelay $0x7  }
0x17a: {  	[tilespmem:v2+s0+$0x0] =	vst.idx.add.f32.msk $0xffff, v1  }
0x17b: {  	v2 =	vld [tilespmem:$0x13FD0];
	_ =	sdelay $0x7  }
0x17c: {  	[tilespmem:v2+s0+$0x0] =	vst.idx.add.f32.msk $0xffff, v1  }
0x17d: {  	v2 =	vld [tilespmem:$0x13FE0];
	_ =	sdelay $0x7  }
0x17e: {  	[tilespmem:v2+s0+$0x0] =	vst.idx.add.f32.msk $0xffff, v1  }
0x17f: {  	v2 =	vld [tilespmem:$0x13FF0];
	_ =	sdelay $0x7  }
0x180: {  	[tilespmem:v2+s0+$0x0] =	vst.idx.add.f32.msk $0xffff, v1  }
0x181: {  	[tilespmem:s20], [sflag:$0x2] =	stream.indirect.gather [hbm4b:s5+s18], $0x80, s11, s18, $0xb8;
	[tilespmem:$0x1E780] =	vst v63  }
0x182: {  	_ =	swait.ge [sflag:s21], $0x80  }
0x183: {  	[sflag:s21] =	ssyncset.done $0x0  }
0x184: {  	[sflag:s21] =	ssyncadd.s32 $0xFFFFFF80  }
0x185: {  	_ =	swait.ge [sflag:s21], $0x80  }
0x186: {  	[sflag:s21] =	ssyncset.done $0x0  }
0x187: {  	[sflag:s21] =	ssyncadd.s32 $0xFFFFFF80  }
0x188: {  	_ =	swait.ge [sflag:s22], $0x4000  }
0x189: {  	[sflag:s22] =	ssyncset.done $0x0  }
0x18a: {  	[sflag:s22] =	ssyncadd.s32 $0xFFFFC000  }
0x18b: {  	[spmem:s2] =	stream.indirect.scatter.add.f32 [tilespmem:s3], [sflag:$0x7], $0x80, s10, s18, $0xb8;
	[tilespmem:$0x1E780] =	vst v63  }
0x18c: {  	_ =	swait.ge [sflag:s1], $0x4000  }
0x18d: {  	[sflag:s1] =	ssyncset.done $0x0  }
0x18e: {  	[sflag:s1] =	ssyncadd.s32 $0xFFFFC000  }
0x18f: {  	v2 =	vld [tilespmem:$0x13E00];
	_ =	sdelay $0x7  }
0x190: {  	[tilespmem:v2+s0+$0x0] =	vst.idx.add.f32.msk $0xffff, v1  }
0x191: {  	v2 =	vld [tilespmem:$0x13E10];
	_ =	sdelay $0x7  }
0x192: {  	[tilespmem:v2+s0+$0x0] =	vst.idx.add.f32.msk $0xffff, v1  }
0x193: {  	v2 =	vld [tilespmem:$0x13E20];
	_ =	sdelay $0x7  }
0x194: {  	[tilespmem:v2+s0+$0x0] =	vst.idx.add.f32.msk $0xffff, v1  }
0x195: {  	v2 =	vld [tilespmem:$0x13E30];
	_ =	sdelay $0x7  }
0x196: {  	[tilespmem:v2+s0+$0x0] =	vst.idx.add.f32.msk $0xffff, v1  }
0x197: {  	v2 =	vld [tilespmem:$0x13E40];
	_ =	sdelay $0x7  }
0x198: {  	[tilespmem:v2+s0+$0x0] =	vst.idx.add.f32.msk $0xffff, v1  }
0x199: {  	v2 =	vld [tilespmem:$0x13E50];
	_ =	sdelay $0x7  }
0x19a: {  	[tilespmem:v2+s0+$0x0] =	vst.idx.add.f32.msk $0xffff, v1  }
0x19b: {  	v2 =	vld [tilespmem:$0x13E60];
	_ =	sdelay $0x7  }
0x19c: {  	[tilespmem:v2+s0+$0x0] =	vst.idx.add.f32.msk $0xffff, v1  }
0x19d: {  	v2 =	vld [tilespmem:$0x13E70];
	_ =	sdelay $0x7  }
0x19e: {  	[tilespmem:v2+s0+$0x0] =	vst.idx.add.f32.msk $0xffff, v1  }
0x19f: {  	[tilespmem:s3], [sflag:$0x1] =	stream.indirect.gather [hbm4b:s5+s18], $0x80, s13, s18, $0xb8;
	[tilespmem:$0x1E780] =	vst v63  }
0x1a0: {  	_ =	swait.ge [sflag:s24], $0x4000  }
0x1a1: {  	[sflag:s24] =	ssyncset.done $0x0  }
0x1a2: {  	[sflag:s24] =	ssyncadd.s32 $0xFFFFC000  }
0x1a3: {  	[spmem:s2] =	stream.indirect.scatter.add.f32 [tilespmem:s20], [sflag:$0x7], $0x80, s12, s18, $0xb8;
	[tilespmem:$0x1E780] =	vst v63  }
0x1a4: {  	_ =	swait.ge [sflag:s1], $0x4000  }
0x1a5: {  	[sflag:s1] =	ssyncset.done $0x0  }
0x1a6: {  	[sflag:s1] =	ssyncadd.s32 $0xFFFFC000  }
0x1a7: {  	v2 =	vld [tilespmem:$0x13E80];
	_ =	sdelay $0x7  }
0x1a8: {  	[tilespmem:v2+s0+$0x0] =	vst.idx.add.f32.msk $0xffff, v1  }
0x1a9: {  	v2 =	vld [tilespmem:$0x13E90];
	_ =	sdelay $0x7  }
0x1aa: {  	[tilespmem:v2+s0+$0x0] =	vst.idx.add.f32.msk $0xffff, v1  }
0x1ab: {  	v2 =	vld [tilespmem:$0x13EA0];
	_ =	sdelay $0x7  }
0x1ac: {  	[tilespmem:v2+s0+$0x0] =	vst.idx.add.f32.msk $0xffff, v1  }
0x1ad: {  	v2 =	vld [tilespmem:$0x13EB0];
	_ =	sdelay $0x7  }
0x1ae: {  	[tilespmem:v2+s0+$0x0] =	vst.idx.add.f32.msk $0xffff, v1  }
0x1af: {  	v2 =	vld [tilespmem:$0x13EC0];
	_ =	sdelay $0x7  }
0x1b0: {  	[tilespmem:v2+s0+$0x0] =	vst.idx.add.f32.msk $0xffff, v1  }
0x1b1: {  	v2 =	vld [tilespmem:$0x13ED0];
	_ =	sdelay $0x7  }
0x1b2: {  	[tilespmem:v2+s0+$0x0] =	vst.idx.add.f32.msk $0xffff, v1  }
0x1b3: {  	v2 =	vld [tilespmem:$0x13EE0];
	_ =	sdelay $0x7  }
0x1b4: {  	[tilespmem:v2+s0+$0x0] =	vst.idx.add.f32.msk $0xffff, v1  }
0x1b5: {  	v2 =	vld [tilespmem:$0x13EF0];
	_ =	sdelay $0x7  }
0x1b6: {  	[tilespmem:v2+s0+$0x0] =	vst.idx.add.f32.msk $0xffff, v1  }
0x1b7: {  	_ =	swait.ge [sflag:s22], $0x4000  }
0x1b8: {  	[sflag:s22] =	ssyncset.done $0x0  }
0x1b9: {  	[sflag:s22] =	ssyncadd.s32 $0xFFFFC000  }
0x1ba: {  	[spmem:s2] =	stream.indirect.scatter.add.f32 [tilespmem:s3], [sflag:$0x7], $0x80, s14, s18, $0xb8;
	[tilespmem:$0x1E780] =	vst v63  }
0x1bb: {  	_ =	swait.ge [sflag:s1], $0x4000  }
0x1bc: {  	[sflag:s1] =	ssyncset.done $0x0  }
0x1bd: {  	[sflag:s1] =	ssyncadd.s32 $0xFFFFC000  }
0x1be: {  	v2 =	vld [tilespmem:$0x13F00];
	_ =	sdelay $0x7  }
0x1bf: {  	[tilespmem:v2+s0+$0x0] =	vst.idx.add.f32.msk $0xffff, v1  }
0x1c0: {  	v2 =	vld [tilespmem:$0x13F10];
	_ =	sdelay $0x7  }
0x1c1: {  	[tilespmem:v2+s0+$0x0] =	vst.idx.add.f32.msk $0xffff, v1  }
0x1c2: {  	v2 =	vld [tilespmem:$0x13F20];
	_ =	sdelay $0x7  }
0x1c3: {  	[tilespmem:v2+s0+$0x0] =	vst.idx.add.f32.msk $0xffff, v1  }
0x1c4: {  	v2 =	vld [tilespmem:$0x13F30];
	_ =	sdelay $0x7  }
0x1c5: {  	[tilespmem:v2+s0+$0x0] =	vst.idx.add.f32.msk $0xffff, v1  }
0x1c6: {  	v2 =	vld [tilespmem:$0x13F40];
	_ =	sdelay $0x7  }
0x1c7: {  	[tilespmem:v2+s0+$0x0] =	vst.idx.add.f32.msk $0xffff, v1  }
0x1c8: {  	v2 =	vld [tilespmem:$0x13F50];
	_ =	sdelay $0x7  }
0x1c9: {  	[tilespmem:v2+s0+$0x0] =	vst.idx.add.f32.msk $0xffff, v1  }
0x1ca: {  	v2 =	vld [tilespmem:$0x13F60];
	_ =	sdelay $0x7  }
0x1cb: {  	[tilespmem:v2+s0+$0x0] =	vst.idx.add.f32.msk $0xffff, v1  }
0x1cc: {  	v2 =	vld [tilespmem:$0x13F70];
	_ =	sdelay $0x7  }
0x1cd: {  	s28 =	rddreg [dreg:$0x18];
	[tilespmem:v2+s0+$0x0] =	vst.idx.add.f32.msk $0xffff, v1  }
0x1ce: {  	[hbm4b:s28+s4] =	stream.linear.scatter [tilespmem:s0], [sflag:$0x7], $0x2780, $0x38;
	[tilespmem:$0x1E780] =	vst v63  }
0x1cf: {  	_ =	swait.ge [sflag:s1], $0x2780  }
0x1d0: {  	[sflag:s1] =	ssyncset.done $0x0  }
0x1d1: {  	s30 =	stileid.u32;
	[sflag:s1] =	ssyncadd.s32 $0xFFFFD880  }
0x1d2: {  	s26 =	sshll.u32 s30, $0x6;
	[bflag:$0x0] =	sbarrier.arrive $0xFFFF  }
0x1d3: {  	s26 =	sor.u32 $0x1C07, s26;
	s28 =	sshrl.u32 s8, $0x3;
	s30 =	rddreg [dreg:$0x19]  }
0x1d4: {  	[hbm:s30], [sflag:s26] =	dma.local [spmem:s28], $0x2780  }
0x1d5: {  	_ =	swait.ge [sflag:s1], $0x2780  }
0x1d6: {  	s25 =	sadd.s32 $0x1, s25;
	s31 =	rddreg [dreg:$0x1a]  }
0x1d7: {  	p0 =	sne.s32 s25, s31  }
.Ltmp2:
0x1d8: {  	_ = 	snop;
	(pc) =	sbr.rel @p0 .LBB2_1-.Ltmp2, $3  }
0x1d9: {  	_ =	sdelay $0x1  }
0x1da: {  	[sflag:s1] =	ssyncset.done $0x0  }
0x1db: {  	[sflag:s1] =	ssyncadd.s32 $0xFFFFD880  }
0x1dc: {  	_ =	sfence.sel $0x180000  }
0x1dd: {  	[bflag:$0x0] =	sbarrier.arrive $0xFFFF  }
0x1de: {  	_ =	strace $0x90000047  }
0x1df: {  	s0 =	stileid.u32;
	[bflag:$0x2] =	sbarrier.arrive $0xFFFF  }
0x1e0: {  	p0 =	sne.s32 s0, $0x0;
	s0 =	rddreg [dreg:$0x3]  }
0x1e1: {  	s0 =	sadd.s32 @!p0 $0x100000, s0  }
0x1e2: {  	[sflag:s0] =	ssyncadd.tile.s32 @!p0 $0x1;
	_ =	shalt  }
.Lfunc_end2:
_tile_overlayer_lowered:
.L_overlay_start_2:
0x1e3: {  	(tag) =	ssettag $0x2  }
0x1e4: {  	s0 =	rddreg [dreg:$0x0];
	s2 =	stileid.u32  }
0x1e5: {  	s1 =	rddreg [dreg:$0x1];
	p0 =	sne.s32 s2, $0x0  }
0x1e6: {  	s3 =	rddreg [dreg:$0x2];
	[bflag:$0x3] =	sbarrier.arrive $0xFFFF;
	s2 =	simm.s32 @!p0 $0x1C07  }
0x1e7: {  	[timem:s3], [sflag:s2] =	dma.local @!p0 [hbm:s0], s1  }
0x1e8: {  	s0 =	simm.s32 @!p0 $0x7  }
0x1e9: {  	_ =	swait.ge @!p0 [sflag:s0], s1  }
0x1ea: {  	s1 =	ssub.s32 @!p0 $0x0, s1;
	[sflag:s0] =	ssyncset.done @!p0 $0x0  }
0x1eb: {  	[sflag:s0] =	ssyncadd.s32 @!p0 s1  }
0x1ec: {  	[bflag:$0x3] =	sbarrier.arrive $0xFFFF  }
0x1ed: {  	_ =	shalt  }

// kernel: kernel.8.cloned.1.call-start
scs
__scs_entry_jumppad:
0x0: {  	(pc) =	sbr.rel $0x88, $3  }
0x1: {  	(tag) =	ssettag $0x0;
	lr =	simm.s32 $0x1  }
0x2: {  	[smem:$0x3F9A] =	sst lr;
	_ =	strace $0xD0000000  }
0x3: {  	_ = 	snop  }
0x4: {  	_ = 	snop  }
0x5: {  	_ = 	snop  }
0x6: {  	_ = 	snop  }
0x7: {  	_ = 	snop  }
__scs_overlays_trampoline_lowered:
0x8: {  	[smem:$0x3FA9] =	sst s0  }
0x9: {  	[smem:$0x3FAA] =	sst s1  }
0xa: {  	[smem:$0x3FAB] =	sst s2  }
0xb: {  	[smem:$0x3FAC] =	sst s3  }
0xc: {  	[smem:$0x3FAD] =	sst s4  }
0xd: {  	[smem:$0x3FAE] =	sst s5  }
0xe: {  	[smem:$0x3FAF] =	sst s6  }
0xf: {  	[smem:$0x3FB0] =	sst s7  }
0x10: {  	[smem:$0x3FB1] =	sst s8  }
0x11: {  	[smem:$0x3FB2] =	sst s9;
	s0 =	simm.s32 @!p0 $0x0  }
0x12: {  	s1 =	sld [smem:$0x3F98];
	s0 =	simm.s32 @p0 $0x1  }
0x13: {  	[smem:$0x3FB3] =	sst s0;
	s0 =	simm.s32 @!p1 $0x0  }
0x14: {  	s2 =	sld [smem:$0x3F97];
	s0 =	simm.s32 @p1 $0x1  }
0x15: {  	[smem:$0x3FB4] =	sst s0;
	s0 =	simm.s32 @!p2 $0x0  }
0x16: {  	s3 =	sld [smem:$0x3FDB];
	s0 =	simm.s32 @p2 $0x1  }
0x17: {  	s4 =	simm.s32 $0x1BF5;
	[smem:$0x3FB6] =	sst s0  }
0x18: {  	s0 =	sld [smem:$0x3F99];
	_ =	swait.ge [sflag:s4], $0x0  }
0x19: {  	s7 =	sld [smem:$0x3F9A]  }
0x1a: {  	s8 =	sadd.s32 $0xFFFFE003, lr  }
0x1b: {  	s9 =	sadd.s32 $0xFFFFFEF7, lr;
	s5 =	simm.s32 $0xFFFFFFFF;
	p2 =	slt.u32 s8, $0xFFFFF086  }
0x1c: {  	p1 =	slt.u32 s9, $0xF7A;
	s5 =	simm.s32 @!p2 $0x0  }
0x1d: {  	s5 =	simm.s32 @p1 $0x1;
	p0 =	seq.s32 s7, s2  }
0x1e: {  	s7 =	smul.u32 @!p0 $0xF7A, s2;
	p2 =	seq.s32 @!p0 s5, $0x0  }
0x1f: {  	s9 =	smul.u32 $0xF7A, s1;
	s8 =	simm.s32 @!p0 $0x1BF5;
	p2 =	por !p2, p0  }
0x20: {  	[sflag:s8] =	ssyncset.s32 @!p0 $0xFFFFF086;
	s6 =	sadd.s32 @!p0 s3, s7;
	s7 =	simm.s32 @!p0 $0x108  }
0x21: {  	s3 =	sadd.s32 s3, s9;
	s6 =	sadd.s32 @!p0 $0x88, s6;
	s7 =	simm.s32 @p2 $0x1082  }
0x22: {  	[simem:s7], [sflag:s8] =	dma.local @!p0 [hbm:s6], $0xF7A  }
0x23: {  	s9 =	sor.u32 $0xD0000000, s2;
	s6 =	simm.s32 $0x108;
	_ =	swait.ge @!p0 [sflag:s8], $0x0  }
0x24: {  	s3 =	sadd.s32 $0x88, s3;
	s6 =	simm.s32 @!p1 $0x1082;
	[sflag:s4] =	ssyncset.s32 $0xFFFFF086  }
0x25: {  	[simem:s6], [sflag:s4] =	dma.local [hbm:s3], $0xF7A  }
0x26: {  	[smem:$0x3F9A] =	sst s1;
	(tag) =	ssettag s2;
	_ =	strace s9  }
0x27: {  	s1 =	sld [smem:$0x3FAA]  }
0x28: {  	s2 =	sld [smem:$0x3FAB]  }
0x29: {  	s4 =	sld [smem:$0x3FAD]  }
0x2a: {  	p0 =	seq.s32 s5, $0x0;
	s5 =	sld [smem:$0x3FAE]  }
0x2b: {  	s6 =	sld [smem:$0x3FAF]  }
0x2c: {  	s7 =	sld [smem:$0x3FB0]  }
0x2d: {  	s3 =	simm.s32 $0x108;
	s8 =	sld [smem:$0x3FB1]  }
0x2e: {  	s3 =	simm.s32 @!p0 $0x1082;
	s9 =	sld [smem:$0x3FB2]  }
0x2f: {  	lr =	sadd.s32 s0, s3;
	s0 =	sld [smem:$0x3FA9]  }
0x30: {  	s3 =	sld [smem:$0x3FAC]  }
0x31: {  	[smem:$0x3FB5] =	sst s10  }
0x32: {  	s10 =	sld [smem:$0x3FB3];
	_ =	sdelay $0x3  }
0x33: {  	p0 =	seq.s32 s10, $0x1;
	s10 =	sld [smem:$0x3FB5];
	_ =	sdelay $0x3  }
0x34: {  	[smem:$0x3FB5] =	sst s10  }
0x35: {  	s10 =	sld [smem:$0x3FB4];
	_ =	sdelay $0x3  }
0x36: {  	p1 =	seq.s32 s10, $0x1;
	s10 =	sld [smem:$0x3FB5];
	_ =	sdelay $0x3  }
0x37: {  	[smem:$0x3FB5] =	sst s10  }
0x38: {  	s10 =	sld [smem:$0x3FB6]  }
0x39: {  	_ = 	snop;
	(pc) =	sbr.ind lr, $3  }
0x3a: {  	_ = 	snop  }
0x3b: {  	_ = 	snop  }
0x3c: {  	p2 =	seq.s32 s10, $0x1;
	s10 =	sld [smem:$0x3FB5]  }
0x3d: {  	_ =	shalt  }
0x3e: {  	_ =	shalt  }
0x3f: {  	_ =	shalt  }
0x40: {  	_ =	shalt  }
0x41: {  	_ =	shalt  }
0x42: {  	_ =	shalt  }
0x43: {  	_ =	shalt  }
0x44: {  	_ =	shalt  }
0x45: {  	_ =	shalt  }
0x46: {  	_ =	shalt  }
0x47: {  	_ =	shalt  }
0x48: {  	_ =	shalt  }
0x49: {  	_ =	shalt  }
0x4a: {  	_ =	shalt  }
0x4b: {  	_ =	shalt  }
0x4c: {  	_ =	shalt  }
0x4d: {  	_ =	shalt  }
0x4e: {  	_ =	shalt  }
0x4f: {  	_ =	shalt  }
0x50: {  	_ =	shalt  }
0x51: {  	_ =	shalt  }
0x52: {  	_ =	shalt  }
0x53: {  	_ =	shalt  }
0x54: {  	_ =	shalt  }
0x55: {  	_ =	shalt  }
0x56: {  	_ =	shalt  }
0x57: {  	_ =	shalt  }
0x58: {  	_ =	shalt  }
0x59: {  	_ =	shalt  }
0x5a: {  	_ =	shalt  }
0x5b: {  	_ =	shalt  }
0x5c: {  	_ =	shalt  }
0x5d: {  	_ =	shalt  }
0x5e: {  	_ =	shalt  }
0x5f: {  	_ =	shalt  }
0x60: {  	_ =	shalt  }
0x61: {  	_ =	shalt  }
0x62: {  	_ =	shalt  }
0x63: {  	_ =	shalt  }
0x64: {  	_ =	shalt  }
0x65: {  	_ =	shalt  }
0x66: {  	_ =	shalt  }
0x67: {  	_ =	shalt  }
0x68: {  	_ =	shalt  }
0x69: {  	_ =	shalt  }
0x6a: {  	_ =	shalt  }
0x6b: {  	_ =	shalt  }
0x6c: {  	_ =	shalt  }
0x6d: {  	_ =	shalt  }
0x6e: {  	_ =	shalt  }
0x6f: {  	_ =	shalt  }
0x70: {  	_ =	shalt  }
0x71: {  	_ =	shalt  }
0x72: {  	_ =	shalt  }
0x73: {  	_ =	shalt  }
0x74: {  	_ =	shalt  }
0x75: {  	_ =	shalt  }
0x76: {  	_ =	shalt  }
0x77: {  	_ =	shalt  }
0x78: {  	_ =	shalt  }
0x79: {  	_ =	shalt  }
0x7a: {  	_ =	shalt  }
0x7b: {  	_ =	shalt  }
0x7c: {  	_ =	shalt  }
0x7d: {  	_ =	shalt  }
0x7e: {  	_ =	shalt  }
0x7f: {  	_ =	shalt  }
0x80: {  	_ =	shalt  }
0x81: {  	_ =	shalt  }
0x82: {  	_ =	shalt  }
0x83: {  	_ =	shalt  }
0x84: {  	_ =	shalt  }
0x85: {  	_ =	shalt  }
0x86: {  	_ =	shalt  }
0x87: {  	_ =	shalt  }
.Lfunc_end0:
.L_simem_size_0:
called_computation.1_lowered:
.L_overlay_start_0:
0x88: {  	s2 =	sld [smem:$0x3FD9]  }
0x89: {  	s3 =	sld [smem:$0x3FFE];
	_ =	sdelay $0x1  }
0x8a: {  	s1 =	srdreg.scid  }
0x8b: {  	s0 =	sand.u32 $0x1, s1  }
0x8c: {  	s17 =	sshll.u32 s0, $0xA;
	s2 =	sadd.s32 s3, s2  }
0x8d: {  	s2 =	sadd.s32 s2, s17  }
0x8e: {  	[smem:$0x3FC1] =	sst s2  }
0x8f: {  	_ = 	snop  }
0x90: {  	s2 =	sld [smem:$0x3FD0];
	(tm) =	ssettm $0x1  }
0x91: {  	s18 =	sld [smem:$0x3FFB];
	_ =	sdelay $0x3  }
0x92: {  	_ =	strace s18  }
0x93: {  	s3 =	sld [smem:$0x3FFC];
	_ =	sdelay $0x3  }
0x94: {  	_ =	strace s3  }
0x95: {  	s3 =	sld [smem:$0x3FFD];
	_ =	sdelay $0x3  }
0x96: {  	_ =	strace s3  }
0x97: {  	_ =	strace $0x8FFFFFFF  }
0x98: {  	s19 =	sld [smem:$0x3FDB];
	_ =	sdelay $0x1  }
0x99: {  	s4 =	simm.s32 $_scs_section_size  }
0x9a: {  	s5 =	simm.s32 $_size__tile_overlayer_lowered;
	s6 =	simm.s32 $_tile_overlayer_lowered  }
0x9b: {  	s22 =	simm.s32 $0x1BFF;
	s21 =	sshll.u32 s6, $0x1;
	s3 =	sadd.s32 s4, s19  }
0x9c: {  	s7 =	simm.s32 $0x0;
	s20 =	sshll.u32 s5, $0x1;
	s5 =	sadd.s32 s21, s3  }
0x9d: {  	[timem:s7], [sflag:s22] =	dma.local [hbm:s5], s20  }
0x9e: {  	_ =	swait.ge [sflag:s22], s20  }
0x9f: {  	s4 =	ssub.s32 $0x0, s20;
	[sflag:s22] =	ssyncset.done $0x0  }
0xa0: {  	[sflag:s22] =	ssyncadd.s32 s4;
	_ =	sdelay $0x1  }
0xa1: {  	s23 =	simm.s32 $0x1B8B  }
0xa2: {  	_ =	swait.ge [sflag:s23], $0x1  }
0xa3: {  	[sflag:s23] =	ssyncset.done $0x0  }
0xa4: {  	s25 =	simm.s32 $0x1B8E;
	s24 =	sld [smem:$0x3FFE];
	[sflag:s23] =	ssyncadd.s32 $0xFFFFFFFF  }
0xa5: {  	s26 =	simm.s32 $execute0_lowered;
	[smem:$0x3FD2] =	sst s25  }
0xa6: {  	s5 =	sshll.u32 s26, $0x1;
	_ =	strace $0x80000049;
	[dreg:$0x1] =	wrdreg $0xFFFFFFFF  }
0xa7: {  	s28 =	simm.s32 $_size_execute0_lowered;
	s3 =	sadd.s32 s3, s5;
	[dreg:$0x0] =	wrdreg $0x0  }
0xa8: {  	s5 =	sshll.u32 s28, $0x1;
	[dreg:$0x2] =	wrdreg s3  }
0xa9: {  	[dreg:$0x3] =	wrdreg s5  }
0xaa: {  	[dreg:$0x4] =	wrdreg $0xC0  }
0xab: {  	_ =	task [dreg:s7], $0x5FFFF  }
0xac: {  	[dreg:$0x1] =	wrdreg $0xFFFFFFFF  }
0xad: {  	[dreg:$0x0] =	wrdreg $0x60  }
0xae: {  	[dreg:$0x2] =	wrdreg s2  }
0xaf: {  	[dreg:$0x3] =	wrdreg s24  }
0xb0: {  	[dreg:$0x4] =	wrdreg $0x9  }
0xb1: {  	_ =	task.clear_ibuf [dreg:s7], $0x5FFFF;
	_ =	strace $0x90000049  }
0xb2: {  	s29 =	simm.s32 $0x9;
	_ =	strace $0x8000004B  }
0xb3: {  	_ =	swait.ge [sflag:s29], $0x1  }
0xb4: {  	[sflag:s29] =	ssyncadd.s32 $0xFFFFFFFF  }
0xb5: {  	_ =	strace $0x9000004B  }
0xb6: {  	_ =	sfence  }
0xb7: {  	s30 =	sld [smem:$0x0];
	_ =	sdelay $0x2  }
0xb8: {  	s31 =	sshll.u32 s1, $0xD;
	s1 =	sshrl.u32 s1, $0x2  }
0xb9: {  	s3 =	sand.u32 $0x4000, s31;
	s1 =	sadd.s32 s1, s30  }
0xba: {  	s0 =	sor.u32 s3, s0;
	s1 =	sshll.u32 s1, $0x11  }
0xbb: {  	s0 =	sor.u32 s1, s0  }
0xbc: {  	s0 =	sadd.s32 $0x8F2B, s0  }
0xbd: {  	[sflag:s0] =	ssyncadd.remote.s32 $0x1  }
0xbe: {  	_ =	sfence.sel $0xFFFF  }
0xbf: {  	[dreg:$0x0] =	wrdreg $0xFFFFFFFF;
	(pc) =	sbr.abs _section_cstart, $3  }
0xc0: {  	[dreg:$0x1] =	wrdreg $0xFFFFFFFF  }
0xc1: {  	_ =	task.clear_ibuf [dreg:s7], $0x2FFFF;
	_ =	strace $0x9FFFFFFF  }
0xc2: {  	(tm) =	ssettm $0x7FFFFFFF  }
0xc3: {  	_ =	shalt  }
tec
execute0_lowered:
.L_overlay_start_1:
0x0: {  	(tag) =	ssettag $0x1  }
0x1: {  	s1 =	srdreg.scid  }
0x2: {  	s0 =	stileid.u32;
	s2 =	rddreg [dreg:$0x0]  }
0x3: {  	s5 =	rddreg [dreg:$0x1];
	s3 =	simm.s32 $0x0;
	s10 =	simm.s32 $0x2780  }
0x4: {  	s11 =	simm.s32 $0x4F00;
	s4 =	sand.u32 $0x1, s1;
	s30 =	sshll.u32 s0, $0x1  }
0x5: {  	s12 =	simm.s32 $0x7700;
	s13 =	simm.s32 $0x9F00;
	s6 =	sor.u32 s4, s30  }
0x6: {  	s14 =	simm.s32 $0x0;
	[smem:$0x7FF] =	sst s3;
	s6 =	smul.u32 $0x500, s6  }
0x7: {  	s1 =	rddreg [dreg:$0x2];
	s7 =	ssub.s32 $0x2, s4;
	_ =	strace $0x8000004A  }
0x8: {  	s4 =	sadd.s32 $0xAA00, s5;
	s31 =	sshrl.u32 s7, $0x1;
	s8 =	sadd.s32 s6, s5  }
0x9: {  	s9 =	ssub.s32 s7, s31;
	s5 =	sadd.s32 $0x94E00, s8;
	s6 =	sadd.s32 $0x9EE00, s8  }
0xa: {  	s7 =	sadd.s32 $0xB000, s8;
	s8 =	smax.u32 s9, $0x1;
	s9 =	simm.s32 $0x1  }
.LBB2_1:
0xb: {  	[tilespmem:s3], [sflag:$0x1] =	stream.linear.gather [hbm4b:s2+s3], $0x2780, $0x38;
	[tilespmem:$0xC700] =	vst v63  }
0xc: {  	_ =	swait.ge [sflag:s9], $0x2780  }
0xd: {  	[sflag:s9] =	ssyncset.done $0x0  }
0xe: {  	[sflag:s9] =	ssyncadd.s32 $0xFFFFD880  }
0xf: {  	[tilespmem:s10], [sflag:$0x1] =	stream.linear.gather [hbm4b:s4+s3], $0x2780, $0x38;
	[tilespmem:$0xC700] =	vst v63  }
0x10: {  	_ =	swait.ge [sflag:s9], $0x2780  }
0x11: {  	[sflag:s9] =	ssyncset.done $0x0  }
0x12: {  	[sflag:s9] =	ssyncadd.s32 $0xFFFFD880  }
0x13: {  	[tilespmem:s11], [sflag:$0x1] =	stream.linear.gather [hbm4b:s5+s3], $0x2780, $0x38;
	[tilespmem:$0xC700] =	vst v63  }
0x14: {  	_ =	swait.ge [sflag:s9], $0x2780  }
0x15: {  	[sflag:s9] =	ssyncset.done $0x0  }
0x16: {  	[sflag:s9] =	ssyncadd.s32 $0xFFFFD880  }
0x17: {  	[tilespmem:s12], [sflag:$0x1] =	stream.linear.gather [hbm4b:s6+s3], $0x2780, $0x38;
	[tilespmem:$0xC700] =	vst v63  }
0x18: {  	_ =	swait.ge [sflag:s9], $0x2780  }
0x19: {  	[sflag:s9] =	ssyncset.done $0x0  }
0x1a: {  	s15 =	simm.s32 $0x0;
	[sflag:s9] =	ssyncadd.s32 $0xFFFFD880  }
.LBB2_2:
0x1b: {  	s16 =	sshra.s32 s15, $0x2  }
0x1c: {  	v0 =	vld [tilespmem:s16+$0x4F00]  }
0x1d: {  	v1 =	vld [tilespmem:s16+$0x7700];
	_ =	sdelay $0x6  }
0x1e: {  	v0 =	vld.idx.msk [tilespmem:v0+s3+$0x0], $0xffff  }
0x1f: {  	v1 =	vld.idx.msk [tilespmem:v1+s10+$0x0], $0xffff;
	_ =	sdelay $0x4  }
0x20: {  	v0 =	vadd.f32 v1, v0;
	_ =	sdelay $0x1  }
0x21: {  	v0 =	vsub.f32 $0.0e+00, v0;
	_ =	sdelay $0x1  }
0x22: {  	v0 =	vmul.f32 $1.442695020e+00, v0;
	_ =	sdelay $0x1  }
0x23: {  	(erf) = vpow2.f32 v0;
	_ =	sdelay $0x8  }
0x24: {  	v0 =	vpop (erf)  }
0x25: {  	v0 =	vadd.f32 $1.000000000e+00, v0;
	_ =	sdelay $0x1  }
0x26: {  	(erf) = vrcp.f32 v0;
	_ =	sdelay $0x2  }
0x27: {  	v44 =	vld [tilespmem:s16+$0x4F10]  }
0x28: {  	v45 =	vld [tilespmem:s16+$0x7710];
	_ =	sdelay $0x4  }
0x29: {  	v2 =	vpop (erf)  }
0x2a: {  	[tilespmem:s16+$0x9F00] =	vst v2  }
0x2b: {  	v0 =	vld.idx.msk [tilespmem:v44+s3+$0x0], $0xffff  }
0x2c: {  	v1 =	vld.idx.msk [tilespmem:v45+s10+$0x0], $0xffff;
	_ =	sdelay $0x4  }
0x2d: {  	v0 =	vadd.f32 v1, v0;
	_ =	sdelay $0x1  }
0x2e: {  	v0 =	vsub.f32 $0.0e+00, v0;
	_ =	sdelay $0x1  }
0x2f: {  	v0 =	vmul.f32 $1.442695020e+00, v0;
	_ =	sdelay $0x1  }
0x30: {  	(erf) = vpow2.f32 v0;
	_ =	sdelay $0x8  }
0x31: {  	v0 =	vpop (erf)  }
0x32: {  	v0 =	vadd.f32 $1.000000000e+00, v0;
	_ =	sdelay $0x1  }
0x33: {  	(erf) = vrcp.f32 v0;
	_ =	sdelay $0x2  }
0x34: {  	v46 =	vld [tilespmem:s16+$0x4F20]  }
0x35: {  	v47 =	vld [tilespmem:s16+$0x7720];
	_ =	sdelay $0x4  }
0x36: {  	v48 =	vpop (erf)  }
0x37: {  	[tilespmem:s16+$0x9F10] =	vst v48  }
0x38: {  	v0 =	vld.idx.msk [tilespmem:v46+s3+$0x0], $0xffff  }
0x39: {  	v1 =	vld.idx.msk [tilespmem:v47+s10+$0x0], $0xffff;
	_ =	sdelay $0x4  }
0x3a: {  	v0 =	vadd.f32 v1, v0;
	_ =	sdelay $0x1  }
0x3b: {  	v0 =	vsub.f32 $0.0e+00, v0;
	_ =	sdelay $0x1  }
0x3c: {  	v0 =	vmul.f32 $1.442695020e+00, v0;
	_ =	sdelay $0x1  }
0x3d: {  	(erf) = vpow2.f32 v0;
	_ =	sdelay $0x8  }
0x3e: {  	v0 =	vpop (erf)  }
0x3f: {  	v0 =	vadd.f32 $1.000000000e+00, v0;
	_ =	sdelay $0x1  }
0x40: {  	(erf) = vrcp.f32 v0;
	_ =	sdelay $0x2  }
0x41: {  	v49 =	vld [tilespmem:s16+$0x4F30]  }
0x42: {  	v50 =	vld [tilespmem:s16+$0x7730];
	_ =	sdelay $0x4  }
0x43: {  	v51 =	vpop (erf)  }
0x44: {  	[tilespmem:s16+$0x9F20] =	vst v51  }
0x45: {  	v0 =	vld.idx.msk [tilespmem:v49+s3+$0x0], $0xffff  }
0x46: {  	v1 =	vld.idx.msk [tilespmem:v50+s10+$0x0], $0xffff;
	_ =	sdelay $0x4  }
0x47: {  	v0 =	vadd.f32 v1, v0;
	_ =	sdelay $0x1  }
0x48: {  	v0 =	vsub.f32 $0.0e+00, v0;
	_ =	sdelay $0x1  }
0x49: {  	v0 =	vmul.f32 $1.442695020e+00, v0;
	_ =	sdelay $0x1  }
0x4a: {  	(erf) = vpow2.f32 v0;
	_ =	sdelay $0x8  }
0x4b: {  	v0 =	vpop (erf)  }
0x4c: {  	v0 =	vadd.f32 $1.000000000e+00, v0;
	_ =	sdelay $0x1  }
0x4d: {  	(erf) = vrcp.f32 v0;
	_ =	sdelay $0x2  }
0x4e: {  	v52 =	vld [tilespmem:s16+$0x4F40]  }
0x4f: {  	v53 =	vld [tilespmem:s16+$0x7740];
	_ =	sdelay $0x4  }
0x50: {  	v54 =	vpop (erf)  }
0x51: {  	[tilespmem:s16+$0x9F30] =	vst v54  }
0x52: {  	v0 =	vld.idx.msk [tilespmem:v52+s3+$0x0], $0xffff  }
0x53: {  	v1 =	vld.idx.msk [tilespmem:v53+s10+$0x0], $0xffff;
	_ =	sdelay $0x4  }
0x54: {  	v0 =	vadd.f32 v1, v0;
	_ =	sdelay $0x1  }
0x55: {  	v0 =	vsub.f32 $0.0e+00, v0;
	_ =	sdelay $0x1  }
0x56: {  	v0 =	vmul.f32 $1.442695020e+00, v0;
	_ =	sdelay $0x1  }
0x57: {  	(erf) = vpow2.f32 v0;
	_ =	sdelay $0x8  }
0x58: {  	v0 =	vpop (erf)  }
0x59: {  	v0 =	vadd.f32 $1.000000000e+00, v0;
	_ =	sdelay $0x1  }
0x5a: {  	(erf) = vrcp.f32 v0;
	_ =	sdelay $0x2  }
0x5b: {  	v55 =	vld [tilespmem:s16+$0x4F50]  }
0x5c: {  	v56 =	vld [tilespmem:s16+$0x7750];
	_ =	sdelay $0x4  }
0x5d: {  	v57 =	vpop (erf)  }
0x5e: {  	[tilespmem:s16+$0x9F40] =	vst v57  }
0x5f: {  	v0 =	vld.idx.msk [tilespmem:v55+s3+$0x0], $0xffff  }
0x60: {  	v1 =	vld.idx.msk [tilespmem:v56+s10+$0x0], $0xffff;
	_ =	sdelay $0x4  }
0x61: {  	v0 =	vadd.f32 v1, v0;
	_ =	sdelay $0x1  }
0x62: {  	v0 =	vsub.f32 $0.0e+00, v0;
	_ =	sdelay $0x1  }
0x63: {  	v0 =	vmul.f32 $1.442695020e+00, v0;
	_ =	sdelay $0x1  }
0x64: {  	(erf) = vpow2.f32 v0;
	_ =	sdelay $0x8  }
0x65: {  	v0 =	vpop (erf)  }
0x66: {  	v0 =	vadd.f32 $1.000000000e+00, v0;
	_ =	sdelay $0x1  }
0x67: {  	(erf) = vrcp.f32 v0;
	_ =	sdelay $0x2  }
0x68: {  	v58 =	vld [tilespmem:s16+$0x4F60]  }
0x69: {  	v59 =	vld [tilespmem:s16+$0x7760];
	_ =	sdelay $0x4  }
0x6a: {  	v60 =	vpop (erf)  }
0x6b: {  	[tilespmem:s16+$0x9F50] =	vst v60  }
0x6c: {  	v0 =	vld.idx.msk [tilespmem:v58+s3+$0x0], $0xffff  }
0x6d: {  	v1 =	vld.idx.msk [tilespmem:v59+s10+$0x0], $0xffff;
	_ =	sdelay $0x4  }
0x6e: {  	v0 =	vadd.f32 v1, v0;
	_ =	sdelay $0x1  }
0x6f: {  	v0 =	vsub.f32 $0.0e+00, v0;
	_ =	sdelay $0x1  }
0x70: {  	v0 =	vmul.f32 $1.442695020e+00, v0;
	_ =	sdelay $0x1  }
0x71: {  	(erf) = vpow2.f32 v0;
	_ =	sdelay $0x8  }
0x72: {  	v0 =	vpop (erf)  }
0x73: {  	v0 =	vadd.f32 $1.000000000e+00, v0;
	_ =	sdelay $0x1  }
0x74: {  	(erf) = vrcp.f32 v0;
	_ =	sdelay $0x2  }
0x75: {  	v61 =	vld [tilespmem:s16+$0x4F70]  }
0x76: {  	v62 =	vld [tilespmem:s16+$0x7770];
	_ =	sdelay $0x4  }
0x77: {  	v63 =	vpop (erf)  }
0x78: {  	[tilespmem:s16+$0x9F60] =	vst v63  }
0x79: {  	v0 =	vld.idx.msk [tilespmem:v61+s3+$0x0], $0xffff  }
0x7a: {  	v1 =	vld.idx.msk [tilespmem:v62+s10+$0x0], $0xffff;
	_ =	sdelay $0x4  }
0x7b: {  	v0 =	vadd.f32 v1, v0;
	_ =	sdelay $0x1  }
0x7c: {  	v0 =	vsub.f32 $0.0e+00, v0;
	_ =	sdelay $0x1  }
0x7d: {  	v0 =	vmul.f32 $1.442695020e+00, v0;
	_ =	sdelay $0x1  }
0x7e: {  	(erf) = vpow2.f32 v0;
	_ =	sdelay $0x8  }
0x7f: {  	v0 =	vpop (erf)  }
0x80: {  	v0 =	vadd.f32 $1.000000000e+00, v0;
	_ =	sdelay $0x1  }
0x81: {  	(erf) = vrcp.f32 v0;
	_ =	sdelay $0x4  }
0x82: {  	p0 =	sne.s32 s15, $0x9C00  }
.Ltmp0:
0x83: {  	_ = 	snop;
	(pc) =	sbr.rel @p0 .LBB2_2-.Ltmp0, $3  }
0x84: {  	_ =	sdelay $0x1  }
0x85: {  	v0 =	vpop (erf)  }
0x86: {  	s15 =	sadd.s32 $0x200, s15;
	[tilespmem:s16+$0x9F70] =	vst v0  }
0x87: {  	s14 =	sadd.s32 $0x1, s14  }
0x88: {  	p0 =	sne.s32 s14, s8  }
.Ltmp1:
0x89: {  	_ = 	snop;
	(pc) =	sbr.rel @p0 .LBB2_1-.Ltmp1, $4  }
0x8a: {  	[hbm4b:s7+s3] =	stream.linear.scatter [tilespmem:s13], [sflag:$0x1], $0x2780, $0x38;
	[tilespmem:$0xC700] =	vst v63  }
0x8b: {  	_ =	swait.ge [sflag:s9], $0x2780  }
0x8c: {  	[sflag:s9] =	ssyncset.done $0x0  }
0x8d: {  	[sflag:s9] =	ssyncadd.s32 $0xFFFFD880  }
0x8e: {  	_ =	sfence.sel $0x180000  }
0x8f: {  	[bflag:$0x0] =	sbarrier.arrive $0xFFFF  }
0x90: {  	p0 =	sne.s32 s0, $0x0;
	_ =	strace $0x9000004A  }
0x91: {  	s0 =	sadd.s32 @!p0 $0x100000, s1;
	[bflag:$0x2] =	sbarrier.arrive $0xFFFF  }
0x92: {  	[sflag:s0] =	ssyncadd.tile.s32 @!p0 $0x1;
	_ =	shalt  }
.Lfunc_end2:
_tile_overlayer_lowered:
.L_overlay_start_2:
0x93: {  	(tag) =	ssettag $0x2  }
0x94: {  	s0 =	rddreg [dreg:$0x0];
	s2 =	stileid.u32  }
0x95: {  	s1 =	rddreg [dreg:$0x1];
	p0 =	sne.s32 s2, $0x0  }
0x96: {  	s3 =	rddreg [dreg:$0x2];
	[bflag:$0x3] =	sbarrier.arrive $0xFFFF;
	s2 =	simm.s32 @!p0 $0x1C01  }
0x97: {  	[timem:s3], [sflag:s2] =	dma.local @!p0 [hbm:s0], s1  }
0x98: {  	s0 =	simm.s32 @!p0 $0x1  }
0x99: {  	_ =	swait.ge @!p0 [sflag:s0], s1  }
0x9a: {  	s1 =	ssub.s32 @!p0 $0x0, s1;
	[sflag:s0] =	ssyncset.done @!p0 $0x0  }
0x9b: {  	[sflag:s0] =	ssyncadd.s32 @!p0 s1  }
0x9c: {  	[bflag:$0x3] =	sbarrier.arrive $0xFFFF  }
0x9d: {  	_ =	shalt  }

</sc_bundles>
